<compile_context>
chip_gen: v7x
topology: tpu7x:2x2x1
jax: 0.10.2.dev20260603
libtpu: 0.0.44.dev20260713+nightly
codegen_flags: <defaults>
</compile_context>

<pallas_src>
import functools

import jax
import jax.numpy as jnp
from jax import lax
from jax.experimental import pallas as pl
from jax.experimental.pallas import tpu as pltpu
from jax.experimental.pallas import tpu_sc as plsc

_NC = 2
_NS = 16
_CH = 128
_PADROWS = 64
_ROWS = 632


def _mesh():
    return plsc.VectorSubcoreMesh(core_axis_name="c", subcore_axis_name="s")


def _make_deg_kernel(N, N1, NCH):
    @functools.partial(
        pl.kernel,
        out_type=[jax.ShapeDtypeStruct((N1,), jnp.float32) for _ in range(4)],
        mesh=_mesh(),
        scratch_types=[
            pltpu.VMEM((NCH, _CH), jnp.int32),
            pltpu.VMEM((NCH, _CH), jnp.int32),
            pltpu.VMEM((_CH,), jnp.float32),
            pltpu.VMEM_SHARED((N1,), jnp.float32),
            pltpu.VMEM_SHARED((N1,), jnp.float32),
            pltpu.SemaphoreType.DMA,
        ],
    )
    def deg_kernel(src_ui, dst_ui, src_iu, dst_iu, zvec,
                   d_su, d_di, d_si, d_du,
                   sidx, didx, ones, hs, ht, ssem):
        c = lax.axis_index("c")
        s = lax.axis_index("s")

        for j in range(_CH // 16):
            ones[pl.ds(j * 16, 16)] = jnp.ones((16,), jnp.float32)

        @pl.when(s == 0)
        def _():
            pltpu.sync_copy(zvec, hs)

        @pl.when(s == 1)
        def _():
            pltpu.sync_copy(zvec, ht)

        plsc.subcore_barrier()

        def accumulate(src_hbm, dst_hbm):
            pltpu.sync_copy(src_hbm.at[s], sidx)
            pltpu.sync_copy(dst_hbm.at[s], didx)

            pltpu.async_copy(ones, hs.at[sidx.at[0]], ssem, add=True)
            pltpu.async_copy(ones, ht.at[didx.at[0]], ssem, add=True)

            def body(j, _):
                pltpu.async_copy(ones, hs.at[sidx.at[j]], ssem, add=True)
                pltpu.async_copy(ones, ht.at[didx.at[j]], ssem, add=True)
                pltpu.make_async_copy(ones, hs.at[sidx.at[j - 1]], ssem).wait()
                pltpu.make_async_copy(ones, ht.at[didx.at[j - 1]], ssem).wait()
                return 0

            lax.fori_loop(1, NCH, body, 0)
            last = NCH - 1
            pltpu.make_async_copy(ones, hs.at[sidx.at[last]], ssem).wait()
            pltpu.make_async_copy(ones, ht.at[didx.at[last]], ssem).wait()

        @pl.when(c == 0)
        def _():
            accumulate(src_ui, dst_ui)

        @pl.when(c == 1)
        def _():
            accumulate(src_iu, dst_iu)

        plsc.subcore_barrier()

        @pl.when((c == 0) & (s == 0))
        def _():
            pltpu.sync_copy(hs, d_su)

        @pl.when((c == 0) & (s == 1))
        def _():
            pltpu.sync_copy(ht, d_di)

        @pl.when((c == 1) & (s == 0))
        def _():
            pltpu.sync_copy(hs, d_si)

        @pl.when((c == 1) & (s == 1))
        def _():
            pltpu.sync_copy(ht, d_du)

    return deg_kernel


def _make_gsa_kernel(N, N1, D, NCH):
    IB = 40
    assert NCH % IB == 0
    NB = NCH // IB

    @functools.partial(
        pl.kernel,
        out_type=[
            jax.ShapeDtypeStruct((N, D), jnp.float32),
            jax.ShapeDtypeStruct((N, D), jnp.float32),
        ],
        mesh=_mesh(),
        scratch_types=[
            pltpu.VMEM((IB, _CH), jnp.int32),
            pltpu.VMEM((IB, _CH), jnp.int32),
            pltpu.VMEM((2, _CH, D), jnp.float32),
            pltpu.VMEM_SHARED((N1, D), jnp.float32),
            pltpu.SemaphoreType.DMA,
            pltpu.SemaphoreType.DMA,
        ],
    )
    def gsa_kernel(tab_ui, tab_iu, src_ui, dst_ui, src_iu, dst_iu, zblk,
                   acc_item, acc_user,
                   sidx, didx, rows, acc, gsem, ssem):
        c = lax.axis_index("c")
        s = lax.axis_index("s")

        pltpu.sync_copy(zblk, rows.at[0])
        rz = jnp.minimum(s * _ROWS, N1 - _ROWS)
        nzc = (_ROWS + _CH - 1) // _CH
        for t in range(nzc):
            off = pl.multiple_of(
                rz + jnp.minimum(t * _CH, _ROWS - _CH), 8)
            pltpu.sync_copy(rows.at[0], acc.at[pl.ds(off, _CH)])
        plsc.subcore_barrier()

        def relation(tab, src_hbm, dst_hbm):
            def outer(o, _):
                ob = pl.multiple_of(o * IB, 8)
                pltpu.sync_copy(src_hbm.at[s, pl.ds(ob, IB)], sidx)
                pltpu.sync_copy(dst_hbm.at[s, pl.ds(ob, IB)], didx)
                H = _CH // 2

                def issue_g(j, b):
                    pltpu.async_copy(tab.at[sidx.at[j, pl.ds(0, H)]],
                                     rows.at[b, pl.ds(0, H)], gsem)
                    pltpu.async_copy(tab.at[sidx.at[j, pl.ds(H, H)]],
                                     rows.at[b, pl.ds(H, H)], gsem)

                def wait_g(b):
                    for _ in range(2):
                        pltpu.make_async_copy(tab.at[sidx.at[0, pl.ds(0, H)]],
                                              rows.at[b, pl.ds(0, H)],
                                              gsem).wait()

                def issue_s(j, b):
                    pltpu.async_copy(rows.at[b], acc.at[didx.at[j]], ssem,
                                     add=True)

                def wait_s(b):
                    pltpu.make_async_copy(rows.at[b], acc.at[didx.at[0]],
                                          ssem).wait()

                issue_g(0, 0)
                wait_g(0)
                issue_s(0, 0)
                issue_g(1, 1)

                def body(h, _):
                    for bi in range(2):
                        j = 1 + h * 2 + bi
                        b = (1 + bi) % 2
                        wait_g(b)
                        issue_s(j, b)
                        wait_s(1 - b)
                        issue_g(j + 1, 1 - b)
                    return 0

                lax.fori_loop(0, (IB - 2) // 2, body, 0)
                wait_g(1)
                issue_s(IB - 1, 1)
                wait_s(0)
                wait_s(1)
                return 0

            lax.fori_loop(0, NB, outer, 0)

        @pl.when(c == 0)
        def _():
            relation(tab_ui, src_ui, dst_ui)

        @pl.when(c == 1)
        def _():
            relation(tab_iu, src_iu, dst_iu)

        plsc.subcore_barrier()

        ro = pl.multiple_of(jnp.minimum(s * _ROWS, N - _ROWS), 8)

        @pl.when(c == 0)
        def _():
            pltpu.sync_copy(acc.at[pl.ds(ro, _ROWS)],
                            acc_item.at[pl.ds(ro, _ROWS)])

        @pl.when(c == 1)
        def _():
            pltpu.sync_copy(acc.at[pl.ds(ro, _ROWS)],
                            acc_user.at[pl.ds(ro, _ROWS)])

    return gsa_kernel


def _mm_scale(x, W, deg, out_rows):
    N, D_in = x.shape
    D_out = W.shape[1]
    B = 2000
    assert N % B == 0

    def body(x_ref, w_ref, deg_ref, o_ref):
        dg = deg_ref[...]
        scale = jnp.where(dg > 0.0, lax.rsqrt(dg), 0.0)
        o_ref[...] = jnp.dot(x_ref[...], w_ref[...],
                             preferred_element_type=jnp.float32) * scale

    return pl.pallas_call(
        body,
        grid=(N // B,),
        in_specs=[
            pl.BlockSpec((B, D_in), lambda i: (i, 0)),
            pl.BlockSpec((D_in, D_out), lambda i: (0, 0)),
            pl.BlockSpec((B, 1), lambda i: (i, 0)),
        ],
        out_specs=pl.BlockSpec((B, D_out), lambda i: (i, 0)),
        out_shape=jax.ShapeDtypeStruct((out_rows, D_out), jnp.float32),
    )(x, W, deg[:, None])


def _scale_relu(acc, deg):
    N, D = acc.shape
    B = 2000
    assert N % B == 0

    def body(a_ref, deg_ref, o_ref):
        dg = deg_ref[...]
        scale = jnp.where(dg > 0.0, lax.rsqrt(dg), 0.0)
        o_ref[...] = jnp.maximum(a_ref[...] * scale, 0.0)

    return pl.pallas_call(
        body,
        grid=(N // B,),
        in_specs=[
            pl.BlockSpec((B, D), lambda i: (i, 0)),
            pl.BlockSpec((B, 1), lambda i: (i, 0)),
        ],
        out_specs=pl.BlockSpec((B, D), lambda i: (i, 0)),
        out_shape=jax.ShapeDtypeStruct((N, D), jnp.float32),
    )(acc, deg[:, None])


def kernel(x_user, x_item, edge_index_user_item, edge_index_item_user,
           W_ui_src, W_ui_tgt, W_iu_src, W_iu_tgt):
    n_user, D = x_user.shape
    n_item = x_item.shape[0]
    assert n_user == n_item
    N = n_user
    N1 = N + _PADROWS
    E = edge_index_user_item.shape[1]
    grain = _NS * _CH * 40
    Epad = ((E + grain - 1) // grain) * grain
    NCH = Epad // (_NS * _CH)

    pad = Epad - E
    sent = (jnp.arange(pad, dtype=jnp.int32) % _PADROWS) + N

    def prep(e):
        e = e.astype(jnp.int32)
        src = jnp.concatenate([e[0], sent]).reshape(_NS, NCH, _CH)
        dst = jnp.concatenate([e[1], sent]).reshape(_NS, NCH, _CH)
        return src, dst

    src_ui, dst_ui = prep(edge_index_user_item)
    src_iu, dst_iu = prep(edge_index_item_user)

    zvec = jnp.zeros((N1,), jnp.float32)
    zblk = jnp.zeros((_CH, D), jnp.float32)

    deg_kernel = _make_deg_kernel(N, N1, NCH)
    d_su, d_di, d_si, d_du = deg_kernel(src_ui, dst_ui, src_iu, dst_iu, zvec)
    d_su, d_di, d_si, d_du = (d[:N] for d in (d_su, d_di, d_si, d_du))

    tab_ui = _mm_scale(x_user, W_ui_src, d_su, N1)
    tab_iu = _mm_scale(x_item, W_iu_src, d_si, N1)

    gsa_kernel = _make_gsa_kernel(N, N1, D, NCH)
    acc_item, acc_user = gsa_kernel(tab_ui, tab_iu,
                                    src_ui, dst_ui, src_iu, dst_iu, zblk)

    out_item = _scale_relu(acc_item, d_di)
    out_user = _scale_relu(acc_user, d_du)
    return (out_user, out_item)

# --- scband reference (transcript-rebuilt; emitter-appended) ---
"""Pipeline reference for scband-hetero-gcnconv-59854664237638 (READ-ONLY COPY).

The authoritative reference and input builder live on the scoring server;
editing this copy changes nothing except your own understanding.
"""

import jax, jax.numpy as jnp
import numpy as np

N_USER = 10000
N_ITEM = 10000
D_IN = 128
D_OUT = 128
E = 320000


def _glorot(key, n_in, n_out):
    scale = jnp.sqrt(6.0 / (n_in + n_out))
    return jax.random.uniform(key, (n_in, n_out), dtype=jnp.float32, minval=-scale, maxval=scale)


def setup_inputs(seed: int = 0) -> dict:
    key = jax.random.key(seed)
    ks = jax.random.split(key, 8)
    x_user = jax.random.normal(ks[0], (N_USER, D_IN), dtype=jnp.float32)
    x_item = jax.random.normal(ks[1], (N_ITEM, D_IN), dtype=jnp.float32)
    edge_index_user_item = jax.random.randint(ks[2], (2, E), 0, N_ITEM, dtype=jnp.int64) if jax.config.read('jax_enable_x64') else jax.random.randint(ks[2], (2, E), 0, N_ITEM).astype(jnp.int32)
    edge_index_item_user = jax.random.randint(ks[3], (2, E), 0, N_USER).astype(edge_index_user_item.dtype)
    W_ui_src = _glorot(ks[4], D_IN, D_OUT)
    W_ui_tgt = _glorot(ks[5], D_IN, D_OUT)
    W_iu_src = _glorot(ks[6], D_IN, D_OUT)
    W_iu_tgt = _glorot(ks[7], D_IN, D_OUT)
    return {
        'x_user': x_user,
        'x_item': x_item,
        'edge_index_user_item': edge_index_user_item,
        'edge_index_item_user': edge_index_item_user,
        'W_ui_src': W_ui_src,
        'W_ui_tgt': W_ui_tgt,
        'W_iu_src': W_iu_src,
        'W_iu_tgt': W_iu_tgt,
    }


def _relation(x_s, x_t, edge_index, W_s, W_t, n_s, n_t):
    # Per-edge symmetric-degree normalization, precomputed in torch __init__
    # (constant buffer: integer degree counts; zero-degree entries are never
    # gathered since every edge endpoint has degree >= 1).
    src = edge_index[0]
    dst = edge_index[1]
    deg_s = jnp.bincount(src, length=n_s)
    deg_t = jnp.bincount(dst, length=n_t)
    div = jnp.sqrt((deg_s[src] * deg_t[dst]).astype(jnp.float32))
    source_x = x_s @ W_s
    target_x = x_t @ W_t  # only used as a zeros template in the original
    msg = jnp.take(source_x, src, axis=0) / div[:, None]
    out = jnp.zeros_like(target_x).at[dst].add(msg)
    return out


def reference(x_user, x_item, edge_index_user_item, edge_index_item_user,
              W_ui_src, W_ui_tgt, W_iu_src, W_iu_tgt):
    # relation ('user','to','item'): messages user -> item
    out_item = _relation(x_user, x_item, edge_index_user_item, W_ui_src, W_ui_tgt, N_USER, N_ITEM)
    # relation ('item','to','user'): messages item -> user
    out_user = _relation(x_item, x_user, edge_index_item_user, W_iu_src, W_iu_tgt, N_ITEM, N_USER)
    # each target type receives from exactly one relation -> div = 1
    out_user = jax.nn.relu(out_user / 1.0)
    out_item = jax.nn.relu(out_item / 1.0)
    # ReLU=True -> second (idempotent) relu, kept for faithfulness
    out_user = jax.nn.relu(out_user)
    out_item = jax.nn.relu(out_item)
    return (out_user, out_item)

if __name__ == "__main__":
    import jax
    _d = setup_inputs()
    print(jax.jit(kernel)(*tuple(_d.values())))

</pallas_src>

<mosaic_0001>
#map = affine_map<(d0, d1) -> (0, 0)>
#map1 = affine_map<(d0, d1) -> (0, 0, 0)>
module attributes {stable_mosaic.version = 14 : i64} {
  func.func @gsa_kernel(%arg0: i32, %arg1: i32, %arg2: memref<10064x128xf32, #tpu.memory_space<hbm>>, %arg3: memref<10064x128xf32, #tpu.memory_space<hbm>>, %arg4: memref<16x160x128xi32, #tpu.memory_space<hbm>>, %arg5: memref<16x160x128xi32, #tpu.memory_space<hbm>>, %arg6: memref<16x160x128xi32, #tpu.memory_space<hbm>>, %arg7: memref<16x160x128xi32, #tpu.memory_space<hbm>>, %arg8: memref<128x128xf32, #tpu.memory_space<hbm>>, %arg9: memref<10000x128xf32, #tpu.memory_space<hbm>>, %arg10: memref<10000x128xf32, #tpu.memory_space<hbm>>, %arg11: memref<40x128xi32, #tpu.memory_space<vmem>>, %arg12: memref<40x128xi32, #tpu.memory_space<vmem>>, %arg13: memref<2x128x128xf32, #tpu.memory_space<vmem>>, %arg14: memref<10064x128xf32, #tpu.memory_space<vmem_shared>>, %arg15: memref<!tpu.dma_semaphore, #tpu.memory_space<semaphore_mem>>, %arg16: memref<!tpu.dma_semaphore, #tpu.memory_space<semaphore_mem>>) attributes {dimension_semantics = [#tpu.dimension_semantics<core_parallel>, #tpu.dimension_semantics<subcore_parallel>], iteration_bounds = array<i64: 2, 16>, scalar_prefetch = 0 : i64, scratch_operands = 6 : i64, tpu.core_type = #tpu.core_type<sc_vector_subcore>, window_params = [{transform_indices = #map}, {transform_indices = #map}, {transform_indices = #map1}, {transform_indices = #map1}, {transform_indices = #map1}, {transform_indices = #map1}, {transform_indices = #map}, {transform_indices = #map}, {transform_indices = #map}]} {
    %run_scoped3A = arith.constant 0 : i32
    "tpu.region"() ({
      %run_scoped3A_53 = tpu.sem_alloc : memref<!tpu.dma_semaphore, #tpu.memory_space<semaphore_mem>>
      %dma_start3A = arith.constant 0 : i32
      %dma_start3A_54 = arith.constant 0 : i32
      %dma_start3A_55 = tpu.memref_slice %arg13[%run_scoped3A, %dma_start3A, %dma_start3A_54] : memref<2x128x128xf32, #tpu.memory_space<vmem>> -> memref<1x128x128xf32, #tpu.memory_space<vmem>>
      %dma_start3A_56 = tpu.memref_squeeze %dma_start3A_55 : memref<1x128x128xf32, #tpu.memory_space<vmem>> -> memref<128x128xf32, #tpu.memory_space<vmem>>
      %dma_start3A_57 = arith.constant 0 : i32
      %dma_start3A_58 = arith.constant 0 : i32
      %dma_start3A_59 = tpu.memref_slice %arg13[%run_scoped3A, %dma_start3A_57, %dma_start3A_58] : memref<2x128x128xf32, #tpu.memory_space<vmem>> -> memref<1x128x128xf32, #tpu.memory_space<vmem>>
      %dma_start3A_60 = tpu.memref_squeeze %dma_start3A_59 : memref<1x128x128xf32, #tpu.memory_space<vmem>> -> memref<128x128xf32, #tpu.memory_space<vmem>>
      tpu.enqueue_dma source(%arg8 : memref<128x128xf32, #tpu.memory_space<hbm>>) target(%dma_start3A_60 : memref<128x128xf32, #tpu.memory_space<vmem>>) target_semaphore(%run_scoped3A_53 : memref<!tpu.dma_semaphore, #tpu.memory_space<semaphore_mem>>)
      %dma_wait3A = arith.constant 0 : i32
      %dma_wait3A_61 = arith.constant 0 : i32
      %dma_wait3A_62 = tpu.memref_slice %arg13[%run_scoped3A, %dma_wait3A, %dma_wait3A_61] : memref<2x128x128xf32, #tpu.memory_space<vmem>> -> memref<1x128x128xf32, #tpu.memory_space<vmem>>
      %dma_wait3A_63 = tpu.memref_squeeze %dma_wait3A_62 : memref<1x128x128xf32, #tpu.memory_space<vmem>> -> memref<128x128xf32, #tpu.memory_space<vmem>>
      %dma_wait3A_64 = arith.constant 0 : i32
      %dma_wait3A_65 = arith.constant 0 : i32
      %dma_wait3A_66 = tpu.memref_slice %arg13[%run_scoped3A, %dma_wait3A_64, %dma_wait3A_65] : memref<2x128x128xf32, #tpu.memory_space<vmem>> -> memref<1x128x128xf32, #tpu.memory_space<vmem>>
      %dma_wait3A_67 = tpu.memref_squeeze %dma_wait3A_66 : memref<1x128x128xf32, #tpu.memory_space<vmem>> -> memref<128x128xf32, #tpu.memory_space<vmem>>
      tpu.wait_dma2 semaphore(%run_scoped3A_53 : memref<!tpu.dma_semaphore, #tpu.memory_space<semaphore_mem>>) src(%arg8 : memref<128x128xf32, #tpu.memory_space<hbm>>) dst(%dma_wait3A_67 : memref<128x128xf32, #tpu.memory_space<vmem>>)
      tpu.yield
    }) : () -> ()
    %mul3A = arith.constant 632 : i32
    %mul3A_0 = arith.muli %arg1, %mul3A : i32
    %min3A = arith.constant 9432 : i32
    %min3A_1 = arith.minsi %mul3A_0, %min3A : i32
    %min3A_2 = arith.constant 0 : i32
    %min3A_3 = arith.constant 504 : i32
    %min3A_4 = arith.minsi %min3A_2, %min3A_3 : i32
    %add3A = arith.addi %min3A_1, %min3A_4 : i32
    %multiple_of3A = tpu.assume_multiple %add3A, 8 : i32
    %run_scoped3A_5 = arith.constant 0 : i32
    "tpu.region"() ({
      %run_scoped3A_53 = tpu.sem_alloc : memref<!tpu.dma_semaphore, #tpu.memory_space<semaphore_mem>>
      %dma_start3A = arith.constant 0 : i32
      %dma_start3A_54 = arith.constant 0 : i32
      %dma_start3A_55 = tpu.memref_slice %arg13[%run_scoped3A_5, %dma_start3A, %dma_start3A_54] : memref<2x128x128xf32, #tpu.memory_space<vmem>> -> memref<1x128x128xf32, #tpu.memory_space<vmem>>
      %dma_start3A_56 = tpu.memref_squeeze %dma_start3A_55 : memref<1x128x128xf32, #tpu.memory_space<vmem>> -> memref<128x128xf32, #tpu.memory_space<vmem>>
      %dma_start3A_57 = arith.constant 0 : i32
      %dma_start3A_58 = tpu.memref_slice %arg14[%multiple_of3A, %dma_start3A_57] : memref<10064x128xf32, #tpu.memory_space<vmem_shared>> -> memref<128x128xf32, #tpu.memory_space<vmem_shared>>
      %dma_start3A_59 = arith.constant 0 : i32
      %dma_start3A_60 = tpu.memref_slice %arg14[%multiple_of3A, %dma_start3A_59] : memref<10064x128xf32, #tpu.memory_space<vmem_shared>> -> memref<128x128xf32, #tpu.memory_space<vmem_shared>>
      %dma_start3A_61 = arith.constant 0 : i32
      %dma_start3A_62 = arith.constant 0 : i32
      %dma_start3A_63 = tpu.memref_slice %arg13[%run_scoped3A_5, %dma_start3A_61, %dma_start3A_62] : memref<2x128x128xf32, #tpu.memory_space<vmem>> -> memref<1x128x128xf32, #tpu.memory_space<vmem>>
      %dma_start3A_64 = tpu.memref_squeeze %dma_start3A_63 : memref<1x128x128xf32, #tpu.memory_space<vmem>> -> memref<128x128xf32, #tpu.memory_space<vmem>>
      tpu.enqueue_dma source(%dma_start3A_64 : memref<128x128xf32, #tpu.memory_space<vmem>>) target(%dma_start3A_60 : memref<128x128xf32, #tpu.memory_space<vmem_shared>>) target_semaphore(%run_scoped3A_53 : memref<!tpu.dma_semaphore, #tpu.memory_space<semaphore_mem>>)
      %dma_wait3A = arith.constant 0 : i32
      %dma_wait3A_65 = arith.constant 0 : i32
      %dma_wait3A_66 = tpu.memref_slice %arg13[%run_scoped3A_5, %dma_wait3A, %dma_wait3A_65] : memref<2x128x128xf32, #tpu.memory_space<vmem>> -> memref<1x128x128xf32, #tpu.memory_space<vmem>>
      %dma_wait3A_67 = tpu.memref_squeeze %dma_wait3A_66 : memref<1x128x128xf32, #tpu.memory_space<vmem>> -> memref<128x128xf32, #tpu.memory_space<vmem>>
      %dma_wait3A_68 = arith.constant 0 : i32
      %dma_wait3A_69 = tpu.memref_slice %arg14[%multiple_of3A, %dma_wait3A_68] : memref<10064x128xf32, #tpu.memory_space<vmem_shared>> -> memref<128x128xf32, #tpu.memory_space<vmem_shared>>
      %dma_wait3A_70 = arith.constant 0 : i32
      %dma_wait3A_71 = tpu.memref_slice %arg14[%multiple_of3A, %dma_wait3A_70] : memref<10064x128xf32, #tpu.memory_space<vmem_shared>> -> memref<128x128xf32, #tpu.memory_space<vmem_shared>>
      %dma_wait3A_72 = arith.constant 0 : i32
      %dma_wait3A_73 = arith.constant 0 : i32
      %dma_wait3A_74 = tpu.memref_slice %arg13[%run_scoped3A_5, %dma_wait3A_72, %dma_wait3A_73] : memref<2x128x128xf32, #tpu.memory_space<vmem>> -> memref<1x128x128xf32, #tpu.memory_space<vmem>>
      %dma_wait3A_75 = tpu.memref_squeeze %dma_wait3A_74 : memref<1x128x128xf32, #tpu.memory_space<vmem>> -> memref<128x128xf32, #tpu.memory_space<vmem>>
      tpu.wait_dma2 semaphore(%run_scoped3A_53 : memref<!tpu.dma_semaphore, #tpu.memory_space<semaphore_mem>>) src(%dma_wait3A_75 : memref<128x128xf32, #tpu.memory_space<vmem>>) dst(%dma_wait3A_71 : memref<128x128xf32, #tpu.memory_space<vmem_shared>>)
      tpu.yield
    }) : () -> ()
    %min3A_6 = arith.constant 128 : i32
    %min3A_7 = arith.constant 504 : i32
    %min3A_8 = arith.minsi %min3A_6, %min3A_7 : i32
    %add3A_9 = arith.addi %min3A_1, %min3A_8 : i32
    %multiple_of3A_10 = tpu.assume_multiple %add3A_9, 8 : i32
    %run_scoped3A_11 = arith.constant 0 : i32
    "tpu.region"() ({
      %run_scoped3A_53 = tpu.sem_alloc : memref<!tpu.dma_semaphore, #tpu.memory_space<semaphore_mem>>
      %dma_start3A = arith.constant 0 : i32
      %dma_start3A_54 = arith.constant 0 : i32
      %dma_start3A_55 = tpu.memref_slice %arg13[%run_scoped3A_11, %dma_start3A, %dma_start3A_54] : memref<2x128x128xf32, #tpu.memory_space<vmem>> -> memref<1x128x128xf32, #tpu.memory_space<vmem>>
      %dma_start3A_56 = tpu.memref_squeeze %dma_start3A_55 : memref<1x128x128xf32, #tpu.memory_space<vmem>> -> memref<128x128xf32, #tpu.memory_space<vmem>>
      %dma_start3A_57 = arith.constant 0 : i32
      %dma_start3A_58 = tpu.memref_slice %arg14[%multiple_of3A_10, %dma_start3A_57] : memref<10064x128xf32, #tpu.memory_space<vmem_shared>> -> memref<128x128xf32, #tpu.memory_space<vmem_shared>>
      %dma_start3A_59 = arith.constant 0 : i32
      %dma_start3A_60 = tpu.memref_slice %arg14[%multiple_of3A_10, %dma_start3A_59] : memref<10064x128xf32, #tpu.memory_space<vmem_shared>> -> memref<128x128xf32, #tpu.memory_space<vmem_shared>>
      %dma_start3A_61 = arith.constant 0 : i32
      %dma_start3A_62 = arith.constant 0 : i32
      %dma_start3A_63 = tpu.memref_slice %arg13[%run_scoped3A_11, %dma_start3A_61, %dma_start3A_62] : memref<2x128x128xf32, #tpu.memory_space<vmem>> -> memref<1x128x128xf32, #tpu.memory_space<vmem>>
      %dma_start3A_64 = tpu.memref_squeeze %dma_start3A_63 : memref<1x128x128xf32, #tpu.memory_space<vmem>> -> memref<128x128xf32, #tpu.memory_space<vmem>>
      tpu.enqueue_dma source(%dma_start3A_64 : memref<128x128xf32, #tpu.memory_space<vmem>>) target(%dma_start3A_60 : memref<128x128xf32, #tpu.memory_space<vmem_shared>>) target_semaphore(%run_scoped3A_53 : memref<!tpu.dma_semaphore, #tpu.memory_space<semaphore_mem>>)
      %dma_wait3A = arith.constant 0 : i32
      %dma_wait3A_65 = arith.constant 0 : i32
      %dma_wait3A_66 = tpu.memref_slice %arg13[%run_scoped3A_11, %dma_wait3A, %dma_wait3A_65] : memref<2x128x128xf32, #tpu.memory_space<vmem>> -> memref<1x128x128xf32, #tpu.memory_space<vmem>>
      %dma_wait3A_67 = tpu.memref_squeeze %dma_wait3A_66 : memref<1x128x128xf32, #tpu.memory_space<vmem>> -> memref<128x128xf32, #tpu.memory_space<vmem>>
      %dma_wait3A_68 = arith.constant 0 : i32
      %dma_wait3A_69 = tpu.memref_slice %arg14[%multiple_of3A_10, %dma_wait3A_68] : memref<10064x128xf32, #tpu.memory_space<vmem_shared>> -> memref<128x128xf32, #tpu.memory_space<vmem_shared>>
      %dma_wait3A_70 = arith.constant 0 : i32
      %dma_wait3A_71 = tpu.memref_slice %arg14[%multiple_of3A_10, %dma_wait3A_70] : memref<10064x128xf32, #tpu.memory_space<vmem_shared>> -> memref<128x128xf32, #tpu.memory_space<vmem_shared>>
      %dma_wait3A_72 = arith.constant 0 : i32
      %dma_wait3A_73 = arith.constant 0 : i32
      %dma_wait3A_74 = tpu.memref_slice %arg13[%run_scoped3A_11, %dma_wait3A_72, %dma_wait3A_73] : memref<2x128x128xf32, #tpu.memory_space<vmem>> -> memref<1x128x128xf32, #tpu.memory_space<vmem>>
      %dma_wait3A_75 = tpu.memref_squeeze %dma_wait3A_74 : memref<1x128x128xf32, #tpu.memory_space<vmem>> -> memref<128x128xf32, #tpu.memory_space<vmem>>
      tpu.wait_dma2 semaphore(%run_scoped3A_53 : memref<!tpu.dma_semaphore, #tpu.memory_space<semaphore_mem>>) src(%dma_wait3A_75 : memref<128x128xf32, #tpu.memory_space<vmem>>) dst(%dma_wait3A_71 : memref<128x128xf32, #tpu.memory_space<vmem_shared>>)
      tpu.yield
    }) : () -> ()
    %min3A_12 = arith.constant 256 : i32
    %min3A_13 = arith.constant 504 : i32
    %min3A_14 = arith.minsi %min3A_12, %min3A_13 : i32
    %add3A_15 = arith.addi %min3A_1, %min3A_14 : i32
    %multiple_of3A_16 = tpu.assume_multiple %add3A_15, 8 : i32
    %run_scoped3A_17 = arith.constant 0 : i32
    "tpu.region"() ({
      %run_scoped3A_53 = tpu.sem_alloc : memref<!tpu.dma_semaphore, #tpu.memory_space<semaphore_mem>>
      %dma_start3A = arith.constant 0 : i32
      %dma_start3A_54 = arith.constant 0 : i32
      %dma_start3A_55 = tpu.memref_slice %arg13[%run_scoped3A_17, %dma_start3A, %dma_start3A_54] : memref<2x128x128xf32, #tpu.memory_space<vmem>> -> memref<1x128x128xf32, #tpu.memory_space<vmem>>
      %dma_start3A_56 = tpu.memref_squeeze %dma_start3A_55 : memref<1x128x128xf32, #tpu.memory_space<vmem>> -> memref<128x128xf32, #tpu.memory_space<vmem>>
      %dma_start3A_57 = arith.constant 0 : i32
      %dma_start3A_58 = tpu.memref_slice %arg14[%multiple_of3A_16, %dma_start3A_57] : memref<10064x128xf32, #tpu.memory_space<vmem_shared>> -> memref<128x128xf32, #tpu.memory_space<vmem_shared>>
      %dma_start3A_59 = arith.constant 0 : i32
      %dma_start3A_60 = tpu.memref_slice %arg14[%multiple_of3A_16, %dma_start3A_59] : memref<10064x128xf32, #tpu.memory_space<vmem_shared>> -> memref<128x128xf32, #tpu.memory_space<vmem_shared>>
      %dma_start3A_61 = arith.constant 0 : i32
      %dma_start3A_62 = arith.constant 0 : i32
      %dma_start3A_63 = tpu.memref_slice %arg13[%run_scoped3A_17, %dma_start3A_61, %dma_start3A_62] : memref<2x128x128xf32, #tpu.memory_space<vmem>> -> memref<1x128x128xf32, #tpu.memory_space<vmem>>
      %dma_start3A_64 = tpu.memref_squeeze %dma_start3A_63 : memref<1x128x128xf32, #tpu.memory_space<vmem>> -> memref<128x128xf32, #tpu.memory_space<vmem>>
      tpu.enqueue_dma source(%dma_start3A_64 : memref<128x128xf32, #tpu.memory_space<vmem>>) target(%dma_start3A_60 : memref<128x128xf32, #tpu.memory_space<vmem_shared>>) target_semaphore(%run_scoped3A_53 : memref<!tpu.dma_semaphore, #tpu.memory_space<semaphore_mem>>)
      %dma_wait3A = arith.constant 0 : i32
      %dma_wait3A_65 = arith.constant 0 : i32
      %dma_wait3A_66 = tpu.memref_slice %arg13[%run_scoped3A_17, %dma_wait3A, %dma_wait3A_65] : memref<2x128x128xf32, #tpu.memory_space<vmem>> -> memref<1x128x128xf32, #tpu.memory_space<vmem>>
      %dma_wait3A_67 = tpu.memref_squeeze %dma_wait3A_66 : memref<1x128x128xf32, #tpu.memory_space<vmem>> -> memref<128x128xf32, #tpu.memory_space<vmem>>
      %dma_wait3A_68 = arith.constant 0 : i32
      %dma_wait3A_69 = tpu.memref_slice %arg14[%multiple_of3A_16, %dma_wait3A_68] : memref<10064x128xf32, #tpu.memory_space<vmem_shared>> -> memref<128x128xf32, #tpu.memory_space<vmem_shared>>
      %dma_wait3A_70 = arith.constant 0 : i32
      %dma_wait3A_71 = tpu.memref_slice %arg14[%multiple_of3A_16, %dma_wait3A_70] : memref<10064x128xf32, #tpu.memory_space<vmem_shared>> -> memref<128x128xf32, #tpu.memory_space<vmem_shared>>
      %dma_wait3A_72 = arith.constant 0 : i32
      %dma_wait3A_73 = arith.constant 0 : i32
      %dma_wait3A_74 = tpu.memref_slice %arg13[%run_scoped3A_17, %dma_wait3A_72, %dma_wait3A_73] : memref<2x128x128xf32, #tpu.memory_space<vmem>> -> memref<1x128x128xf32, #tpu.memory_space<vmem>>
      %dma_wait3A_75 = tpu.memref_squeeze %dma_wait3A_74 : memref<1x128x128xf32, #tpu.memory_space<vmem>> -> memref<128x128xf32, #tpu.memory_space<vmem>>
      tpu.wait_dma2 semaphore(%run_scoped3A_53 : memref<!tpu.dma_semaphore, #tpu.memory_space<semaphore_mem>>) src(%dma_wait3A_75 : memref<128x128xf32, #tpu.memory_space<vmem>>) dst(%dma_wait3A_71 : memref<128x128xf32, #tpu.memory_space<vmem_shared>>)
      tpu.yield
    }) : () -> ()
    %min3A_18 = arith.constant 384 : i32
    %min3A_19 = arith.constant 504 : i32
    %min3A_20 = arith.minsi %min3A_18, %min3A_19 : i32
    %add3A_21 = arith.addi %min3A_1, %min3A_20 : i32
    %multiple_of3A_22 = tpu.assume_multiple %add3A_21, 8 : i32
    %run_scoped3A_23 = arith.constant 0 : i32
    "tpu.region"() ({
      %run_scoped3A_53 = tpu.sem_alloc : memref<!tpu.dma_semaphore, #tpu.memory_space<semaphore_mem>>
      %dma_start3A = arith.constant 0 : i32
      %dma_start3A_54 = arith.constant 0 : i32
      %dma_start3A_55 = tpu.memref_slice %arg13[%run_scoped3A_23, %dma_start3A, %dma_start3A_54] : memref<2x128x128xf32, #tpu.memory_space<vmem>> -> memref<1x128x128xf32, #tpu.memory_space<vmem>>
      %dma_start3A_56 = tpu.memref_squeeze %dma_start3A_55 : memref<1x128x128xf32, #tpu.memory_space<vmem>> -> memref<128x128xf32, #tpu.memory_space<vmem>>
      %dma_start3A_57 = arith.constant 0 : i32
      %dma_start3A_58 = tpu.memref_slice %arg14[%multiple_of3A_22, %dma_start3A_57] : memref<10064x128xf32, #tpu.memory_space<vmem_shared>> -> memref<128x128xf32, #tpu.memory_space<vmem_shared>>
      %dma_start3A_59 = arith.constant 0 : i32
      %dma_start3A_60 = tpu.memref_slice %arg14[%multiple_of3A_22, %dma_start3A_59] : memref<10064x128xf32, #tpu.memory_space<vmem_shared>> -> memref<128x128xf32, #tpu.memory_space<vmem_shared>>
      %dma_start3A_61 = arith.constant 0 : i32
      %dma_start3A_62 = arith.constant 0 : i32
      %dma_start3A_63 = tpu.memref_slice %arg13[%run_scoped3A_23, %dma_start3A_61, %dma_start3A_62] : memref<2x128x128xf32, #tpu.memory_space<vmem>> -> memref<1x128x128xf32, #tpu.memory_space<vmem>>
      %dma_start3A_64 = tpu.memref_squeeze %dma_start3A_63 : memref<1x128x128xf32, #tpu.memory_space<vmem>> -> memref<128x128xf32, #tpu.memory_space<vmem>>
      tpu.enqueue_dma source(%dma_start3A_64 : memref<128x128xf32, #tpu.memory_space<vmem>>) target(%dma_start3A_60 : memref<128x128xf32, #tpu.memory_space<vmem_shared>>) target_semaphore(%run_scoped3A_53 : memref<!tpu.dma_semaphore, #tpu.memory_space<semaphore_mem>>)
      %dma_wait3A = arith.constant 0 : i32
      %dma_wait3A_65 = arith.constant 0 : i32
      %dma_wait3A_66 = tpu.memref_slice %arg13[%run_scoped3A_23, %dma_wait3A, %dma_wait3A_65] : memref<2x128x128xf32, #tpu.memory_space<vmem>> -> memref<1x128x128xf32, #tpu.memory_space<vmem>>
      %dma_wait3A_67 = tpu.memref_squeeze %dma_wait3A_66 : memref<1x128x128xf32, #tpu.memory_space<vmem>> -> memref<128x128xf32, #tpu.memory_space<vmem>>
      %dma_wait3A_68 = arith.constant 0 : i32
      %dma_wait3A_69 = tpu.memref_slice %arg14[%multiple_of3A_22, %dma_wait3A_68] : memref<10064x128xf32, #tpu.memory_space<vmem_shared>> -> memref<128x128xf32, #tpu.memory_space<vmem_shared>>
      %dma_wait3A_70 = arith.constant 0 : i32
      %dma_wait3A_71 = tpu.memref_slice %arg14[%multiple_of3A_22, %dma_wait3A_70] : memref<10064x128xf32, #tpu.memory_space<vmem_shared>> -> memref<128x128xf32, #tpu.memory_space<vmem_shared>>
      %dma_wait3A_72 = arith.constant 0 : i32
      %dma_wait3A_73 = arith.constant 0 : i32
      %dma_wait3A_74 = tpu.memref_slice %arg13[%run_scoped3A_23, %dma_wait3A_72, %dma_wait3A_73] : memref<2x128x128xf32, #tpu.memory_space<vmem>> -> memref<1x128x128xf32, #tpu.memory_space<vmem>>
      %dma_wait3A_75 = tpu.memref_squeeze %dma_wait3A_74 : memref<1x128x128xf32, #tpu.memory_space<vmem>> -> memref<128x128xf32, #tpu.memory_space<vmem>>
      tpu.wait_dma2 semaphore(%run_scoped3A_53 : memref<!tpu.dma_semaphore, #tpu.memory_space<semaphore_mem>>) src(%dma_wait3A_75 : memref<128x128xf32, #tpu.memory_space<vmem>>) dst(%dma_wait3A_71 : memref<128x128xf32, #tpu.memory_space<vmem_shared>>)
      tpu.yield
    }) : () -> ()
    %min3A_24 = arith.constant 512 : i32
    %min3A_25 = arith.constant 504 : i32
    %min3A_26 = arith.minsi %min3A_24, %min3A_25 : i32
    %add3A_27 = arith.addi %min3A_1, %min3A_26 : i32
    %multiple_of3A_28 = tpu.assume_multiple %add3A_27, 8 : i32
    %run_scoped3A_29 = arith.constant 0 : i32
    "tpu.region"() ({
      %run_scoped3A_53 = tpu.sem_alloc : memref<!tpu.dma_semaphore, #tpu.memory_space<semaphore_mem>>
      %dma_start3A = arith.constant 0 : i32
      %dma_start3A_54 = arith.constant 0 : i32
      %dma_start3A_55 = tpu.memref_slice %arg13[%run_scoped3A_29, %dma_start3A, %dma_start3A_54] : memref<2x128x128xf32, #tpu.memory_space<vmem>> -> memref<1x128x128xf32, #tpu.memory_space<vmem>>
      %dma_start3A_56 = tpu.memref_squeeze %dma_start3A_55 : memref<1x128x128xf32, #tpu.memory_space<vmem>> -> memref<128x128xf32, #tpu.memory_space<vmem>>
      %dma_start3A_57 = arith.constant 0 : i32
      %dma_start3A_58 = tpu.memref_slice %arg14[%multiple_of3A_28, %dma_start3A_57] : memref<10064x128xf32, #tpu.memory_space<vmem_shared>> -> memref<128x128xf32, #tpu.memory_space<vmem_shared>>
      %dma_start3A_59 = arith.constant 0 : i32
      %dma_start3A_60 = tpu.memref_slice %arg14[%multiple_of3A_28, %dma_start3A_59] : memref<10064x128xf32, #tpu.memory_space<vmem_shared>> -> memref<128x128xf32, #tpu.memory_space<vmem_shared>>
      %dma_start3A_61 = arith.constant 0 : i32
      %dma_start3A_62 = arith.constant 0 : i32
      %dma_start3A_63 = tpu.memref_slice %arg13[%run_scoped3A_29, %dma_start3A_61, %dma_start3A_62] : memref<2x128x128xf32, #tpu.memory_space<vmem>> -> memref<1x128x128xf32, #tpu.memory_space<vmem>>
      %dma_start3A_64 = tpu.memref_squeeze %dma_start3A_63 : memref<1x128x128xf32, #tpu.memory_space<vmem>> -> memref<128x128xf32, #tpu.memory_space<vmem>>
      tpu.enqueue_dma source(%dma_start3A_64 : memref<128x128xf32, #tpu.memory_space<vmem>>) target(%dma_start3A_60 : memref<128x128xf32, #tpu.memory_space<vmem_shared>>) target_semaphore(%run_scoped3A_53 : memref<!tpu.dma_semaphore, #tpu.memory_space<semaphore_mem>>)
      %dma_wait3A = arith.constant 0 : i32
      %dma_wait3A_65 = arith.constant 0 : i32
      %dma_wait3A_66 = tpu.memref_slice %arg13[%run_scoped3A_29, %dma_wait3A, %dma_wait3A_65] : memref<2x128x128xf32, #tpu.memory_space<vmem>> -> memref<1x128x128xf32, #tpu.memory_space<vmem>>
      %dma_wait3A_67 = tpu.memref_squeeze %dma_wait3A_66 : memref<1x128x128xf32, #tpu.memory_space<vmem>> -> memref<128x128xf32, #tpu.memory_space<vmem>>
      %dma_wait3A_68 = arith.constant 0 : i32
      %dma_wait3A_69 = tpu.memref_slice %arg14[%multiple_of3A_28, %dma_wait3A_68] : memref<10064x128xf32, #tpu.memory_space<vmem_shared>> -> memref<128x128xf32, #tpu.memory_space<vmem_shared>>
      %dma_wait3A_70 = arith.constant 0 : i32
      %dma_wait3A_71 = tpu.memref_slice %arg14[%multiple_of3A_28, %dma_wait3A_70] : memref<10064x128xf32, #tpu.memory_space<vmem_shared>> -> memref<128x128xf32, #tpu.memory_space<vmem_shared>>
      %dma_wait3A_72 = arith.constant 0 : i32
      %dma_wait3A_73 = arith.constant 0 : i32
      %dma_wait3A_74 = tpu.memref_slice %arg13[%run_scoped3A_29, %dma_wait3A_72, %dma_wait3A_73] : memref<2x128x128xf32, #tpu.memory_space<vmem>> -> memref<1x128x128xf32, #tpu.memory_space<vmem>>
      %dma_wait3A_75 = tpu.memref_squeeze %dma_wait3A_74 : memref<1x128x128xf32, #tpu.memory_space<vmem>> -> memref<128x128xf32, #tpu.memory_space<vmem>>
      tpu.wait_dma2 semaphore(%run_scoped3A_53 : memref<!tpu.dma_semaphore, #tpu.memory_space<semaphore_mem>>) src(%dma_wait3A_75 : memref<128x128xf32, #tpu.memory_space<vmem>>) dst(%dma_wait3A_71 : memref<128x128xf32, #tpu.memory_space<vmem_shared>>)
      tpu.yield
    }) : () -> ()
    %barrier3A = arith.constant 0 : index
    tpu.barrier barrier_id(%barrier3A)
    %eq3A = arith.constant 0 : i32
    %eq3A_30 = arith.cmpi eq, %arg0, %eq3A : i32
    %convert_element_type3A = arith.extui %eq3A_30 : i1 to i32
    %cond3A = arith.constant 0 : i32
    %cond3A_31 = arith.cmpi ne, %convert_element_type3A, %cond3A : i32
    scf.if %cond3A_31 {
      %scan3A = arith.constant 0 : i32
      %scan3A_53 = arith.constant 0 : i32
      %scan3A_54 = arith.constant 4 : i32
      %scan3A_55 = arith.addi %scan3A_53, %scan3A_54 : i32
      %scan3A_56 = arith.constant 1 : i32
      %scan3A_57 = scf.for %scan3A_59 = %scan3A_53 to %scan3A_55 step %scan3A_56 iter_args(%scan3A_60 = %scan3A) -> (i32)  : i32 {
        %mul3A_61 = arith.constant 40 : i32
        %mul3A_62 = arith.muli %scan3A_59, %mul3A_61 : i32
        %multiple_of3A_63 = tpu.assume_multiple %mul3A_62, 8 : i32
        "tpu.region"() ({
          %run_scoped3A_214 = tpu.sem_alloc : memref<!tpu.dma_semaphore, #tpu.memory_space<semaphore_mem>>
          %dma_start3A_215 = arith.constant 0 : i32
          %dma_start3A_216 = tpu.memref_slice %arg4[%arg1, %multiple_of3A_63, %dma_start3A_215] : memref<16x160x128xi32, #tpu.memory_space<hbm>> -> memref<1x40x128xi32, #tpu.memory_space<hbm>>
          %dma_start3A_217 = tpu.memref_squeeze %dma_start3A_216 : memref<1x40x128xi32, #tpu.memory_space<hbm>> -> memref<40x128xi32, #tpu.memory_space<hbm>>
          %dma_start3A_218 = arith.constant 0 : i32
          %dma_start3A_219 = tpu.memref_slice %arg4[%arg1, %multiple_of3A_63, %dma_start3A_218] : memref<16x160x128xi32, #tpu.memory_space<hbm>> -> memref<1x40x128xi32, #tpu.memory_space<hbm>>
          %dma_start3A_220 = tpu.memref_squeeze %dma_start3A_219 : memref<1x40x128xi32, #tpu.memory_space<hbm>> -> memref<40x128xi32, #tpu.memory_space<hbm>>
          tpu.enqueue_dma source(%dma_start3A_220 : memref<40x128xi32, #tpu.memory_space<hbm>>) target(%arg11 : memref<40x128xi32, #tpu.memory_space<vmem>>) target_semaphore(%run_scoped3A_214 : memref<!tpu.dma_semaphore, #tpu.memory_space<semaphore_mem>>)
          %dma_wait3A_221 = arith.constant 0 : i32
          %dma_wait3A_222 = tpu.memref_slice %arg4[%arg1, %multiple_of3A_63, %dma_wait3A_221] : memref<16x160x128xi32, #tpu.memory_space<hbm>> -> memref<1x40x128xi32, #tpu.memory_space<hbm>>
          %dma_wait3A_223 = tpu.memref_squeeze %dma_wait3A_222 : memref<1x40x128xi32, #tpu.memory_space<hbm>> -> memref<40x128xi32, #tpu.memory_space<hbm>>
          %dma_wait3A_224 = arith.constant 0 : i32
          %dma_wait3A_225 = tpu.memref_slice %arg4[%arg1, %multiple_of3A_63, %dma_wait3A_224] : memref<16x160x128xi32, #tpu.memory_space<hbm>> -> memref<1x40x128xi32, #tpu.memory_space<hbm>>
          %dma_wait3A_226 = tpu.memref_squeeze %dma_wait3A_225 : memref<1x40x128xi32, #tpu.memory_space<hbm>> -> memref<40x128xi32, #tpu.memory_space<hbm>>
          tpu.wait_dma2 semaphore(%run_scoped3A_214 : memref<!tpu.dma_semaphore, #tpu.memory_space<semaphore_mem>>) src(%dma_wait3A_226 : memref<40x128xi32, #tpu.memory_space<hbm>>) dst(%arg11 : memref<40x128xi32, #tpu.memory_space<vmem>>)
          tpu.yield
        }) : () -> ()
        "tpu.region"() ({
          %run_scoped3A_214 = tpu.sem_alloc : memref<!tpu.dma_semaphore, #tpu.memory_space<semaphore_mem>>
          %dma_start3A_215 = arith.constant 0 : i32
          %dma_start3A_216 = tpu.memref_slice %arg5[%arg1, %multiple_of3A_63, %dma_start3A_215] : memref<16x160x128xi32, #tpu.memory_space<hbm>> -> memref<1x40x128xi32, #tpu.memory_space<hbm>>
          %dma_start3A_217 = tpu.memref_squeeze %dma_start3A_216 : memref<1x40x128xi32, #tpu.memory_space<hbm>> -> memref<40x128xi32, #tpu.memory_space<hbm>>
          %dma_start3A_218 = arith.constant 0 : i32
          %dma_start3A_219 = tpu.memref_slice %arg5[%arg1, %multiple_of3A_63, %dma_start3A_218] : memref<16x160x128xi32, #tpu.memory_space<hbm>> -> memref<1x40x128xi32, #tpu.memory_space<hbm>>
          %dma_start3A_220 = tpu.memref_squeeze %dma_start3A_219 : memref<1x40x128xi32, #tpu.memory_space<hbm>> -> memref<40x128xi32, #tpu.memory_space<hbm>>
          tpu.enqueue_dma source(%dma_start3A_220 : memref<40x128xi32, #tpu.memory_space<hbm>>) target(%arg12 : memref<40x128xi32, #tpu.memory_space<vmem>>) target_semaphore(%run_scoped3A_214 : memref<!tpu.dma_semaphore, #tpu.memory_space<semaphore_mem>>)
          %dma_wait3A_221 = arith.constant 0 : i32
          %dma_wait3A_222 = tpu.memref_slice %arg5[%arg1, %multiple_of3A_63, %dma_wait3A_221] : memref<16x160x128xi32, #tpu.memory_space<hbm>> -> memref<1x40x128xi32, #tpu.memory_space<hbm>>
          %dma_wait3A_223 = tpu.memref_squeeze %dma_wait3A_222 : memref<1x40x128xi32, #tpu.memory_space<hbm>> -> memref<40x128xi32, #tpu.memory_space<hbm>>
          %dma_wait3A_224 = arith.constant 0 : i32
          %dma_wait3A_225 = tpu.memref_slice %arg5[%arg1, %multiple_of3A_63, %dma_wait3A_224] : memref<16x160x128xi32, #tpu.memory_space<hbm>> -> memref<1x40x128xi32, #tpu.memory_space<hbm>>
          %dma_wait3A_226 = tpu.memref_squeeze %dma_wait3A_225 : memref<1x40x128xi32, #tpu.memory_space<hbm>> -> memref<40x128xi32, #tpu.memory_space<hbm>>
          tpu.wait_dma2 semaphore(%run_scoped3A_214 : memref<!tpu.dma_semaphore, #tpu.memory_space<semaphore_mem>>) src(%dma_wait3A_226 : memref<40x128xi32, #tpu.memory_space<hbm>>) dst(%arg12 : memref<40x128xi32, #tpu.memory_space<vmem>>)
          tpu.yield
        }) : () -> ()
        %dma_start3A = arith.constant 0 : i32
        %dma_start3A_64 = arith.constant 0 : i32
        %dma_start3A_65 = arith.constant 0 : i32
        %dma_start3A_66 = arith.constant 0 : i32
        %dma_start3A_67 = tpu.memref_slice %arg13[%dma_start3A_64, %dma_start3A_65, %dma_start3A_66] : memref<2x128x128xf32, #tpu.memory_space<vmem>> -> memref<1x64x128xf32, #tpu.memory_space<vmem>>
        %dma_start3A_68 = tpu.memref_squeeze %dma_start3A_67 : memref<1x64x128xf32, #tpu.memory_space<vmem>> -> memref<64x128xf32, #tpu.memory_space<vmem>>
        %dma_start3A_69 = arith.constant 0 : i32
        %dma_start3A_70 = tpu.memref_slice %arg11[%dma_start3A, %dma_start3A_69] : memref<40x128xi32, #tpu.memory_space<vmem>> -> memref<1x64xi32, #tpu.memory_space<vmem>>
        %dma_start3A_71 = tpu.memref_squeeze %dma_start3A_70 : memref<1x64xi32, #tpu.memory_space<vmem>> -> memref<64xi32, #tpu.memory_space<vmem>>
        %dma_start3A_72 = arith.constant 0 : i32
        %dma_start3A_73 = arith.constant 0 : i32
        %dma_start3A_74 = tpu.memref_slice %arg2[%dma_start3A_72, %dma_start3A_73] : memref<10064x128xf32, #tpu.memory_space<hbm>> -> memref<10064x128xf32, #tpu.memory_space<hbm>>
        tpu.enqueue_indirect_dma source(%dma_start3A_74 : memref<10064x128xf32, #tpu.memory_space<hbm>>) target(%dma_start3A_68 : memref<64x128xf32, #tpu.memory_space<vmem>>) offsets(%dma_start3A_71 : memref<64xi32, #tpu.memory_space<vmem>>) semaphore(%arg15 : memref<!tpu.dma_semaphore, #tpu.memory_space<semaphore_mem>>)
        %dma_start3A_75 = arith.constant 0 : i32
        %dma_start3A_76 = arith.constant 0 : i32
        %dma_start3A_77 = arith.constant 64 : i32
        %dma_start3A_78 = arith.constant 0 : i32
        %dma_start3A_79 = tpu.memref_slice %arg13[%dma_start3A_76, %dma_start3A_77, %dma_start3A_78] : memref<2x128x128xf32, #tpu.memory_space<vmem>> -> memref<1x64x128xf32, #tpu.memory_space<vmem>>
        %dma_start3A_80 = tpu.memref_squeeze %dma_start3A_79 : memref<1x64x128xf32, #tpu.memory_space<vmem>> -> memref<64x128xf32, #tpu.memory_space<vmem>>
        %dma_start3A_81 = arith.constant 64 : i32
        %dma_start3A_82 = tpu.memref_slice %arg11[%dma_start3A_75, %dma_start3A_81] : memref<40x128xi32, #tpu.memory_space<vmem>> -> memref<1x64xi32, #tpu.memory_space<vmem>>
        %dma_start3A_83 = tpu.memref_squeeze %dma_start3A_82 : memref<1x64xi32, #tpu.memory_space<vmem>> -> memref<64xi32, #tpu.memory_space<vmem>>
        %dma_start3A_84 = arith.constant 0 : i32
        %dma_start3A_85 = arith.constant 0 : i32
        %dma_start3A_86 = tpu.memref_slice %arg2[%dma_start3A_84, %dma_start3A_85] : memref<10064x128xf32, #tpu.memory_space<hbm>> -> memref<10064x128xf32, #tpu.memory_space<hbm>>
        tpu.enqueue_indirect_dma source(%dma_start3A_86 : memref<10064x128xf32, #tpu.memory_space<hbm>>) target(%dma_start3A_80 : memref<64x128xf32, #tpu.memory_space<vmem>>) offsets(%dma_start3A_83 : memref<64xi32, #tpu.memory_space<vmem>>) semaphore(%arg15 : memref<!tpu.dma_semaphore, #tpu.memory_space<semaphore_mem>>)
        %dma_wait3A = arith.constant 0 : i32
        %dma_wait3A_87 = arith.constant 0 : i32
        %dma_wait3A_88 = arith.constant 0 : i32
        %dma_wait3A_89 = arith.constant 0 : i32
        %dma_wait3A_90 = tpu.memref_slice %arg13[%dma_wait3A_87, %dma_wait3A_88, %dma_wait3A_89] : memref<2x128x128xf32, #tpu.memory_space<vmem>> -> memref<1x64x128xf32, #tpu.memory_space<vmem>>
        %dma_wait3A_91 = tpu.memref_squeeze %dma_wait3A_90 : memref<1x64x128xf32, #tpu.memory_space<vmem>> -> memref<64x128xf32, #tpu.memory_space<vmem>>
        %dma_wait3A_92 = arith.constant 0 : i32
        %dma_wait3A_93 = tpu.memref_slice %arg11[%dma_wait3A, %dma_wait3A_92] : memref<40x128xi32, #tpu.memory_space<vmem>> -> memref<1x64xi32, #tpu.memory_space<vmem>>
        %dma_wait3A_94 = tpu.memref_squeeze %dma_wait3A_93 : memref<1x64xi32, #tpu.memory_space<vmem>> -> memref<64xi32, #tpu.memory_space<vmem>>
        %dma_wait3A_95 = arith.constant 0 : i32
        %dma_wait3A_96 = arith.constant 0 : i32
        %dma_wait3A_97 = tpu.memref_slice %arg2[%dma_wait3A_95, %dma_wait3A_96] : memref<10064x128xf32, #tpu.memory_space<hbm>> -> memref<10064x128xf32, #tpu.memory_space<hbm>>
        tpu.wait_indirect_dma semaphore(%arg15 : memref<!tpu.dma_semaphore, #tpu.memory_space<semaphore_mem>>) src(%dma_wait3A_97 : memref<10064x128xf32, #tpu.memory_space<hbm>>) dst(%dma_wait3A_91 : memref<64x128xf32, #tpu.memory_space<vmem>>)
        %dma_wait3A_98 = arith.constant 0 : i32
        %dma_wait3A_99 = arith.constant 0 : i32
        %dma_wait3A_100 = arith.constant 0 : i32
        %dma_wait3A_101 = arith.constant 0 : i32
        %dma_wait3A_102 = tpu.memref_slice %arg13[%dma_wait3A_99, %dma_wait3A_100, %dma_wait3A_101] : memref<2x128x128xf32, #tpu.memory_space<vmem>> -> memref<1x64x128xf32, #tpu.memory_space<vmem>>
        %dma_wait3A_103 = tpu.memref_squeeze %dma_wait3A_102 : memref<1x64x128xf32, #tpu.memory_space<vmem>> -> memref<64x128xf32, #tpu.memory_space<vmem>>
        %dma_wait3A_104 = arith.constant 0 : i32
        %dma_wait3A_105 = tpu.memref_slice %arg11[%dma_wait3A_98, %dma_wait3A_104] : memref<40x128xi32, #tpu.memory_space<vmem>> -> memref<1x64xi32, #tpu.memory_space<vmem>>
        %dma_wait3A_106 = tpu.memref_squeeze %dma_wait3A_105 : memref<1x64xi32, #tpu.memory_space<vmem>> -> memref<64xi32, #tpu.memory_space<vmem>>
        %dma_wait3A_107 = arith.constant 0 : i32
        %dma_wait3A_108 = arith.constant 0 : i32
        %dma_wait3A_109 = tpu.memref_slice %arg2[%dma_wait3A_107, %dma_wait3A_108] : memref<10064x128xf32, #tpu.memory_space<hbm>> -> memref<10064x128xf32, #tpu.memory_space<hbm>>
        tpu.wait_indirect_dma semaphore(%arg15 : memref<!tpu.dma_semaphore, #tpu.memory_space<semaphore_mem>>) src(%dma_wait3A_109 : memref<10064x128xf32, #tpu.memory_space<hbm>>) dst(%dma_wait3A_103 : memref<64x128xf32, #tpu.memory_space<vmem>>)
        %dma_start3A_110 = arith.constant 0 : i32
        %dma_start3A_111 = arith.constant 0 : i32
        %dma_start3A_112 = arith.constant 0 : i32
        %dma_start3A_113 = arith.constant 0 : i32
        %dma_start3A_114 = tpu.memref_slice %arg13[%dma_start3A_110, %dma_start3A_112, %dma_start3A_113] : memref<2x128x128xf32, #tpu.memory_space<vmem>> -> memref<1x128x128xf32, #tpu.memory_space<vmem>>
        %dma_start3A_115 = tpu.memref_squeeze %dma_start3A_114 : memref<1x128x128xf32, #tpu.memory_space<vmem>> -> memref<128x128xf32, #tpu.memory_space<vmem>>
        %dma_start3A_116 = arith.constant 0 : i32
        %dma_start3A_117 = tpu.memref_slice %arg12[%dma_start3A_111, %dma_start3A_116] : memref<40x128xi32, #tpu.memory_space<vmem>> -> memref<1x128xi32, #tpu.memory_space<vmem>>
        %dma_start3A_118 = tpu.memref_squeeze %dma_start3A_117 : memref<1x128xi32, #tpu.memory_space<vmem>> -> memref<128xi32, #tpu.memory_space<vmem>>
        %dma_start3A_119 = arith.constant 0 : i32
        %dma_start3A_120 = arith.constant 0 : i32
        %dma_start3A_121 = tpu.memref_slice %arg14[%dma_start3A_119, %dma_start3A_120] : memref<10064x128xf32, #tpu.memory_space<vmem_shared>> -> memref<10064x128xf32, #tpu.memory_space<vmem_shared>>
        tpu.enqueue_indirect_dma source(%dma_start3A_115 : memref<128x128xf32, #tpu.memory_space<vmem>>) target(%dma_start3A_121 : memref<10064x128xf32, #tpu.memory_space<vmem_shared>>) offsets(%dma_start3A_118 : memref<128xi32, #tpu.memory_space<vmem>>) semaphore(%arg16 : memref<!tpu.dma_semaphore, #tpu.memory_space<semaphore_mem>>) {add = true}
        %dma_start3A_122 = arith.constant 1 : i32
        %dma_start3A_123 = arith.constant 1 : i32
        %dma_start3A_124 = arith.constant 0 : i32
        %dma_start3A_125 = arith.constant 0 : i32
        %dma_start3A_126 = tpu.memref_slice %arg13[%dma_start3A_123, %dma_start3A_124, %dma_start3A_125] : memref<2x128x128xf32, #tpu.memory_space<vmem>> -> memref<1x64x128xf32, #tpu.memory_space<vmem>>
        %dma_start3A_127 = tpu.memref_squeeze %dma_start3A_126 : memref<1x64x128xf32, #tpu.memory_space<vmem>> -> memref<64x128xf32, #tpu.memory_space<vmem>>
        %dma_start3A_128 = arith.constant 0 : i32
        %dma_start3A_129 = tpu.memref_slice %arg11[%dma_start3A_122, %dma_start3A_128] : memref<40x128xi32, #tpu.memory_space<vmem>> -> memref<1x64xi32, #tpu.memory_space<vmem>>
        %dma_start3A_130 = tpu.memref_squeeze %dma_start3A_129 : memref<1x64xi32, #tpu.memory_space<vmem>> -> memref<64xi32, #tpu.memory_space<vmem>>
        %dma_start3A_131 = arith.constant 0 : i32
        %dma_start3A_132 = arith.constant 0 : i32
        %dma_start3A_133 = tpu.memref_slice %arg2[%dma_start3A_131, %dma_start3A_132] : memref<10064x128xf32, #tpu.memory_space<hbm>> -> memref<10064x128xf32, #tpu.memory_space<hbm>>
        tpu.enqueue_indirect_dma source(%dma_start3A_133 : memref<10064x128xf32, #tpu.memory_space<hbm>>) target(%dma_start3A_127 : memref<64x128xf32, #tpu.memory_space<vmem>>) offsets(%dma_start3A_130 : memref<64xi32, #tpu.memory_space<vmem>>) semaphore(%arg15 : memref<!tpu.dma_semaphore, #tpu.memory_space<semaphore_mem>>)
        %dma_start3A_134 = arith.constant 1 : i32
        %dma_start3A_135 = arith.constant 1 : i32
        %dma_start3A_136 = arith.constant 64 : i32
        %dma_start3A_137 = arith.constant 0 : i32
        %dma_start3A_138 = tpu.memref_slice %arg13[%dma_start3A_135, %dma_start3A_136, %dma_start3A_137] : memref<2x128x128xf32, #tpu.memory_space<vmem>> -> memref<1x64x128xf32, #tpu.memory_space<vmem>>
        %dma_start3A_139 = tpu.memref_squeeze %dma_start3A_138 : memref<1x64x128xf32, #tpu.memory_space<vmem>> -> memref<64x128xf32, #tpu.memory_space<vmem>>
        %dma_start3A_140 = arith.constant 64 : i32
        %dma_start3A_141 = tpu.memref_slice %arg11[%dma_start3A_134, %dma_start3A_140] : memref<40x128xi32, #tpu.memory_space<vmem>> -> memref<1x64xi32, #tpu.memory_space<vmem>>
        %dma_start3A_142 = tpu.memref_squeeze %dma_start3A_141 : memref<1x64xi32, #tpu.memory_space<vmem>> -> memref<64xi32, #tpu.memory_space<vmem>>
        %dma_start3A_143 = arith.constant 0 : i32
        %dma_start3A_144 = arith.constant 0 : i32
        %dma_start3A_145 = tpu.memref_slice %arg2[%dma_start3A_143, %dma_start3A_144] : memref<10064x128xf32, #tpu.memory_space<hbm>> -> memref<10064x128xf32, #tpu.memory_space<hbm>>
        tpu.enqueue_indirect_dma source(%dma_start3A_145 : memref<10064x128xf32, #tpu.memory_space<hbm>>) target(%dma_start3A_139 : memref<64x128xf32, #tpu.memory_space<vmem>>) offsets(%dma_start3A_142 : memref<64xi32, #tpu.memory_space<vmem>>) semaphore(%arg15 : memref<!tpu.dma_semaphore, #tpu.memory_space<semaphore_mem>>)
        %scan3A_146 = arith.constant 0 : i32
        %scan3A_147 = arith.constant 0 : i32
        %scan3A_148 = arith.constant 19 : i32
        %scan3A_149 = arith.addi %scan3A_147, %scan3A_148 : i32
        %scan3A_150 = arith.constant 1 : i32
        %scan3A_151 = scf.for %scan3A_214 = %scan3A_147 to %scan3A_149 step %scan3A_150 iter_args(%scan3A_215 = %scan3A_146) -> (i32)  : i32 {
          %mul3A_216 = arith.constant 2 : i32
          %mul3A_217 = arith.muli %scan3A_214, %mul3A_216 : i32
          %add3A_218 = arith.constant 1 : i32
          %add3A_219 = arith.addi %add3A_218, %mul3A_217 : i32
          %add3A_220 = arith.constant 0 : i32
          %add3A_221 = arith.addi %add3A_219, %add3A_220 : i32
          %dma_wait3A_222 = arith.constant 0 : i32
          %dma_wait3A_223 = arith.constant 1 : i32
          %dma_wait3A_224 = arith.constant 0 : i32
          %dma_wait3A_225 = arith.constant 0 : i32
          %dma_wait3A_226 = tpu.memref_slice %arg13[%dma_wait3A_223, %dma_wait3A_224, %dma_wait3A_225] : memref<2x128x128xf32, #tpu.memory_space<vmem>> -> memref<1x64x128xf32, #tpu.memory_space<vmem>>
          %dma_wait3A_227 = tpu.memref_squeeze %dma_wait3A_226 : memref<1x64x128xf32, #tpu.memory_space<vmem>> -> memref<64x128xf32, #tpu.memory_space<vmem>>
          %dma_wait3A_228 = arith.constant 0 : i32
          %dma_wait3A_229 = tpu.memref_slice %arg11[%dma_wait3A_222, %dma_wait3A_228] : memref<40x128xi32, #tpu.memory_space<vmem>> -> memref<1x64xi32, #tpu.memory_space<vmem>>
          %dma_wait3A_230 = tpu.memref_squeeze %dma_wait3A_229 : memref<1x64xi32, #tpu.memory_space<vmem>> -> memref<64xi32, #tpu.memory_space<vmem>>
          %dma_wait3A_231 = arith.constant 0 : i32
          %dma_wait3A_232 = arith.constant 0 : i32
          %dma_wait3A_233 = tpu.memref_slice %arg2[%dma_wait3A_231, %dma_wait3A_232] : memref<10064x128xf32, #tpu.memory_space<hbm>> -> memref<10064x128xf32, #tpu.memory_space<hbm>>
          tpu.wait_indirect_dma semaphore(%arg15 : memref<!tpu.dma_semaphore, #tpu.memory_space<semaphore_mem>>) src(%dma_wait3A_233 : memref<10064x128xf32, #tpu.memory_space<hbm>>) dst(%dma_wait3A_227 : memref<64x128xf32, #tpu.memory_space<vmem>>)
          %dma_wait3A_234 = arith.constant 0 : i32
          %dma_wait3A_235 = arith.constant 1 : i32
          %dma_wait3A_236 = arith.constant 0 : i32
          %dma_wait3A_237 = arith.constant 0 : i32
          %dma_wait3A_238 = tpu.memref_slice %arg13[%dma_wait3A_235, %dma_wait3A_236, %dma_wait3A_237] : memref<2x128x128xf32, #tpu.memory_space<vmem>> -> memref<1x64x128xf32, #tpu.memory_space<vmem>>
          %dma_wait3A_239 = tpu.memref_squeeze %dma_wait3A_238 : memref<1x64x128xf32, #tpu.memory_space<vmem>> -> memref<64x128xf32, #tpu.memory_space<vmem>>
          %dma_wait3A_240 = arith.constant 0 : i32
          %dma_wait3A_241 = tpu.memref_slice %arg11[%dma_wait3A_234, %dma_wait3A_240] : memref<40x128xi32, #tpu.memory_space<vmem>> -> memref<1x64xi32, #tpu.memory_space<vmem>>
          %dma_wait3A_242 = tpu.memref_squeeze %dma_wait3A_241 : memref<1x64xi32, #tpu.memory_space<vmem>> -> memref<64xi32, #tpu.memory_space<vmem>>
          %dma_wait3A_243 = arith.constant 0 : i32
          %dma_wait3A_244 = arith.constant 0 : i32
          %dma_wait3A_245 = tpu.memref_slice %arg2[%dma_wait3A_243, %dma_wait3A_244] : memref<10064x128xf32, #tpu.memory_space<hbm>> -> memref<10064x128xf32, #tpu.memory_space<hbm>>
          tpu.wait_indirect_dma semaphore(%arg15 : memref<!tpu.dma_semaphore, #tpu.memory_space<semaphore_mem>>) src(%dma_wait3A_245 : memref<10064x128xf32, #tpu.memory_space<hbm>>) dst(%dma_wait3A_239 : memref<64x128xf32, #tpu.memory_space<vmem>>)
          %dma_start3A_246 = arith.constant 1 : i32
          %dma_start3A_247 = arith.constant 0 : i32
          %dma_start3A_248 = arith.constant 0 : i32
          %dma_start3A_249 = tpu.memref_slice %arg13[%dma_start3A_246, %dma_start3A_247, %dma_start3A_248] : memref<2x128x128xf32, #tpu.memory_space<vmem>> -> memref<1x128x128xf32, #tpu.memory_space<vmem>>
          %dma_start3A_250 = tpu.memref_squeeze %dma_start3A_249 : memref<1x128x128xf32, #tpu.memory_space<vmem>> -> memref<128x128xf32, #tpu.memory_space<vmem>>
          %dma_start3A_251 = arith.constant 0 : i32
          %dma_start3A_252 = tpu.memref_slice %arg12[%add3A_221, %dma_start3A_251] : memref<40x128xi32, #tpu.memory_space<vmem>> -> memref<1x128xi32, #tpu.memory_space<vmem>>
          %dma_start3A_253 = tpu.memref_squeeze %dma_start3A_252 : memref<1x128xi32, #tpu.memory_space<vmem>> -> memref<128xi32, #tpu.memory_space<vmem>>
          %dma_start3A_254 = arith.constant 0 : i32
          %dma_start3A_255 = arith.constant 0 : i32
          %dma_start3A_256 = tpu.memref_slice %arg14[%dma_start3A_254, %dma_start3A_255] : memref<10064x128xf32, #tpu.memory_space<vmem_shared>> -> memref<10064x128xf32, #tpu.memory_space<vmem_shared>>
          tpu.enqueue_indirect_dma source(%dma_start3A_250 : memref<128x128xf32, #tpu.memory_space<vmem>>) target(%dma_start3A_256 : memref<10064x128xf32, #tpu.memory_space<vmem_shared>>) offsets(%dma_start3A_253 : memref<128xi32, #tpu.memory_space<vmem>>) semaphore(%arg16 : memref<!tpu.dma_semaphore, #tpu.memory_space<semaphore_mem>>) {add = true}
          %dma_wait3A_257 = arith.constant 0 : i32
          %dma_wait3A_258 = arith.constant 0 : i32
          %dma_wait3A_259 = arith.constant 0 : i32
          %dma_wait3A_260 = arith.constant 0 : i32
          %dma_wait3A_261 = tpu.memref_slice %arg13[%dma_wait3A_257, %dma_wait3A_259, %dma_wait3A_260] : memref<2x128x128xf32, #tpu.memory_space<vmem>> -> memref<1x128x128xf32, #tpu.memory_space<vmem>>
          %dma_wait3A_262 = tpu.memref_squeeze %dma_wait3A_261 : memref<1x128x128xf32, #tpu.memory_space<vmem>> -> memref<128x128xf32, #tpu.memory_space<vmem>>
          %dma_wait3A_263 = arith.constant 0 : i32
          %dma_wait3A_264 = tpu.memref_slice %arg12[%dma_wait3A_258, %dma_wait3A_263] : memref<40x128xi32, #tpu.memory_space<vmem>> -> memref<1x128xi32, #tpu.memory_space<vmem>>
          %dma_wait3A_265 = tpu.memref_squeeze %dma_wait3A_264 : memref<1x128xi32, #tpu.memory_space<vmem>> -> memref<128xi32, #tpu.memory_space<vmem>>
          %dma_wait3A_266 = arith.constant 0 : i32
          %dma_wait3A_267 = arith.constant 0 : i32
          %dma_wait3A_268 = tpu.memref_slice %arg14[%dma_wait3A_266, %dma_wait3A_267] : memref<10064x128xf32, #tpu.memory_space<vmem_shared>> -> memref<10064x128xf32, #tpu.memory_space<vmem_shared>>
          tpu.wait_indirect_dma semaphore(%arg16 : memref<!tpu.dma_semaphore, #tpu.memory_space<semaphore_mem>>) src(%dma_wait3A_262 : memref<128x128xf32, #tpu.memory_space<vmem>>) dst(%dma_wait3A_268 : memref<10064x128xf32, #tpu.memory_space<vmem_shared>>)
          %add3A_269 = arith.constant 1 : i32
          %add3A_270 = arith.addi %add3A_221, %add3A_269 : i32
          %dma_start3A_271 = arith.constant 0 : i32
          %dma_start3A_272 = arith.constant 0 : i32
          %dma_start3A_273 = arith.constant 0 : i32
          %dma_start3A_274 = tpu.memref_slice %arg13[%dma_start3A_271, %dma_start3A_272, %dma_start3A_273] : memref<2x128x128xf32, #tpu.memory_space<vmem>> -> memref<1x64x128xf32, #tpu.memory_space<vmem>>
          %dma_start3A_275 = tpu.memref_squeeze %dma_start3A_274 : memref<1x64x128xf32, #tpu.memory_space<vmem>> -> memref<64x128xf32, #tpu.memory_space<vmem>>
          %dma_start3A_276 = arith.constant 0 : i32
          %dma_start3A_277 = tpu.memref_slice %arg11[%add3A_270, %dma_start3A_276] : memref<40x128xi32, #tpu.memory_space<vmem>> -> memref<1x64xi32, #tpu.memory_space<vmem>>
          %dma_start3A_278 = tpu.memref_squeeze %dma_start3A_277 : memref<1x64xi32, #tpu.memory_space<vmem>> -> memref<64xi32, #tpu.memory_space<vmem>>
          %dma_start3A_279 = arith.constant 0 : i32
          %dma_start3A_280 = arith.constant 0 : i32
          %dma_start3A_281 = tpu.memref_slice %arg2[%dma_start3A_279, %dma_start3A_280] : memref<10064x128xf32, #tpu.memory_space<hbm>> -> memref<10064x128xf32, #tpu.memory_space<hbm>>
          tpu.enqueue_indirect_dma source(%dma_start3A_281 : memref<10064x128xf32, #tpu.memory_space<hbm>>) target(%dma_start3A_275 : memref<64x128xf32, #tpu.memory_space<vmem>>) offsets(%dma_start3A_278 : memref<64xi32, #tpu.memory_space<vmem>>) semaphore(%arg15 : memref<!tpu.dma_semaphore, #tpu.memory_space<semaphore_mem>>)
          %dma_start3A_282 = arith.constant 0 : i32
          %dma_start3A_283 = arith.constant 64 : i32
          %dma_start3A_284 = arith.constant 0 : i32
          %dma_start3A_285 = tpu.memref_slice %arg13[%dma_start3A_282, %dma_start3A_283, %dma_start3A_284] : memref<2x128x128xf32, #tpu.memory_space<vmem>> -> memref<1x64x128xf32, #tpu.memory_space<vmem>>
          %dma_start3A_286 = tpu.memref_squeeze %dma_start3A_285 : memref<1x64x128xf32, #tpu.memory_space<vmem>> -> memref<64x128xf32, #tpu.memory_space<vmem>>
          %dma_start3A_287 = arith.constant 64 : i32
          %dma_start3A_288 = tpu.memref_slice %arg11[%add3A_270, %dma_start3A_287] : memref<40x128xi32, #tpu.memory_space<vmem>> -> memref<1x64xi32, #tpu.memory_space<vmem>>
          %dma_start3A_289 = tpu.memref_squeeze %dma_start3A_288 : memref<1x64xi32, #tpu.memory_space<vmem>> -> memref<64xi32, #tpu.memory_space<vmem>>
          %dma_start3A_290 = arith.constant 0 : i32
          %dma_start3A_291 = arith.constant 0 : i32
          %dma_start3A_292 = tpu.memref_slice %arg2[%dma_start3A_290, %dma_start3A_291] : memref<10064x128xf32, #tpu.memory_space<hbm>> -> memref<10064x128xf32, #tpu.memory_space<hbm>>
          tpu.enqueue_indirect_dma source(%dma_start3A_292 : memref<10064x128xf32, #tpu.memory_space<hbm>>) target(%dma_start3A_286 : memref<64x128xf32, #tpu.memory_space<vmem>>) offsets(%dma_start3A_289 : memref<64xi32, #tpu.memory_space<vmem>>) semaphore(%arg15 : memref<!tpu.dma_semaphore, #tpu.memory_space<semaphore_mem>>)
          %mul3A_293 = arith.constant 2 : i32
          %mul3A_294 = arith.muli %scan3A_214, %mul3A_293 : i32
          %add3A_295 = arith.constant 1 : i32
          %add3A_296 = arith.addi %add3A_295, %mul3A_294 : i32
          %add3A_297 = arith.constant 1 : i32
          %add3A_298 = arith.addi %add3A_296, %add3A_297 : i32
          %dma_wait3A_299 = arith.constant 0 : i32
          %dma_wait3A_300 = arith.constant 0 : i32
          %dma_wait3A_301 = arith.constant 0 : i32
          %dma_wait3A_302 = arith.constant 0 : i32
          %dma_wait3A_303 = tpu.memref_slice %arg13[%dma_wait3A_300, %dma_wait3A_301, %dma_wait3A_302] : memref<2x128x128xf32, #tpu.memory_space<vmem>> -> memref<1x64x128xf32, #tpu.memory_space<vmem>>
          %dma_wait3A_304 = tpu.memref_squeeze %dma_wait3A_303 : memref<1x64x128xf32, #tpu.memory_space<vmem>> -> memref<64x128xf32, #tpu.memory_space<vmem>>
          %dma_wait3A_305 = arith.constant 0 : i32
          %dma_wait3A_306 = tpu.memref_slice %arg11[%dma_wait3A_299, %dma_wait3A_305] : memref<40x128xi32, #tpu.memory_space<vmem>> -> memref<1x64xi32, #tpu.memory_space<vmem>>
          %dma_wait3A_307 = tpu.memref_squeeze %dma_wait3A_306 : memref<1x64xi32, #tpu.memory_space<vmem>> -> memref<64xi32, #tpu.memory_space<vmem>>
          %dma_wait3A_308 = arith.constant 0 : i32
          %dma_wait3A_309 = arith.constant 0 : i32
          %dma_wait3A_310 = tpu.memref_slice %arg2[%dma_wait3A_308, %dma_wait3A_309] : memref<10064x128xf32, #tpu.memory_space<hbm>> -> memref<10064x128xf32, #tpu.memory_space<hbm>>
          tpu.wait_indirect_dma semaphore(%arg15 : memref<!tpu.dma_semaphore, #tpu.memory_space<semaphore_mem>>) src(%dma_wait3A_310 : memref<10064x128xf32, #tpu.memory_space<hbm>>) dst(%dma_wait3A_304 : memref<64x128xf32, #tpu.memory_space<vmem>>)
          %dma_wait3A_311 = arith.constant 0 : i32
          %dma_wait3A_312 = arith.constant 0 : i32
          %dma_wait3A_313 = arith.constant 0 : i32
          %dma_wait3A_314 = arith.constant 0 : i32
          %dma_wait3A_315 = tpu.memref_slice %arg13[%dma_wait3A_312, %dma_wait3A_313, %dma_wait3A_314] : memref<2x128x128xf32, #tpu.memory_space<vmem>> -> memref<1x64x128xf32, #tpu.memory_space<vmem>>
          %dma_wait3A_316 = tpu.memref_squeeze %dma_wait3A_315 : memref<1x64x128xf32, #tpu.memory_space<vmem>> -> memref<64x128xf32, #tpu.memory_space<vmem>>
          %dma_wait3A_317 = arith.constant 0 : i32
          %dma_wait3A_318 = tpu.memref_slice %arg11[%dma_wait3A_311, %dma_wait3A_317] : memref<40x128xi32, #tpu.memory_space<vmem>> -> memref<1x64xi32, #tpu.memory_space<vmem>>
          %dma_wait3A_319 = tpu.memref_squeeze %dma_wait3A_318 : memref<1x64xi32, #tpu.memory_space<vmem>> -> memref<64xi32, #tpu.memory_space<vmem>>
          %dma_wait3A_320 = arith.constant 0 : i32
          %dma_wait3A_321 = arith.constant 0 : i32
          %dma_wait3A_322 = tpu.memref_slice %arg2[%dma_wait3A_320, %dma_wait3A_321] : memref<10064x128xf32, #tpu.memory_space<hbm>> -> memref<10064x128xf32, #tpu.memory_space<hbm>>
          tpu.wait_indirect_dma semaphore(%arg15 : memref<!tpu.dma_semaphore, #tpu.memory_space<semaphore_mem>>) src(%dma_wait3A_322 : memref<10064x128xf32, #tpu.memory_space<hbm>>) dst(%dma_wait3A_316 : memref<64x128xf32, #tpu.memory_space<vmem>>)
          %dma_start3A_323 = arith.constant 0 : i32
          %dma_start3A_324 = arith.constant 0 : i32
          %dma_start3A_325 = arith.constant 0 : i32
          %dma_start3A_326 = tpu.memref_slice %arg13[%dma_start3A_323, %dma_start3A_324, %dma_start3A_325] : memref<2x128x128xf32, #tpu.memory_space<vmem>> -> memref<1x128x128xf32, #tpu.memory_space<vmem>>
          %dma_start3A_327 = tpu.memref_squeeze %dma_start3A_326 : memref<1x128x128xf32, #tpu.memory_space<vmem>> -> memref<128x128xf32, #tpu.memory_space<vmem>>
          %dma_start3A_328 = arith.constant 0 : i32
          %dma_start3A_329 = tpu.memref_slice %arg12[%add3A_298, %dma_start3A_328] : memref<40x128xi32, #tpu.memory_space<vmem>> -> memref<1x128xi32, #tpu.memory_space<vmem>>
          %dma_start3A_330 = tpu.memref_squeeze %dma_start3A_329 : memref<1x128xi32, #tpu.memory_space<vmem>> -> memref<128xi32, #tpu.memory_space<vmem>>
          %dma_start3A_331 = arith.constant 0 : i32
          %dma_start3A_332 = arith.constant 0 : i32
          %dma_start3A_333 = tpu.memref_slice %arg14[%dma_start3A_331, %dma_start3A_332] : memref<10064x128xf32, #tpu.memory_space<vmem_shared>> -> memref<10064x128xf32, #tpu.memory_space<vmem_shared>>
          tpu.enqueue_indirect_dma source(%dma_start3A_327 : memref<128x128xf32, #tpu.memory_space<vmem>>) target(%dma_start3A_333 : memref<10064x128xf32, #tpu.memory_space<vmem_shared>>) offsets(%dma_start3A_330 : memref<128xi32, #tpu.memory_space<vmem>>) semaphore(%arg16 : memref<!tpu.dma_semaphore, #tpu.memory_space<semaphore_mem>>) {add = true}
          %dma_wait3A_334 = arith.constant 1 : i32
          %dma_wait3A_335 = arith.constant 0 : i32
          %dma_wait3A_336 = arith.constant 0 : i32
          %dma_wait3A_337 = arith.constant 0 : i32
          %dma_wait3A_338 = tpu.memref_slice %arg13[%dma_wait3A_334, %dma_wait3A_336, %dma_wait3A_337] : memref<2x128x128xf32, #tpu.memory_space<vmem>> -> memref<1x128x128xf32, #tpu.memory_space<vmem>>
          %dma_wait3A_339 = tpu.memref_squeeze %dma_wait3A_338 : memref<1x128x128xf32, #tpu.memory_space<vmem>> -> memref<128x128xf32, #tpu.memory_space<vmem>>
          %dma_wait3A_340 = arith.constant 0 : i32
          %dma_wait3A_341 = tpu.memref_slice %arg12[%dma_wait3A_335, %dma_wait3A_340] : memref<40x128xi32, #tpu.memory_space<vmem>> -> memref<1x128xi32, #tpu.memory_space<vmem>>
          %dma_wait3A_342 = tpu.memref_squeeze %dma_wait3A_341 : memref<1x128xi32, #tpu.memory_space<vmem>> -> memref<128xi32, #tpu.memory_space<vmem>>
          %dma_wait3A_343 = arith.constant 0 : i32
          %dma_wait3A_344 = arith.constant 0 : i32
          %dma_wait3A_345 = tpu.memref_slice %arg14[%dma_wait3A_343, %dma_wait3A_344] : memref<10064x128xf32, #tpu.memory_space<vmem_shared>> -> memref<10064x128xf32, #tpu.memory_space<vmem_shared>>
          tpu.wait_indirect_dma semaphore(%arg16 : memref<!tpu.dma_semaphore, #tpu.memory_space<semaphore_mem>>) src(%dma_wait3A_339 : memref<128x128xf32, #tpu.memory_space<vmem>>) dst(%dma_wait3A_345 : memref<10064x128xf32, #tpu.memory_space<vmem_shared>>)
          %add3A_346 = arith.constant 1 : i32
          %add3A_347 = arith.addi %add3A_298, %add3A_346 : i32
          %dma_start3A_348 = arith.constant 1 : i32
          %dma_start3A_349 = arith.constant 0 : i32
          %dma_start3A_350 = arith.constant 0 : i32
          %dma_start3A_351 = tpu.memref_slice %arg13[%dma_start3A_348, %dma_start3A_349, %dma_start3A_350] : memref<2x128x128xf32, #tpu.memory_space<vmem>> -> memref<1x64x128xf32, #tpu.memory_space<vmem>>
          %dma_start3A_352 = tpu.memref_squeeze %dma_start3A_351 : memref<1x64x128xf32, #tpu.memory_space<vmem>> -> memref<64x128xf32, #tpu.memory_space<vmem>>
          %dma_start3A_353 = arith.constant 0 : i32
          %dma_start3A_354 = tpu.memref_slice %arg11[%add3A_347, %dma_start3A_353] : memref<40x128xi32, #tpu.memory_space<vmem>> -> memref<1x64xi32, #tpu.memory_space<vmem>>
          %dma_start3A_355 = tpu.memref_squeeze %dma_start3A_354 : memref<1x64xi32, #tpu.memory_space<vmem>> -> memref<64xi32, #tpu.memory_space<vmem>>
          %dma_start3A_356 = arith.constant 0 : i32
          %dma_start3A_357 = arith.constant 0 : i32
          %dma_start3A_358 = tpu.memref_slice %arg2[%dma_start3A_356, %dma_start3A_357] : memref<10064x128xf32, #tpu.memory_space<hbm>> -> memref<10064x128xf32, #tpu.memory_space<hbm>>
          tpu.enqueue_indirect_dma source(%dma_start3A_358 : memref<10064x128xf32, #tpu.memory_space<hbm>>) target(%dma_start3A_352 : memref<64x128xf32, #tpu.memory_space<vmem>>) offsets(%dma_start3A_355 : memref<64xi32, #tpu.memory_space<vmem>>) semaphore(%arg15 : memref<!tpu.dma_semaphore, #tpu.memory_space<semaphore_mem>>)
          %dma_start3A_359 = arith.constant 1 : i32
          %dma_start3A_360 = arith.constant 64 : i32
          %dma_start3A_361 = arith.constant 0 : i32
          %dma_start3A_362 = tpu.memref_slice %arg13[%dma_start3A_359, %dma_start3A_360, %dma_start3A_361] : memref<2x128x128xf32, #tpu.memory_space<vmem>> -> memref<1x64x128xf32, #tpu.memory_space<vmem>>
          %dma_start3A_363 = tpu.memref_squeeze %dma_start3A_362 : memref<1x64x128xf32, #tpu.memory_space<vmem>> -> memref<64x128xf32, #tpu.memory_space<vmem>>
          %dma_start3A_364 = arith.constant 64 : i32
          %dma_start3A_365 = tpu.memref_slice %arg11[%add3A_347, %dma_start3A_364] : memref<40x128xi32, #tpu.memory_space<vmem>> -> memref<1x64xi32, #tpu.memory_space<vmem>>
          %dma_start3A_366 = tpu.memref_squeeze %dma_start3A_365 : memref<1x64xi32, #tpu.memory_space<vmem>> -> memref<64xi32, #tpu.memory_space<vmem>>
          %dma_start3A_367 = arith.constant 0 : i32
          %dma_start3A_368 = arith.constant 0 : i32
          %dma_start3A_369 = tpu.memref_slice %arg2[%dma_start3A_367, %dma_start3A_368] : memref<10064x128xf32, #tpu.memory_space<hbm>> -> memref<10064x128xf32, #tpu.memory_space<hbm>>
          tpu.enqueue_indirect_dma source(%dma_start3A_369 : memref<10064x128xf32, #tpu.memory_space<hbm>>) target(%dma_start3A_363 : memref<64x128xf32, #tpu.memory_space<vmem>>) offsets(%dma_start3A_366 : memref<64xi32, #tpu.memory_space<vmem>>) semaphore(%arg15 : memref<!tpu.dma_semaphore, #tpu.memory_space<semaphore_mem>>)
          %scan3A_370 = arith.constant 0 : i32
          scf.yield %scan3A_370 : i32
        }
        %scan3A_152 = arith.constant 19 : i32
        %dma_wait3A_153 = arith.constant 0 : i32
        %dma_wait3A_154 = arith.constant 1 : i32
        %dma_wait3A_155 = arith.constant 0 : i32
        %dma_wait3A_156 = arith.constant 0 : i32
        %dma_wait3A_157 = tpu.memref_slice %arg13[%dma_wait3A_154, %dma_wait3A_155, %dma_wait3A_156] : memref<2x128x128xf32, #tpu.memory_space<vmem>> -> memref<1x64x128xf32, #tpu.memory_space<vmem>>
        %dma_wait3A_158 = tpu.memref_squeeze %dma_wait3A_157 : memref<1x64x128xf32, #tpu.memory_space<vmem>> -> memref<64x128xf32, #tpu.memory_space<vmem>>
        %dma_wait3A_159 = arith.constant 0 : i32
        %dma_wait3A_160 = tpu.memref_slice %arg11[%dma_wait3A_153, %dma_wait3A_159] : memref<40x128xi32, #tpu.memory_space<vmem>> -> memref<1x64xi32, #tpu.memory_space<vmem>>
        %dma_wait3A_161 = tpu.memref_squeeze %dma_wait3A_160 : memref<1x64xi32, #tpu.memory_space<vmem>> -> memref<64xi32, #tpu.memory_space<vmem>>
        %dma_wait3A_162 = arith.constant 0 : i32
        %dma_wait3A_163 = arith.constant 0 : i32
        %dma_wait3A_164 = tpu.memref_slice %arg2[%dma_wait3A_162, %dma_wait3A_163] : memref<10064x128xf32, #tpu.memory_space<hbm>> -> memref<10064x128xf32, #tpu.memory_space<hbm>>
        tpu.wait_indirect_dma semaphore(%arg15 : memref<!tpu.dma_semaphore, #tpu.memory_space<semaphore_mem>>) src(%dma_wait3A_164 : memref<10064x128xf32, #tpu.memory_space<hbm>>) dst(%dma_wait3A_158 : memref<64x128xf32, #tpu.memory_space<vmem>>)
        %dma_wait3A_165 = arith.constant 0 : i32
        %dma_wait3A_166 = arith.constant 1 : i32
        %dma_wait3A_167 = arith.constant 0 : i32
        %dma_wait3A_168 = arith.constant 0 : i32
        %dma_wait3A_169 = tpu.memref_slice %arg13[%dma_wait3A_166, %dma_wait3A_167, %dma_wait3A_168] : memref<2x128x128xf32, #tpu.memory_space<vmem>> -> memref<1x64x128xf32, #tpu.memory_space<vmem>>
        %dma_wait3A_170 = tpu.memref_squeeze %dma_wait3A_169 : memref<1x64x128xf32, #tpu.memory_space<vmem>> -> memref<64x128xf32, #tpu.memory_space<vmem>>
        %dma_wait3A_171 = arith.constant 0 : i32
        %dma_wait3A_172 = tpu.memref_slice %arg11[%dma_wait3A_165, %dma_wait3A_171] : memref<40x128xi32, #tpu.memory_space<vmem>> -> memref<1x64xi32, #tpu.memory_space<vmem>>
        %dma_wait3A_173 = tpu.memref_squeeze %dma_wait3A_172 : memref<1x64xi32, #tpu.memory_space<vmem>> -> memref<64xi32, #tpu.memory_space<vmem>>
        %dma_wait3A_174 = arith.constant 0 : i32
        %dma_wait3A_175 = arith.constant 0 : i32
        %dma_wait3A_176 = tpu.memref_slice %arg2[%dma_wait3A_174, %dma_wait3A_175] : memref<10064x128xf32, #tpu.memory_space<hbm>> -> memref<10064x128xf32, #tpu.memory_space<hbm>>
        tpu.wait_indirect_dma semaphore(%arg15 : memref<!tpu.dma_semaphore, #tpu.memory_space<semaphore_mem>>) src(%dma_wait3A_176 : memref<10064x128xf32, #tpu.memory_space<hbm>>) dst(%dma_wait3A_170 : memref<64x128xf32, #tpu.memory_space<vmem>>)
        %dma_start3A_177 = arith.constant 1 : i32
        %dma_start3A_178 = arith.constant 39 : i32
        %dma_start3A_179 = arith.constant 0 : i32
        %dma_start3A_180 = arith.constant 0 : i32
        %dma_start3A_181 = tpu.memref_slice %arg13[%dma_start3A_177, %dma_start3A_179, %dma_start3A_180] : memref<2x128x128xf32, #tpu.memory_space<vmem>> -> memref<1x128x128xf32, #tpu.memory_space<vmem>>
        %dma_start3A_182 = tpu.memref_squeeze %dma_start3A_181 : memref<1x128x128xf32, #tpu.memory_space<vmem>> -> memref<128x128xf32, #tpu.memory_space<vmem>>
        %dma_start3A_183 = arith.constant 0 : i32
        %dma_start3A_184 = tpu.memref_slice %arg12[%dma_start3A_178, %dma_start3A_183] : memref<40x128xi32, #tpu.memory_space<vmem>> -> memref<1x128xi32, #tpu.memory_space<vmem>>
        %dma_start3A_185 = tpu.memref_squeeze %dma_start3A_184 : memref<1x128xi32, #tpu.memory_space<vmem>> -> memref<128xi32, #tpu.memory_space<vmem>>
        %dma_start3A_186 = arith.constant 0 : i32
        %dma_start3A_187 = arith.constant 0 : i32
        %dma_start3A_188 = tpu.memref_slice %arg14[%dma_start3A_186, %dma_start3A_187] : memref<10064x128xf32, #tpu.memory_space<vmem_shared>> -> memref<10064x128xf32, #tpu.memory_space<vmem_shared>>
        tpu.enqueue_indirect_dma source(%dma_start3A_182 : memref<128x128xf32, #tpu.memory_space<vmem>>) target(%dma_start3A_188 : memref<10064x128xf32, #tpu.memory_space<vmem_shared>>) offsets(%dma_start3A_185 : memref<128xi32, #tpu.memory_space<vmem>>) semaphore(%arg16 : memref<!tpu.dma_semaphore, #tpu.memory_space<semaphore_mem>>) {add = true}
        %dma_wait3A_189 = arith.constant 0 : i32
        %dma_wait3A_190 = arith.constant 0 : i32
        %dma_wait3A_191 = arith.constant 0 : i32
        %dma_wait3A_192 = arith.constant 0 : i32
        %dma_wait3A_193 = tpu.memref_slice %arg13[%dma_wait3A_189, %dma_wait3A_191, %dma_wait3A_192] : memref<2x128x128xf32, #tpu.memory_space<vmem>> -> memref<1x128x128xf32, #tpu.memory_space<vmem>>
        %dma_wait3A_194 = tpu.memref_squeeze %dma_wait3A_193 : memref<1x128x128xf32, #tpu.memory_space<vmem>> -> memref<128x128xf32, #tpu.memory_space<vmem>>
        %dma_wait3A_195 = arith.constant 0 : i32
        %dma_wait3A_196 = tpu.memref_slice %arg12[%dma_wait3A_190, %dma_wait3A_195] : memref<40x128xi32, #tpu.memory_space<vmem>> -> memref<1x128xi32, #tpu.memory_space<vmem>>
        %dma_wait3A_197 = tpu.memref_squeeze %dma_wait3A_196 : memref<1x128xi32, #tpu.memory_space<vmem>> -> memref<128xi32, #tpu.memory_space<vmem>>
        %dma_wait3A_198 = arith.constant 0 : i32
        %dma_wait3A_199 = arith.constant 0 : i32
        %dma_wait3A_200 = tpu.memref_slice %arg14[%dma_wait3A_198, %dma_wait3A_199] : memref<10064x128xf32, #tpu.memory_space<vmem_shared>> -> memref<10064x128xf32, #tpu.memory_space<vmem_shared>>
        tpu.wait_indirect_dma semaphore(%arg16 : memref<!tpu.dma_semaphore, #tpu.memory_space<semaphore_mem>>) src(%dma_wait3A_194 : memref<128x128xf32, #tpu.memory_space<vmem>>) dst(%dma_wait3A_200 : memref<10064x128xf32, #tpu.memory_space<vmem_shared>>)
        %dma_wait3A_201 = arith.constant 1 : i32
        %dma_wait3A_202 = arith.constant 0 : i32
        %dma_wait3A_203 = arith.constant 0 : i32
        %dma_wait3A_204 = arith.constant 0 : i32
        %dma_wait3A_205 = tpu.memref_slice %arg13[%dma_wait3A_201, %dma_wait3A_203, %dma_wait3A_204] : memref<2x128x128xf32, #tpu.memory_space<vmem>> -> memref<1x128x128xf32, #tpu.memory_space<vmem>>
        %dma_wait3A_206 = tpu.memref_squeeze %dma_wait3A_205 : memref<1x128x128xf32, #tpu.memory_space<vmem>> -> memref<128x128xf32, #tpu.memory_space<vmem>>
        %dma_wait3A_207 = arith.constant 0 : i32
        %dma_wait3A_208 = tpu.memref_slice %arg12[%dma_wait3A_202, %dma_wait3A_207] : memref<40x128xi32, #tpu.memory_space<vmem>> -> memref<1x128xi32, #tpu.memory_space<vmem>>
        %dma_wait3A_209 = tpu.memref_squeeze %dma_wait3A_208 : memref<1x128xi32, #tpu.memory_space<vmem>> -> memref<128xi32, #tpu.memory_space<vmem>>
        %dma_wait3A_210 = arith.constant 0 : i32
        %dma_wait3A_211 = arith.constant 0 : i32
        %dma_wait3A_212 = tpu.memref_slice %arg14[%dma_wait3A_210, %dma_wait3A_211] : memref<10064x128xf32, #tpu.memory_space<vmem_shared>> -> memref<10064x128xf32, #tpu.memory_space<vmem_shared>>
        tpu.wait_indirect_dma semaphore(%arg16 : memref<!tpu.dma_semaphore, #tpu.memory_space<semaphore_mem>>) src(%dma_wait3A_206 : memref<128x128xf32, #tpu.memory_space<vmem>>) dst(%dma_wait3A_212 : memref<10064x128xf32, #tpu.memory_space<vmem_shared>>)
        %scan3A_213 = arith.constant 0 : i32
        scf.yield %scan3A_213 : i32
      }
      %scan3A_58 = arith.constant 4 : i32
    } else {
    }
    %eq3A_32 = arith.constant 1 : i32
    %eq3A_33 = arith.cmpi eq, %arg0, %eq3A_32 : i32
    %convert_element_type3A_34 = arith.extui %eq3A_33 : i1 to i32
    %cond3A_35 = arith.constant 0 : i32
    %cond3A_36 = arith.cmpi ne, %convert_element_type3A_34, %cond3A_35 : i32
    scf.if %cond3A_36 {
      %scan3A = arith.constant 0 : i32
      %scan3A_53 = arith.constant 0 : i32
      %scan3A_54 = arith.constant 4 : i32
      %scan3A_55 = arith.addi %scan3A_53, %scan3A_54 : i32
      %scan3A_56 = arith.constant 1 : i32
      %scan3A_57 = scf.for %scan3A_59 = %scan3A_53 to %scan3A_55 step %scan3A_56 iter_args(%scan3A_60 = %scan3A) -> (i32)  : i32 {
        %mul3A_61 = arith.constant 40 : i32
        %mul3A_62 = arith.muli %scan3A_59, %mul3A_61 : i32
        %multiple_of3A_63 = tpu.assume_multiple %mul3A_62, 8 : i32
        "tpu.region"() ({
          %run_scoped3A_214 = tpu.sem_alloc : memref<!tpu.dma_semaphore, #tpu.memory_space<semaphore_mem>>
          %dma_start3A_215 = arith.constant 0 : i32
          %dma_start3A_216 = tpu.memref_slice %arg6[%arg1, %multiple_of3A_63, %dma_start3A_215] : memref<16x160x128xi32, #tpu.memory_space<hbm>> -> memref<1x40x128xi32, #tpu.memory_space<hbm>>
          %dma_start3A_217 = tpu.memref_squeeze %dma_start3A_216 : memref<1x40x128xi32, #tpu.memory_space<hbm>> -> memref<40x128xi32, #tpu.memory_space<hbm>>
          %dma_start3A_218 = arith.constant 0 : i32
          %dma_start3A_219 = tpu.memref_slice %arg6[%arg1, %multiple_of3A_63, %dma_start3A_218] : memref<16x160x128xi32, #tpu.memory_space<hbm>> -> memref<1x40x128xi32, #tpu.memory_space<hbm>>
          %dma_start3A_220 = tpu.memref_squeeze %dma_start3A_219 : memref<1x40x128xi32, #tpu.memory_space<hbm>> -> memref<40x128xi32, #tpu.memory_space<hbm>>
          tpu.enqueue_dma source(%dma_start3A_220 : memref<40x128xi32, #tpu.memory_space<hbm>>) target(%arg11 : memref<40x128xi32, #tpu.memory_space<vmem>>) target_semaphore(%run_scoped3A_214 : memref<!tpu.dma_semaphore, #tpu.memory_space<semaphore_mem>>)
          %dma_wait3A_221 = arith.constant 0 : i32
          %dma_wait3A_222 = tpu.memref_slice %arg6[%arg1, %multiple_of3A_63, %dma_wait3A_221] : memref<16x160x128xi32, #tpu.memory_space<hbm>> -> memref<1x40x128xi32, #tpu.memory_space<hbm>>
          %dma_wait3A_223 = tpu.memref_squeeze %dma_wait3A_222 : memref<1x40x128xi32, #tpu.memory_space<hbm>> -> memref<40x128xi32, #tpu.memory_space<hbm>>
          %dma_wait3A_224 = arith.constant 0 : i32
          %dma_wait3A_225 = tpu.memref_slice %arg6[%arg1, %multiple_of3A_63, %dma_wait3A_224] : memref<16x160x128xi32, #tpu.memory_space<hbm>> -> memref<1x40x128xi32, #tpu.memory_space<hbm>>
          %dma_wait3A_226 = tpu.memref_squeeze %dma_wait3A_225 : memref<1x40x128xi32, #tpu.memory_space<hbm>> -> memref<40x128xi32, #tpu.memory_space<hbm>>
          tpu.wait_dma2 semaphore(%run_scoped3A_214 : memref<!tpu.dma_semaphore, #tpu.memory_space<semaphore_mem>>) src(%dma_wait3A_226 : memref<40x128xi32, #tpu.memory_space<hbm>>) dst(%arg11 : memref<40x128xi32, #tpu.memory_space<vmem>>)
          tpu.yield
        }) : () -> ()
        "tpu.region"() ({
          %run_scoped3A_214 = tpu.sem_alloc : memref<!tpu.dma_semaphore, #tpu.memory_space<semaphore_mem>>
          %dma_start3A_215 = arith.constant 0 : i32
          %dma_start3A_216 = tpu.memref_slice %arg7[%arg1, %multiple_of3A_63, %dma_start3A_215] : memref<16x160x128xi32, #tpu.memory_space<hbm>> -> memref<1x40x128xi32, #tpu.memory_space<hbm>>
          %dma_start3A_217 = tpu.memref_squeeze %dma_start3A_216 : memref<1x40x128xi32, #tpu.memory_space<hbm>> -> memref<40x128xi32, #tpu.memory_space<hbm>>
          %dma_start3A_218 = arith.constant 0 : i32
          %dma_start3A_219 = tpu.memref_slice %arg7[%arg1, %multiple_of3A_63, %dma_start3A_218] : memref<16x160x128xi32, #tpu.memory_space<hbm>> -> memref<1x40x128xi32, #tpu.memory_space<hbm>>
          %dma_start3A_220 = tpu.memref_squeeze %dma_start3A_219 : memref<1x40x128xi32, #tpu.memory_space<hbm>> -> memref<40x128xi32, #tpu.memory_space<hbm>>
          tpu.enqueue_dma source(%dma_start3A_220 : memref<40x128xi32, #tpu.memory_space<hbm>>) target(%arg12 : memref<40x128xi32, #tpu.memory_space<vmem>>) target_semaphore(%run_scoped3A_214 : memref<!tpu.dma_semaphore, #tpu.memory_space<semaphore_mem>>)
          %dma_wait3A_221 = arith.constant 0 : i32
          %dma_wait3A_222 = tpu.memref_slice %arg7[%arg1, %multiple_of3A_63, %dma_wait3A_221] : memref<16x160x128xi32, #tpu.memory_space<hbm>> -> memref<1x40x128xi32, #tpu.memory_space<hbm>>
          %dma_wait3A_223 = tpu.memref_squeeze %dma_wait3A_222 : memref<1x40x128xi32, #tpu.memory_space<hbm>> -> memref<40x128xi32, #tpu.memory_space<hbm>>
          %dma_wait3A_224 = arith.constant 0 : i32
          %dma_wait3A_225 = tpu.memref_slice %arg7[%arg1, %multiple_of3A_63, %dma_wait3A_224] : memref<16x160x128xi32, #tpu.memory_space<hbm>> -> memref<1x40x128xi32, #tpu.memory_space<hbm>>
          %dma_wait3A_226 = tpu.memref_squeeze %dma_wait3A_225 : memref<1x40x128xi32, #tpu.memory_space<hbm>> -> memref<40x128xi32, #tpu.memory_space<hbm>>
          tpu.wait_dma2 semaphore(%run_scoped3A_214 : memref<!tpu.dma_semaphore, #tpu.memory_space<semaphore_mem>>) src(%dma_wait3A_226 : memref<40x128xi32, #tpu.memory_space<hbm>>) dst(%arg12 : memref<40x128xi32, #tpu.memory_space<vmem>>)
          tpu.yield
        }) : () -> ()
        %dma_start3A = arith.constant 0 : i32
        %dma_start3A_64 = arith.constant 0 : i32
        %dma_start3A_65 = arith.constant 0 : i32
        %dma_start3A_66 = arith.constant 0 : i32
        %dma_start3A_67 = tpu.memref_slice %arg13[%dma_start3A_64, %dma_start3A_65, %dma_start3A_66] : memref<2x128x128xf32, #tpu.memory_space<vmem>> -> memref<1x64x128xf32, #tpu.memory_space<vmem>>
        %dma_start3A_68 = tpu.memref_squeeze %dma_start3A_67 : memref<1x64x128xf32, #tpu.memory_space<vmem>> -> memref<64x128xf32, #tpu.memory_space<vmem>>
        %dma_start3A_69 = arith.constant 0 : i32
        %dma_start3A_70 = tpu.memref_slice %arg11[%dma_start3A, %dma_start3A_69] : memref<40x128xi32, #tpu.memory_space<vmem>> -> memref<1x64xi32, #tpu.memory_space<vmem>>
        %dma_start3A_71 = tpu.memref_squeeze %dma_start3A_70 : memref<1x64xi32, #tpu.memory_space<vmem>> -> memref<64xi32, #tpu.memory_space<vmem>>
        %dma_start3A_72 = arith.constant 0 : i32
        %dma_start3A_73 = arith.constant 0 : i32
        %dma_start3A_74 = tpu.memref_slice %arg3[%dma_start3A_72, %dma_start3A_73] : memref<10064x128xf32, #tpu.memory_space<hbm>> -> memref<10064x128xf32, #tpu.memory_space<hbm>>
        tpu.enqueue_indirect_dma source(%dma_start3A_74 : memref<10064x128xf32, #tpu.memory_space<hbm>>) target(%dma_start3A_68 : memref<64x128xf32, #tpu.memory_space<vmem>>) offsets(%dma_start3A_71 : memref<64xi32, #tpu.memory_space<vmem>>) semaphore(%arg15 : memref<!tpu.dma_semaphore, #tpu.memory_space<semaphore_mem>>)
        %dma_start3A_75 = arith.constant 0 : i32
        %dma_start3A_76 = arith.constant 0 : i32
        %dma_start3A_77 = arith.constant 64 : i32
        %dma_start3A_78 = arith.constant 0 : i32
        %dma_start3A_79 = tpu.memref_slice %arg13[%dma_start3A_76, %dma_start3A_77, %dma_start3A_78] : memref<2x128x128xf32, #tpu.memory_space<vmem>> -> memref<1x64x128xf32, #tpu.memory_space<vmem>>
        %dma_start3A_80 = tpu.memref_squeeze %dma_start3A_79 : memref<1x64x128xf32, #tpu.memory_space<vmem>> -> memref<64x128xf32, #tpu.memory_space<vmem>>
        %dma_start3A_81 = arith.constant 64 : i32
        %dma_start3A_82 = tpu.memref_slice %arg11[%dma_start3A_75, %dma_start3A_81] : memref<40x128xi32, #tpu.memory_space<vmem>> -> memref<1x64xi32, #tpu.memory_space<vmem>>
        %dma_start3A_83 = tpu.memref_squeeze %dma_start3A_82 : memref<1x64xi32, #tpu.memory_space<vmem>> -> memref<64xi32, #tpu.memory_space<vmem>>
        %dma_start3A_84 = arith.constant 0 : i32
        %dma_start3A_85 = arith.constant 0 : i32
        %dma_start3A_86 = tpu.memref_slice %arg3[%dma_start3A_84, %dma_start3A_85] : memref<10064x128xf32, #tpu.memory_space<hbm>> -> memref<10064x128xf32, #tpu.memory_space<hbm>>
        tpu.enqueue_indirect_dma source(%dma_start3A_86 : memref<10064x128xf32, #tpu.memory_space<hbm>>) target(%dma_start3A_80 : memref<64x128xf32, #tpu.memory_space<vmem>>) offsets(%dma_start3A_83 : memref<64xi32, #tpu.memory_space<vmem>>) semaphore(%arg15 : memref<!tpu.dma_semaphore, #tpu.memory_space<semaphore_mem>>)
        %dma_wait3A = arith.constant 0 : i32
        %dma_wait3A_87 = arith.constant 0 : i32
        %dma_wait3A_88 = arith.constant 0 : i32
        %dma_wait3A_89 = arith.constant 0 : i32
        %dma_wait3A_90 = tpu.memref_slice %arg13[%dma_wait3A_87, %dma_wait3A_88, %dma_wait3A_89] : memref<2x128x128xf32, #tpu.memory_space<vmem>> -> memref<1x64x128xf32, #tpu.memory_space<vmem>>
        %dma_wait3A_91 = tpu.memref_squeeze %dma_wait3A_90 : memref<1x64x128xf32, #tpu.memory_space<vmem>> -> memref<64x128xf32, #tpu.memory_space<vmem>>
        %dma_wait3A_92 = arith.constant 0 : i32
        %dma_wait3A_93 = tpu.memref_slice %arg11[%dma_wait3A, %dma_wait3A_92] : memref<40x128xi32, #tpu.memory_space<vmem>> -> memref<1x64xi32, #tpu.memory_space<vmem>>
        %dma_wait3A_94 = tpu.memref_squeeze %dma_wait3A_93 : memref<1x64xi32, #tpu.memory_space<vmem>> -> memref<64xi32, #tpu.memory_space<vmem>>
        %dma_wait3A_95 = arith.constant 0 : i32
        %dma_wait3A_96 = arith.constant 0 : i32
        %dma_wait3A_97 = tpu.memref_slice %arg3[%dma_wait3A_95, %dma_wait3A_96] : memref<10064x128xf32, #tpu.memory_space<hbm>> -> memref<10064x128xf32, #tpu.memory_space<hbm>>
        tpu.wait_indirect_dma semaphore(%arg15 : memref<!tpu.dma_semaphore, #tpu.memory_space<semaphore_mem>>) src(%dma_wait3A_97 : memref<10064x128xf32, #tpu.memory_space<hbm>>) dst(%dma_wait3A_91 : memref<64x128xf32, #tpu.memory_space<vmem>>)
        %dma_wait3A_98 = arith.constant 0 : i32
        %dma_wait3A_99 = arith.constant 0 : i32
        %dma_wait3A_100 = arith.constant 0 : i32
        %dma_wait3A_101 = arith.constant 0 : i32
        %dma_wait3A_102 = tpu.memref_slice %arg13[%dma_wait3A_99, %dma_wait3A_100, %dma_wait3A_101] : memref<2x128x128xf32, #tpu.memory_space<vmem>> -> memref<1x64x128xf32, #tpu.memory_space<vmem>>
        %dma_wait3A_103 = tpu.memref_squeeze %dma_wait3A_102 : memref<1x64x128xf32, #tpu.memory_space<vmem>> -> memref<64x128xf32, #tpu.memory_space<vmem>>
        %dma_wait3A_104 = arith.constant 0 : i32
        %dma_wait3A_105 = tpu.memref_slice %arg11[%dma_wait3A_98, %dma_wait3A_104] : memref<40x128xi32, #tpu.memory_space<vmem>> -> memref<1x64xi32, #tpu.memory_space<vmem>>
        %dma_wait3A_106 = tpu.memref_squeeze %dma_wait3A_105 : memref<1x64xi32, #tpu.memory_space<vmem>> -> memref<64xi32, #tpu.memory_space<vmem>>
        %dma_wait3A_107 = arith.constant 0 : i32
        %dma_wait3A_108 = arith.constant 0 : i32
        %dma_wait3A_109 = tpu.memref_slice %arg3[%dma_wait3A_107, %dma_wait3A_108] : memref<10064x128xf32, #tpu.memory_space<hbm>> -> memref<10064x128xf32, #tpu.memory_space<hbm>>
        tpu.wait_indirect_dma semaphore(%arg15 : memref<!tpu.dma_semaphore, #tpu.memory_space<semaphore_mem>>) src(%dma_wait3A_109 : memref<10064x128xf32, #tpu.memory_space<hbm>>) dst(%dma_wait3A_103 : memref<64x128xf32, #tpu.memory_space<vmem>>)
        %dma_start3A_110 = arith.constant 0 : i32
        %dma_start3A_111 = arith.constant 0 : i32
        %dma_start3A_112 = arith.constant 0 : i32
        %dma_start3A_113 = arith.constant 0 : i32
        %dma_start3A_114 = tpu.memref_slice %arg13[%dma_start3A_110, %dma_start3A_112, %dma_start3A_113] : memref<2x128x128xf32, #tpu.memory_space<vmem>> -> memref<1x128x128xf32, #tpu.memory_space<vmem>>
        %dma_start3A_115 = tpu.memref_squeeze %dma_start3A_114 : memref<1x128x128xf32, #tpu.memory_space<vmem>> -> memref<128x128xf32, #tpu.memory_space<vmem>>
        %dma_start3A_116 = arith.constant 0 : i32
        %dma_start3A_117 = tpu.memref_slice %arg12[%dma_start3A_111, %dma_start3A_116] : memref<40x128xi32, #tpu.memory_space<vmem>> -> memref<1x128xi32, #tpu.memory_space<vmem>>
        %dma_start3A_118 = tpu.memref_squeeze %dma_start3A_117 : memref<1x128xi32, #tpu.memory_space<vmem>> -> memref<128xi32, #tpu.memory_space<vmem>>
        %dma_start3A_119 = arith.constant 0 : i32
        %dma_start3A_120 = arith.constant 0 : i32
        %dma_start3A_121 = tpu.memref_slice %arg14[%dma_start3A_119, %dma_start3A_120] : memref<10064x128xf32, #tpu.memory_space<vmem_shared>> -> memref<10064x128xf32, #tpu.memory_space<vmem_shared>>
        tpu.enqueue_indirect_dma source(%dma_start3A_115 : memref<128x128xf32, #tpu.memory_space<vmem>>) target(%dma_start3A_121 : memref<10064x128xf32, #tpu.memory_space<vmem_shared>>) offsets(%dma_start3A_118 : memref<128xi32, #tpu.memory_space<vmem>>) semaphore(%arg16 : memref<!tpu.dma_semaphore, #tpu.memory_space<semaphore_mem>>) {add = true}
        %dma_start3A_122 = arith.constant 1 : i32
        %dma_start3A_123 = arith.constant 1 : i32
        %dma_start3A_124 = arith.constant 0 : i32
        %dma_start3A_125 = arith.constant 0 : i32
        %dma_start3A_126 = tpu.memref_slice %arg13[%dma_start3A_123, %dma_start3A_124, %dma_start3A_125] : memref<2x128x128xf32, #tpu.memory_space<vmem>> -> memref<1x64x128xf32, #tpu.memory_space<vmem>>
        %dma_start3A_127 = tpu.memref_squeeze %dma_start3A_126 : memref<1x64x128xf32, #tpu.memory_space<vmem>> -> memref<64x128xf32, #tpu.memory_space<vmem>>
        %dma_start3A_128 = arith.constant 0 : i32
        %dma_start3A_129 = tpu.memref_slice %arg11[%dma_start3A_122, %dma_start3A_128] : memref<40x128xi32, #tpu.memory_space<vmem>> -> memref<1x64xi32, #tpu.memory_space<vmem>>
        %dma_start3A_130 = tpu.memref_squeeze %dma_start3A_129 : memref<1x64xi32, #tpu.memory_space<vmem>> -> memref<64xi32, #tpu.memory_space<vmem>>
        %dma_start3A_131 = arith.constant 0 : i32
        %dma_start3A_132 = arith.constant 0 : i32
        %dma_start3A_133 = tpu.memref_slice %arg3[%dma_start3A_131, %dma_start3A_132] : memref<10064x128xf32, #tpu.memory_space<hbm>> -> memref<10064x128xf32, #tpu.memory_space<hbm>>
        tpu.enqueue_indirect_dma source(%dma_start3A_133 : memref<10064x128xf32, #tpu.memory_space<hbm>>) target(%dma_start3A_127 : memref<64x128xf32, #tpu.memory_space<vmem>>) offsets(%dma_start3A_130 : memref<64xi32, #tpu.memory_space<vmem>>) semaphore(%arg15 : memref<!tpu.dma_semaphore, #tpu.memory_space<semaphore_mem>>)
        %dma_start3A_134 = arith.constant 1 : i32
        %dma_start3A_135 = arith.constant 1 : i32
        %dma_start3A_136 = arith.constant 64 : i32
        %dma_start3A_137 = arith.constant 0 : i32
        %dma_start3A_138 = tpu.memref_slice %arg13[%dma_start3A_135, %dma_start3A_136, %dma_start3A_137] : memref<2x128x128xf32, #tpu.memory_space<vmem>> -> memref<1x64x128xf32, #tpu.memory_space<vmem>>
        %dma_start3A_139 = tpu.memref_squeeze %dma_start3A_138 : memref<1x64x128xf32, #tpu.memory_space<vmem>> -> memref<64x128xf32, #tpu.memory_space<vmem>>
        %dma_start3A_140 = arith.constant 64 : i32
        %dma_start3A_141 = tpu.memref_slice %arg11[%dma_start3A_134, %dma_start3A_140] : memref<40x128xi32, #tpu.memory_space<vmem>> -> memref<1x64xi32, #tpu.memory_space<vmem>>
        %dma_start3A_142 = tpu.memref_squeeze %dma_start3A_141 : memref<1x64xi32, #tpu.memory_space<vmem>> -> memref<64xi32, #tpu.memory_space<vmem>>
        %dma_start3A_143 = arith.constant 0 : i32
        %dma_start3A_144 = arith.constant 0 : i32
        %dma_start3A_145 = tpu.memref_slice %arg3[%dma_start3A_143, %dma_start3A_144] : memref<10064x128xf32, #tpu.memory_space<hbm>> -> memref<10064x128xf32, #tpu.memory_space<hbm>>
        tpu.enqueue_indirect_dma source(%dma_start3A_145 : memref<10064x128xf32, #tpu.memory_space<hbm>>) target(%dma_start3A_139 : memref<64x128xf32, #tpu.memory_space<vmem>>) offsets(%dma_start3A_142 : memref<64xi32, #tpu.memory_space<vmem>>) semaphore(%arg15 : memref<!tpu.dma_semaphore, #tpu.memory_space<semaphore_mem>>)
        %scan3A_146 = arith.constant 0 : i32
        %scan3A_147 = arith.constant 0 : i32
        %scan3A_148 = arith.constant 19 : i32
        %scan3A_149 = arith.addi %scan3A_147, %scan3A_148 : i32
        %scan3A_150 = arith.constant 1 : i32
        %scan3A_151 = scf.for %scan3A_214 = %scan3A_147 to %scan3A_149 step %scan3A_150 iter_args(%scan3A_215 = %scan3A_146) -> (i32)  : i32 {
          %mul3A_216 = arith.constant 2 : i32
          %mul3A_217 = arith.muli %scan3A_214, %mul3A_216 : i32
          %add3A_218 = arith.constant 1 : i32
          %add3A_219 = arith.addi %add3A_218, %mul3A_217 : i32
          %add3A_220 = arith.constant 0 : i32
          %add3A_221 = arith.addi %add3A_219, %add3A_220 : i32
          %dma_wait3A_222 = arith.constant 0 : i32
          %dma_wait3A_223 = arith.constant 1 : i32
          %dma_wait3A_224 = arith.constant 0 : i32
          %dma_wait3A_225 = arith.constant 0 : i32
          %dma_wait3A_226 = tpu.memref_slice %arg13[%dma_wait3A_223, %dma_wait3A_224, %dma_wait3A_225] : memref<2x128x128xf32, #tpu.memory_space<vmem>> -> memref<1x64x128xf32, #tpu.memory_space<vmem>>
          %dma_wait3A_227 = tpu.memref_squeeze %dma_wait3A_226 : memref<1x64x128xf32, #tpu.memory_space<vmem>> -> memref<64x128xf32, #tpu.memory_space<vmem>>
          %dma_wait3A_228 = arith.constant 0 : i32
          %dma_wait3A_229 = tpu.memref_slice %arg11[%dma_wait3A_222, %dma_wait3A_228] : memref<40x128xi32, #tpu.memory_space<vmem>> -> memref<1x64xi32, #tpu.memory_space<vmem>>
          %dma_wait3A_230 = tpu.memref_squeeze %dma_wait3A_229 : memref<1x64xi32, #tpu.memory_space<vmem>> -> memref<64xi32, #tpu.memory_space<vmem>>
          %dma_wait3A_231 = arith.constant 0 : i32
          %dma_wait3A_232 = arith.constant 0 : i32
          %dma_wait3A_233 = tpu.memref_slice %arg3[%dma_wait3A_231, %dma_wait3A_232] : memref<10064x128xf32, #tpu.memory_space<hbm>> -> memref<10064x128xf32, #tpu.memory_space<hbm>>
          tpu.wait_indirect_dma semaphore(%arg15 : memref<!tpu.dma_semaphore, #tpu.memory_space<semaphore_mem>>) src(%dma_wait3A_233 : memref<10064x128xf32, #tpu.memory_space<hbm>>) dst(%dma_wait3A_227 : memref<64x128xf32, #tpu.memory_space<vmem>>)
          %dma_wait3A_234 = arith.constant 0 : i32
          %dma_wait3A_235 = arith.constant 1 : i32
          %dma_wait3A_236 = arith.constant 0 : i32
          %dma_wait3A_237 = arith.constant 0 : i32
          %dma_wait3A_238 = tpu.memref_slice %arg13[%dma_wait3A_235, %dma_wait3A_236, %dma_wait3A_237] : memref<2x128x128xf32, #tpu.memory_space<vmem>> -> memref<1x64x128xf32, #tpu.memory_space<vmem>>
          %dma_wait3A_239 = tpu.memref_squeeze %dma_wait3A_238 : memref<1x64x128xf32, #tpu.memory_space<vmem>> -> memref<64x128xf32, #tpu.memory_space<vmem>>
          %dma_wait3A_240 = arith.constant 0 : i32
          %dma_wait3A_241 = tpu.memref_slice %arg11[%dma_wait3A_234, %dma_wait3A_240] : memref<40x128xi32, #tpu.memory_space<vmem>> -> memref<1x64xi32, #tpu.memory_space<vmem>>
          %dma_wait3A_242 = tpu.memref_squeeze %dma_wait3A_241 : memref<1x64xi32, #tpu.memory_space<vmem>> -> memref<64xi32, #tpu.memory_space<vmem>>
          %dma_wait3A_243 = arith.constant 0 : i32
          %dma_wait3A_244 = arith.constant 0 : i32
          %dma_wait3A_245 = tpu.memref_slice %arg3[%dma_wait3A_243, %dma_wait3A_244] : memref<10064x128xf32, #tpu.memory_space<hbm>> -> memref<10064x128xf32, #tpu.memory_space<hbm>>
          tpu.wait_indirect_dma semaphore(%arg15 : memref<!tpu.dma_semaphore, #tpu.memory_space<semaphore_mem>>) src(%dma_wait3A_245 : memref<10064x128xf32, #tpu.memory_space<hbm>>) dst(%dma_wait3A_239 : memref<64x128xf32, #tpu.memory_space<vmem>>)
          %dma_start3A_246 = arith.constant 1 : i32
          %dma_start3A_247 = arith.constant 0 : i32
          %dma_start3A_248 = arith.constant 0 : i32
          %dma_start3A_249 = tpu.memref_slice %arg13[%dma_start3A_246, %dma_start3A_247, %dma_start3A_248] : memref<2x128x128xf32, #tpu.memory_space<vmem>> -> memref<1x128x128xf32, #tpu.memory_space<vmem>>
          %dma_start3A_250 = tpu.memref_squeeze %dma_start3A_249 : memref<1x128x128xf32, #tpu.memory_space<vmem>> -> memref<128x128xf32, #tpu.memory_space<vmem>>
          %dma_start3A_251 = arith.constant 0 : i32
          %dma_start3A_252 = tpu.memref_slice %arg12[%add3A_221, %dma_start3A_251] : memref<40x128xi32, #tpu.memory_space<vmem>> -> memref<1x128xi32, #tpu.memory_space<vmem>>
          %dma_start3A_253 = tpu.memref_squeeze %dma_start3A_252 : memref<1x128xi32, #tpu.memory_space<vmem>> -> memref<128xi32, #tpu.memory_space<vmem>>
          %dma_start3A_254 = arith.constant 0 : i32
          %dma_start3A_255 = arith.constant 0 : i32
          %dma_start3A_256 = tpu.memref_slice %arg14[%dma_start3A_254, %dma_start3A_255] : memref<10064x128xf32, #tpu.memory_space<vmem_shared>> -> memref<10064x128xf32, #tpu.memory_space<vmem_shared>>
          tpu.enqueue_indirect_dma source(%dma_start3A_250 : memref<128x128xf32, #tpu.memory_space<vmem>>) target(%dma_start3A_256 : memref<10064x128xf32, #tpu.memory_space<vmem_shared>>) offsets(%dma_start3A_253 : memref<128xi32, #tpu.memory_space<vmem>>) semaphore(%arg16 : memref<!tpu.dma_semaphore, #tpu.memory_space<semaphore_mem>>) {add = true}
          %dma_wait3A_257 = arith.constant 0 : i32
          %dma_wait3A_258 = arith.constant 0 : i32
          %dma_wait3A_259 = arith.constant 0 : i32
          %dma_wait3A_260 = arith.constant 0 : i32
          %dma_wait3A_261 = tpu.memref_slice %arg13[%dma_wait3A_257, %dma_wait3A_259, %dma_wait3A_260] : memref<2x128x128xf32, #tpu.memory_space<vmem>> -> memref<1x128x128xf32, #tpu.memory_space<vmem>>
          %dma_wait3A_262 = tpu.memref_squeeze %dma_wait3A_261 : memref<1x128x128xf32, #tpu.memory_space<vmem>> -> memref<128x128xf32, #tpu.memory_space<vmem>>
          %dma_wait3A_263 = arith.constant 0 : i32
          %dma_wait3A_264 = tpu.memref_slice %arg12[%dma_wait3A_258, %dma_wait3A_263] : memref<40x128xi32, #tpu.memory_space<vmem>> -> memref<1x128xi32, #tpu.memory_space<vmem>>
          %dma_wait3A_265 = tpu.memref_squeeze %dma_wait3A_264 : memref<1x128xi32, #tpu.memory_space<vmem>> -> memref<128xi32, #tpu.memory_space<vmem>>
          %dma_wait3A_266 = arith.constant 0 : i32
          %dma_wait3A_267 = arith.constant 0 : i32
          %dma_wait3A_268 = tpu.memref_slice %arg14[%dma_wait3A_266, %dma_wait3A_267] : memref<10064x128xf32, #tpu.memory_space<vmem_shared>> -> memref<10064x128xf32, #tpu.memory_space<vmem_shared>>
          tpu.wait_indirect_dma semaphore(%arg16 : memref<!tpu.dma_semaphore, #tpu.memory_space<semaphore_mem>>) src(%dma_wait3A_262 : memref<128x128xf32, #tpu.memory_space<vmem>>) dst(%dma_wait3A_268 : memref<10064x128xf32, #tpu.memory_space<vmem_shared>>)
          %add3A_269 = arith.constant 1 : i32
          %add3A_270 = arith.addi %add3A_221, %add3A_269 : i32
          %dma_start3A_271 = arith.constant 0 : i32
          %dma_start3A_272 = arith.constant 0 : i32
          %dma_start3A_273 = arith.constant 0 : i32
          %dma_start3A_274 = tpu.memref_slice %arg13[%dma_start3A_271, %dma_start3A_272, %dma_start3A_273] : memref<2x128x128xf32, #tpu.memory_space<vmem>> -> memref<1x64x128xf32, #tpu.memory_space<vmem>>
          %dma_start3A_275 = tpu.memref_squeeze %dma_start3A_274 : memref<1x64x128xf32, #tpu.memory_space<vmem>> -> memref<64x128xf32, #tpu.memory_space<vmem>>
          %dma_start3A_276 = arith.constant 0 : i32
          %dma_start3A_277 = tpu.memref_slice %arg11[%add3A_270, %dma_start3A_276] : memref<40x128xi32, #tpu.memory_space<vmem>> -> memref<1x64xi32, #tpu.memory_space<vmem>>
          %dma_start3A_278 = tpu.memref_squeeze %dma_start3A_277 : memref<1x64xi32, #tpu.memory_space<vmem>> -> memref<64xi32, #tpu.memory_space<vmem>>
          %dma_start3A_279 = arith.constant 0 : i32
          %dma_start3A_280 = arith.constant 0 : i32
          %dma_start3A_281 = tpu.memref_slice %arg3[%dma_start3A_279, %dma_start3A_280] : memref<10064x128xf32, #tpu.memory_space<hbm>> -> memref<10064x128xf32, #tpu.memory_space<hbm>>
          tpu.enqueue_indirect_dma source(%dma_start3A_281 : memref<10064x128xf32, #tpu.memory_space<hbm>>) target(%dma_start3A_275 : memref<64x128xf32, #tpu.memory_space<vmem>>) offsets(%dma_start3A_278 : memref<64xi32, #tpu.memory_space<vmem>>) semaphore(%arg15 : memref<!tpu.dma_semaphore, #tpu.memory_space<semaphore_mem>>)
          %dma_start3A_282 = arith.constant 0 : i32
          %dma_start3A_283 = arith.constant 64 : i32
          %dma_start3A_284 = arith.constant 0 : i32
          %dma_start3A_285 = tpu.memref_slice %arg13[%dma_start3A_282, %dma_start3A_283, %dma_start3A_284] : memref<2x128x128xf32, #tpu.memory_space<vmem>> -> memref<1x64x128xf32, #tpu.memory_space<vmem>>
          %dma_start3A_286 = tpu.memref_squeeze %dma_start3A_285 : memref<1x64x128xf32, #tpu.memory_space<vmem>> -> memref<64x128xf32, #tpu.memory_space<vmem>>
          %dma_start3A_287 = arith.constant 64 : i32
          %dma_start3A_288 = tpu.memref_slice %arg11[%add3A_270, %dma_start3A_287] : memref<40x128xi32, #tpu.memory_space<vmem>> -> memref<1x64xi32, #tpu.memory_space<vmem>>
          %dma_start3A_289 = tpu.memref_squeeze %dma_start3A_288 : memref<1x64xi32, #tpu.memory_space<vmem>> -> memref<64xi32, #tpu.memory_space<vmem>>
          %dma_start3A_290 = arith.constant 0 : i32
          %dma_start3A_291 = arith.constant 0 : i32
          %dma_start3A_292 = tpu.memref_slice %arg3[%dma_start3A_290, %dma_start3A_291] : memref<10064x128xf32, #tpu.memory_space<hbm>> -> memref<10064x128xf32, #tpu.memory_space<hbm>>
          tpu.enqueue_indirect_dma source(%dma_start3A_292 : memref<10064x128xf32, #tpu.memory_space<hbm>>) target(%dma_start3A_286 : memref<64x128xf32, #tpu.memory_space<vmem>>) offsets(%dma_start3A_289 : memref<64xi32, #tpu.memory_space<vmem>>) semaphore(%arg15 : memref<!tpu.dma_semaphore, #tpu.memory_space<semaphore_mem>>)
          %mul3A_293 = arith.constant 2 : i32
          %mul3A_294 = arith.muli %scan3A_214, %mul3A_293 : i32
          %add3A_295 = arith.constant 1 : i32
          %add3A_296 = arith.addi %add3A_295, %mul3A_294 : i32
          %add3A_297 = arith.constant 1 : i32
          %add3A_298 = arith.addi %add3A_296, %add3A_297 : i32
          %dma_wait3A_299 = arith.constant 0 : i32
          %dma_wait3A_300 = arith.constant 0 : i32
          %dma_wait3A_301 = arith.constant 0 : i32
          %dma_wait3A_302 = arith.constant 0 : i32
          %dma_wait3A_303 = tpu.memref_slice %arg13[%dma_wait3A_300, %dma_wait3A_301, %dma_wait3A_302] : memref<2x128x128xf32, #tpu.memory_space<vmem>> -> memref<1x64x128xf32, #tpu.memory_space<vmem>>
          %dma_wait3A_304 = tpu.memref_squeeze %dma_wait3A_303 : memref<1x64x128xf32, #tpu.memory_space<vmem>> -> memref<64x128xf32, #tpu.memory_space<vmem>>
          %dma_wait3A_305 = arith.constant 0 : i32
          %dma_wait3A_306 = tpu.memref_slice %arg11[%dma_wait3A_299, %dma_wait3A_305] : memref<40x128xi32, #tpu.memory_space<vmem>> -> memref<1x64xi32, #tpu.memory_space<vmem>>
          %dma_wait3A_307 = tpu.memref_squeeze %dma_wait3A_306 : memref<1x64xi32, #tpu.memory_space<vmem>> -> memref<64xi32, #tpu.memory_space<vmem>>
          %dma_wait3A_308 = arith.constant 0 : i32
          %dma_wait3A_309 = arith.constant 0 : i32
          %dma_wait3A_310 = tpu.memref_slice %arg3[%dma_wait3A_308, %dma_wait3A_309] : memref<10064x128xf32, #tpu.memory_space<hbm>> -> memref<10064x128xf32, #tpu.memory_space<hbm>>
          tpu.wait_indirect_dma semaphore(%arg15 : memref<!tpu.dma_semaphore, #tpu.memory_space<semaphore_mem>>) src(%dma_wait3A_310 : memref<10064x128xf32, #tpu.memory_space<hbm>>) dst(%dma_wait3A_304 : memref<64x128xf32, #tpu.memory_space<vmem>>)
          %dma_wait3A_311 = arith.constant 0 : i32
          %dma_wait3A_312 = arith.constant 0 : i32
          %dma_wait3A_313 = arith.constant 0 : i32
          %dma_wait3A_314 = arith.constant 0 : i32
          %dma_wait3A_315 = tpu.memref_slice %arg13[%dma_wait3A_312, %dma_wait3A_313, %dma_wait3A_314] : memref<2x128x128xf32, #tpu.memory_space<vmem>> -> memref<1x64x128xf32, #tpu.memory_space<vmem>>
          %dma_wait3A_316 = tpu.memref_squeeze %dma_wait3A_315 : memref<1x64x128xf32, #tpu.memory_space<vmem>> -> memref<64x128xf32, #tpu.memory_space<vmem>>
          %dma_wait3A_317 = arith.constant 0 : i32
          %dma_wait3A_318 = tpu.memref_slice %arg11[%dma_wait3A_311, %dma_wait3A_317] : memref<40x128xi32, #tpu.memory_space<vmem>> -> memref<1x64xi32, #tpu.memory_space<vmem>>
          %dma_wait3A_319 = tpu.memref_squeeze %dma_wait3A_318 : memref<1x64xi32, #tpu.memory_space<vmem>> -> memref<64xi32, #tpu.memory_space<vmem>>
          %dma_wait3A_320 = arith.constant 0 : i32
          %dma_wait3A_321 = arith.constant 0 : i32
          %dma_wait3A_322 = tpu.memref_slice %arg3[%dma_wait3A_320, %dma_wait3A_321] : memref<10064x128xf32, #tpu.memory_space<hbm>> -> memref<10064x128xf32, #tpu.memory_space<hbm>>
          tpu.wait_indirect_dma semaphore(%arg15 : memref<!tpu.dma_semaphore, #tpu.memory_space<semaphore_mem>>) src(%dma_wait3A_322 : memref<10064x128xf32, #tpu.memory_space<hbm>>) dst(%dma_wait3A_316 : memref<64x128xf32, #tpu.memory_space<vmem>>)
          %dma_start3A_323 = arith.constant 0 : i32
          %dma_start3A_324 = arith.constant 0 : i32
          %dma_start3A_325 = arith.constant 0 : i32
          %dma_start3A_326 = tpu.memref_slice %arg13[%dma_start3A_323, %dma_start3A_324, %dma_start3A_325] : memref<2x128x128xf32, #tpu.memory_space<vmem>> -> memref<1x128x128xf32, #tpu.memory_space<vmem>>
          %dma_start3A_327 = tpu.memref_squeeze %dma_start3A_326 : memref<1x128x128xf32, #tpu.memory_space<vmem>> -> memref<128x128xf32, #tpu.memory_space<vmem>>
          %dma_start3A_328 = arith.constant 0 : i32
          %dma_start3A_329 = tpu.memref_slice %arg12[%add3A_298, %dma_start3A_328] : memref<40x128xi32, #tpu.memory_space<vmem>> -> memref<1x128xi32, #tpu.memory_space<vmem>>
          %dma_start3A_330 = tpu.memref_squeeze %dma_start3A_329 : memref<1x128xi32, #tpu.memory_space<vmem>> -> memref<128xi32, #tpu.memory_space<vmem>>
          %dma_start3A_331 = arith.constant 0 : i32
          %dma_start3A_332 = arith.constant 0 : i32
          %dma_start3A_333 = tpu.memref_slice %arg14[%dma_start3A_331, %dma_start3A_332] : memref<10064x128xf32, #tpu.memory_space<vmem_shared>> -> memref<10064x128xf32, #tpu.memory_space<vmem_shared>>
          tpu.enqueue_indirect_dma source(%dma_start3A_327 : memref<128x128xf32, #tpu.memory_space<vmem>>) target(%dma_start3A_333 : memref<10064x128xf32, #tpu.memory_space<vmem_shared>>) offsets(%dma_start3A_330 : memref<128xi32, #tpu.memory_space<vmem>>) semaphore(%arg16 : memref<!tpu.dma_semaphore, #tpu.memory_space<semaphore_mem>>) {add = true}
          %dma_wait3A_334 = arith.constant 1 : i32
          %dma_wait3A_335 = arith.constant 0 : i32
          %dma_wait3A_336 = arith.constant 0 : i32
          %dma_wait3A_337 = arith.constant 0 : i32
          %dma_wait3A_338 = tpu.memref_slice %arg13[%dma_wait3A_334, %dma_wait3A_336, %dma_wait3A_337] : memref<2x128x128xf32, #tpu.memory_space<vmem>> -> memref<1x128x128xf32, #tpu.memory_space<vmem>>
          %dma_wait3A_339 = tpu.memref_squeeze %dma_wait3A_338 : memref<1x128x128xf32, #tpu.memory_space<vmem>> -> memref<128x128xf32, #tpu.memory_space<vmem>>
          %dma_wait3A_340 = arith.constant 0 : i32
          %dma_wait3A_341 = tpu.memref_slice %arg12[%dma_wait3A_335, %dma_wait3A_340] : memref<40x128xi32, #tpu.memory_space<vmem>> -> memref<1x128xi32, #tpu.memory_space<vmem>>
          %dma_wait3A_342 = tpu.memref_squeeze %dma_wait3A_341 : memref<1x128xi32, #tpu.memory_space<vmem>> -> memref<128xi32, #tpu.memory_space<vmem>>
          %dma_wait3A_343 = arith.constant 0 : i32
          %dma_wait3A_344 = arith.constant 0 : i32
          %dma_wait3A_345 = tpu.memref_slice %arg14[%dma_wait3A_343, %dma_wait3A_344] : memref<10064x128xf32, #tpu.memory_space<vmem_shared>> -> memref<10064x128xf32, #tpu.memory_space<vmem_shared>>
          tpu.wait_indirect_dma semaphore(%arg16 : memref<!tpu.dma_semaphore, #tpu.memory_space<semaphore_mem>>) src(%dma_wait3A_339 : memref<128x128xf32, #tpu.memory_space<vmem>>) dst(%dma_wait3A_345 : memref<10064x128xf32, #tpu.memory_space<vmem_shared>>)
          %add3A_346 = arith.constant 1 : i32
          %add3A_347 = arith.addi %add3A_298, %add3A_346 : i32
          %dma_start3A_348 = arith.constant 1 : i32
          %dma_start3A_349 = arith.constant 0 : i32
          %dma_start3A_350 = arith.constant 0 : i32
          %dma_start3A_351 = tpu.memref_slice %arg13[%dma_start3A_348, %dma_start3A_349, %dma_start3A_350] : memref<2x128x128xf32, #tpu.memory_space<vmem>> -> memref<1x64x128xf32, #tpu.memory_space<vmem>>
          %dma_start3A_352 = tpu.memref_squeeze %dma_start3A_351 : memref<1x64x128xf32, #tpu.memory_space<vmem>> -> memref<64x128xf32, #tpu.memory_space<vmem>>
          %dma_start3A_353 = arith.constant 0 : i32
          %dma_start3A_354 = tpu.memref_slice %arg11[%add3A_347, %dma_start3A_353] : memref<40x128xi32, #tpu.memory_space<vmem>> -> memref<1x64xi32, #tpu.memory_space<vmem>>
          %dma_start3A_355 = tpu.memref_squeeze %dma_start3A_354 : memref<1x64xi32, #tpu.memory_space<vmem>> -> memref<64xi32, #tpu.memory_space<vmem>>
          %dma_start3A_356 = arith.constant 0 : i32
          %dma_start3A_357 = arith.constant 0 : i32
          %dma_start3A_358 = tpu.memref_slice %arg3[%dma_start3A_356, %dma_start3A_357] : memref<10064x128xf32, #tpu.memory_space<hbm>> -> memref<10064x128xf32, #tpu.memory_space<hbm>>
          tpu.enqueue_indirect_dma source(%dma_start3A_358 : memref<10064x128xf32, #tpu.memory_space<hbm>>) target(%dma_start3A_352 : memref<64x128xf32, #tpu.memory_space<vmem>>) offsets(%dma_start3A_355 : memref<64xi32, #tpu.memory_space<vmem>>) semaphore(%arg15 : memref<!tpu.dma_semaphore, #tpu.memory_space<semaphore_mem>>)
          %dma_start3A_359 = arith.constant 1 : i32
          %dma_start3A_360 = arith.constant 64 : i32
          %dma_start3A_361 = arith.constant 0 : i32
          %dma_start3A_362 = tpu.memref_slice %arg13[%dma_start3A_359, %dma_start3A_360, %dma_start3A_361] : memref<2x128x128xf32, #tpu.memory_space<vmem>> -> memref<1x64x128xf32, #tpu.memory_space<vmem>>
          %dma_start3A_363 = tpu.memref_squeeze %dma_start3A_362 : memref<1x64x128xf32, #tpu.memory_space<vmem>> -> memref<64x128xf32, #tpu.memory_space<vmem>>
          %dma_start3A_364 = arith.constant 64 : i32
          %dma_start3A_365 = tpu.memref_slice %arg11[%add3A_347, %dma_start3A_364] : memref<40x128xi32, #tpu.memory_space<vmem>> -> memref<1x64xi32, #tpu.memory_space<vmem>>
          %dma_start3A_366 = tpu.memref_squeeze %dma_start3A_365 : memref<1x64xi32, #tpu.memory_space<vmem>> -> memref<64xi32, #tpu.memory_space<vmem>>
          %dma_start3A_367 = arith.constant 0 : i32
          %dma_start3A_368 = arith.constant 0 : i32
          %dma_start3A_369 = tpu.memref_slice %arg3[%dma_start3A_367, %dma_start3A_368] : memref<10064x128xf32, #tpu.memory_space<hbm>> -> memref<10064x128xf32, #tpu.memory_space<hbm>>
          tpu.enqueue_indirect_dma source(%dma_start3A_369 : memref<10064x128xf32, #tpu.memory_space<hbm>>) target(%dma_start3A_363 : memref<64x128xf32, #tpu.memory_space<vmem>>) offsets(%dma_start3A_366 : memref<64xi32, #tpu.memory_space<vmem>>) semaphore(%arg15 : memref<!tpu.dma_semaphore, #tpu.memory_space<semaphore_mem>>)
          %scan3A_370 = arith.constant 0 : i32
          scf.yield %scan3A_370 : i32
        }
        %scan3A_152 = arith.constant 19 : i32
        %dma_wait3A_153 = arith.constant 0 : i32
        %dma_wait3A_154 = arith.constant 1 : i32
        %dma_wait3A_155 = arith.constant 0 : i32
        %dma_wait3A_156 = arith.constant 0 : i32
        %dma_wait3A_157 = tpu.memref_slice %arg13[%dma_wait3A_154, %dma_wait3A_155, %dma_wait3A_156] : memref<2x128x128xf32, #tpu.memory_space<vmem>> -> memref<1x64x128xf32, #tpu.memory_space<vmem>>
        %dma_wait3A_158 = tpu.memref_squeeze %dma_wait3A_157 : memref<1x64x128xf32, #tpu.memory_space<vmem>> -> memref<64x128xf32, #tpu.memory_space<vmem>>
        %dma_wait3A_159 = arith.constant 0 : i32
        %dma_wait3A_160 = tpu.memref_slice %arg11[%dma_wait3A_153, %dma_wait3A_159] : memref<40x128xi32, #tpu.memory_space<vmem>> -> memref<1x64xi32, #tpu.memory_space<vmem>>
        %dma_wait3A_161 = tpu.memref_squeeze %dma_wait3A_160 : memref<1x64xi32, #tpu.memory_space<vmem>> -> memref<64xi32, #tpu.memory_space<vmem>>
        %dma_wait3A_162 = arith.constant 0 : i32
        %dma_wait3A_163 = arith.constant 0 : i32
        %dma_wait3A_164 = tpu.memref_slice %arg3[%dma_wait3A_162, %dma_wait3A_163] : memref<10064x128xf32, #tpu.memory_space<hbm>> -> memref<10064x128xf32, #tpu.memory_space<hbm>>
        tpu.wait_indirect_dma semaphore(%arg15 : memref<!tpu.dma_semaphore, #tpu.memory_space<semaphore_mem>>) src(%dma_wait3A_164 : memref<10064x128xf32, #tpu.memory_space<hbm>>) dst(%dma_wait3A_158 : memref<64x128xf32, #tpu.memory_space<vmem>>)
        %dma_wait3A_165 = arith.constant 0 : i32
        %dma_wait3A_166 = arith.constant 1 : i32
        %dma_wait3A_167 = arith.constant 0 : i32
        %dma_wait3A_168 = arith.constant 0 : i32
        %dma_wait3A_169 = tpu.memref_slice %arg13[%dma_wait3A_166, %dma_wait3A_167, %dma_wait3A_168] : memref<2x128x128xf32, #tpu.memory_space<vmem>> -> memref<1x64x128xf32, #tpu.memory_space<vmem>>
        %dma_wait3A_170 = tpu.memref_squeeze %dma_wait3A_169 : memref<1x64x128xf32, #tpu.memory_space<vmem>> -> memref<64x128xf32, #tpu.memory_space<vmem>>
        %dma_wait3A_171 = arith.constant 0 : i32
        %dma_wait3A_172 = tpu.memref_slice %arg11[%dma_wait3A_165, %dma_wait3A_171] : memref<40x128xi32, #tpu.memory_space<vmem>> -> memref<1x64xi32, #tpu.memory_space<vmem>>
        %dma_wait3A_173 = tpu.memref_squeeze %dma_wait3A_172 : memref<1x64xi32, #tpu.memory_space<vmem>> -> memref<64xi32, #tpu.memory_space<vmem>>
        %dma_wait3A_174 = arith.constant 0 : i32
        %dma_wait3A_175 = arith.constant 0 : i32
        %dma_wait3A_176 = tpu.memref_slice %arg3[%dma_wait3A_174, %dma_wait3A_175] : memref<10064x128xf32, #tpu.memory_space<hbm>> -> memref<10064x128xf32, #tpu.memory_space<hbm>>
        tpu.wait_indirect_dma semaphore(%arg15 : memref<!tpu.dma_semaphore, #tpu.memory_space<semaphore_mem>>) src(%dma_wait3A_176 : memref<10064x128xf32, #tpu.memory_space<hbm>>) dst(%dma_wait3A_170 : memref<64x128xf32, #tpu.memory_space<vmem>>)
        %dma_start3A_177 = arith.constant 1 : i32
        %dma_start3A_178 = arith.constant 39 : i32
        %dma_start3A_179 = arith.constant 0 : i32
        %dma_start3A_180 = arith.constant 0 : i32
        %dma_start3A_181 = tpu.memref_slice %arg13[%dma_start3A_177, %dma_start3A_179, %dma_start3A_180] : memref<2x128x128xf32, #tpu.memory_space<vmem>> -> memref<1x128x128xf32, #tpu.memory_space<vmem>>
        %dma_start3A_182 = tpu.memref_squeeze %dma_start3A_181 : memref<1x128x128xf32, #tpu.memory_space<vmem>> -> memref<128x128xf32, #tpu.memory_space<vmem>>
        %dma_start3A_183 = arith.constant 0 : i32
        %dma_start3A_184 = tpu.memref_slice %arg12[%dma_start3A_178, %dma_start3A_183] : memref<40x128xi32, #tpu.memory_space<vmem>> -> memref<1x128xi32, #tpu.memory_space<vmem>>
        %dma_start3A_185 = tpu.memref_squeeze %dma_start3A_184 : memref<1x128xi32, #tpu.memory_space<vmem>> -> memref<128xi32, #tpu.memory_space<vmem>>
        %dma_start3A_186 = arith.constant 0 : i32
        %dma_start3A_187 = arith.constant 0 : i32
        %dma_start3A_188 = tpu.memref_slice %arg14[%dma_start3A_186, %dma_start3A_187] : memref<10064x128xf32, #tpu.memory_space<vmem_shared>> -> memref<10064x128xf32, #tpu.memory_space<vmem_shared>>
        tpu.enqueue_indirect_dma source(%dma_start3A_182 : memref<128x128xf32, #tpu.memory_space<vmem>>) target(%dma_start3A_188 : memref<10064x128xf32, #tpu.memory_space<vmem_shared>>) offsets(%dma_start3A_185 : memref<128xi32, #tpu.memory_space<vmem>>) semaphore(%arg16 : memref<!tpu.dma_semaphore, #tpu.memory_space<semaphore_mem>>) {add = true}
        %dma_wait3A_189 = arith.constant 0 : i32
        %dma_wait3A_190 = arith.constant 0 : i32
        %dma_wait3A_191 = arith.constant 0 : i32
        %dma_wait3A_192 = arith.constant 0 : i32
        %dma_wait3A_193 = tpu.memref_slice %arg13[%dma_wait3A_189, %dma_wait3A_191, %dma_wait3A_192] : memref<2x128x128xf32, #tpu.memory_space<vmem>> -> memref<1x128x128xf32, #tpu.memory_space<vmem>>
        %dma_wait3A_194 = tpu.memref_squeeze %dma_wait3A_193 : memref<1x128x128xf32, #tpu.memory_space<vmem>> -> memref<128x128xf32, #tpu.memory_space<vmem>>
        %dma_wait3A_195 = arith.constant 0 : i32
        %dma_wait3A_196 = tpu.memref_slice %arg12[%dma_wait3A_190, %dma_wait3A_195] : memref<40x128xi32, #tpu.memory_space<vmem>> -> memref<1x128xi32, #tpu.memory_space<vmem>>
        %dma_wait3A_197 = tpu.memref_squeeze %dma_wait3A_196 : memref<1x128xi32, #tpu.memory_space<vmem>> -> memref<128xi32, #tpu.memory_space<vmem>>
        %dma_wait3A_198 = arith.constant 0 : i32
        %dma_wait3A_199 = arith.constant 0 : i32
        %dma_wait3A_200 = tpu.memref_slice %arg14[%dma_wait3A_198, %dma_wait3A_199] : memref<10064x128xf32, #tpu.memory_space<vmem_shared>> -> memref<10064x128xf32, #tpu.memory_space<vmem_shared>>
        tpu.wait_indirect_dma semaphore(%arg16 : memref<!tpu.dma_semaphore, #tpu.memory_space<semaphore_mem>>) src(%dma_wait3A_194 : memref<128x128xf32, #tpu.memory_space<vmem>>) dst(%dma_wait3A_200 : memref<10064x128xf32, #tpu.memory_space<vmem_shared>>)
        %dma_wait3A_201 = arith.constant 1 : i32
        %dma_wait3A_202 = arith.constant 0 : i32
        %dma_wait3A_203 = arith.constant 0 : i32
        %dma_wait3A_204 = arith.constant 0 : i32
        %dma_wait3A_205 = tpu.memref_slice %arg13[%dma_wait3A_201, %dma_wait3A_203, %dma_wait3A_204] : memref<2x128x128xf32, #tpu.memory_space<vmem>> -> memref<1x128x128xf32, #tpu.memory_space<vmem>>
        %dma_wait3A_206 = tpu.memref_squeeze %dma_wait3A_205 : memref<1x128x128xf32, #tpu.memory_space<vmem>> -> memref<128x128xf32, #tpu.memory_space<vmem>>
        %dma_wait3A_207 = arith.constant 0 : i32
        %dma_wait3A_208 = tpu.memref_slice %arg12[%dma_wait3A_202, %dma_wait3A_207] : memref<40x128xi32, #tpu.memory_space<vmem>> -> memref<1x128xi32, #tpu.memory_space<vmem>>
        %dma_wait3A_209 = tpu.memref_squeeze %dma_wait3A_208 : memref<1x128xi32, #tpu.memory_space<vmem>> -> memref<128xi32, #tpu.memory_space<vmem>>
        %dma_wait3A_210 = arith.constant 0 : i32
        %dma_wait3A_211 = arith.constant 0 : i32
        %dma_wait3A_212 = tpu.memref_slice %arg14[%dma_wait3A_210, %dma_wait3A_211] : memref<10064x128xf32, #tpu.memory_space<vmem_shared>> -> memref<10064x128xf32, #tpu.memory_space<vmem_shared>>
        tpu.wait_indirect_dma semaphore(%arg16 : memref<!tpu.dma_semaphore, #tpu.memory_space<semaphore_mem>>) src(%dma_wait3A_206 : memref<128x128xf32, #tpu.memory_space<vmem>>) dst(%dma_wait3A_212 : memref<10064x128xf32, #tpu.memory_space<vmem_shared>>)
        %scan3A_213 = arith.constant 0 : i32
        scf.yield %scan3A_213 : i32
      }
      %scan3A_58 = arith.constant 4 : i32
    } else {
    }
    %barrier3A_37 = arith.constant 0 : index
    tpu.barrier barrier_id(%barrier3A_37)
    %mul3A_38 = arith.constant 632 : i32
    %mul3A_39 = arith.muli %arg1, %mul3A_38 : i32
    %min3A_40 = arith.constant 9368 : i32
    %min3A_41 = arith.minsi %mul3A_39, %min3A_40 : i32
    %multiple_of3A_42 = tpu.assume_multiple %min3A_41, 8 : i32
    %eq3A_43 = arith.constant 0 : i32
    %eq3A_44 = arith.cmpi eq, %arg0, %eq3A_43 : i32
    %convert_element_type3A_45 = arith.extui %eq3A_44 : i1 to i32
    %cond3A_46 = arith.constant 0 : i32
    %cond3A_47 = arith.cmpi ne, %convert_element_type3A_45, %cond3A_46 : i32
    scf.if %cond3A_47 {
      "tpu.region"() ({
        %run_scoped3A_53 = tpu.sem_alloc : memref<!tpu.dma_semaphore, #tpu.memory_space<semaphore_mem>>
        %dma_start3A = arith.constant 0 : i32
        %dma_start3A_54 = tpu.memref_slice %arg9[%multiple_of3A_42, %dma_start3A] : memref<10000x128xf32, #tpu.memory_space<hbm>> -> memref<632x128xf32, #tpu.memory_space<hbm>>
        %dma_start3A_55 = arith.constant 0 : i32
        %dma_start3A_56 = tpu.memref_slice %arg14[%multiple_of3A_42, %dma_start3A_55] : memref<10064x128xf32, #tpu.memory_space<vmem_shared>> -> memref<632x128xf32, #tpu.memory_space<vmem_shared>>
        tpu.enqueue_dma source(%dma_start3A_56 : memref<632x128xf32, #tpu.memory_space<vmem_shared>>) target(%dma_start3A_54 : memref<632x128xf32, #tpu.memory_space<hbm>>) target_semaphore(%run_scoped3A_53 : memref<!tpu.dma_semaphore, #tpu.memory_space<semaphore_mem>>)
        %dma_wait3A = arith.constant 0 : i32
        %dma_wait3A_57 = tpu.memref_slice %arg9[%multiple_of3A_42, %dma_wait3A] : memref<10000x128xf32, #tpu.memory_space<hbm>> -> memref<632x128xf32, #tpu.memory_space<hbm>>
        %dma_wait3A_58 = arith.constant 0 : i32
        %dma_wait3A_59 = tpu.memref_slice %arg14[%multiple_of3A_42, %dma_wait3A_58] : memref<10064x128xf32, #tpu.memory_space<vmem_shared>> -> memref<632x128xf32, #tpu.memory_space<vmem_shared>>
        tpu.wait_dma2 semaphore(%run_scoped3A_53 : memref<!tpu.dma_semaphore, #tpu.memory_space<semaphore_mem>>) src(%dma_wait3A_59 : memref<632x128xf32, #tpu.memory_space<vmem_shared>>) dst(%dma_wait3A_57 : memref<632x128xf32, #tpu.memory_space<hbm>>)
        tpu.yield
      }) : () -> ()
    } else {
    }
    %eq3A_48 = arith.constant 1 : i32
    %eq3A_49 = arith.cmpi eq, %arg0, %eq3A_48 : i32
    %convert_element_type3A_50 = arith.extui %eq3A_49 : i1 to i32
    %cond3A_51 = arith.constant 0 : i32
    %cond3A_52 = arith.cmpi ne, %convert_element_type3A_50, %cond3A_51 : i32
    scf.if %cond3A_52 {
      "tpu.region"() ({
        %run_scoped3A_53 = tpu.sem_alloc : memref<!tpu.dma_semaphore, #tpu.memory_space<semaphore_mem>>
        %dma_start3A = arith.constant 0 : i32
        %dma_start3A_54 = tpu.memref_slice %arg10[%multiple_of3A_42, %dma_start3A] : memref<10000x128xf32, #tpu.memory_space<hbm>> -> memref<632x128xf32, #tpu.memory_space<hbm>>
        %dma_start3A_55 = arith.constant 0 : i32
        %dma_start3A_56 = tpu.memref_slice %arg14[%multiple_of3A_42, %dma_start3A_55] : memref<10064x128xf32, #tpu.memory_space<vmem_shared>> -> memref<632x128xf32, #tpu.memory_space<vmem_shared>>
        tpu.enqueue_dma source(%dma_start3A_56 : memref<632x128xf32, #tpu.memory_space<vmem_shared>>) target(%dma_start3A_54 : memref<632x128xf32, #tpu.memory_space<hbm>>) target_semaphore(%run_scoped3A_53 : memref<!tpu.dma_semaphore, #tpu.memory_space<semaphore_mem>>)
        %dma_wait3A = arith.constant 0 : i32
        %dma_wait3A_57 = tpu.memref_slice %arg10[%multiple_of3A_42, %dma_wait3A] : memref<10000x128xf32, #tpu.memory_space<hbm>> -> memref<632x128xf32, #tpu.memory_space<hbm>>
        %dma_wait3A_58 = arith.constant 0 : i32
        %dma_wait3A_59 = tpu.memref_slice %arg14[%multiple_of3A_42, %dma_wait3A_58] : memref<10064x128xf32, #tpu.memory_space<vmem_shared>> -> memref<632x128xf32, #tpu.memory_space<vmem_shared>>
        tpu.wait_dma2 semaphore(%run_scoped3A_53 : memref<!tpu.dma_semaphore, #tpu.memory_space<semaphore_mem>>) src(%dma_wait3A_59 : memref<632x128xf32, #tpu.memory_space<vmem_shared>>) dst(%dma_wait3A_57 : memref<632x128xf32, #tpu.memory_space<hbm>>)
        tpu.yield
      }) : () -> ()
    } else {
    }
    return
  }
}

#map = affine_map<(d0, d1) -> (0, 0, 0)>
#map1 = affine_map<(d0, d1) -> (0)>
module attributes {stable_mosaic.version = 14 : i64} {
  func.func @deg_kernel(%arg0: i32, %arg1: i32, %arg2: memref<16x160x128xi32, #tpu.memory_space<hbm>>, %arg3: memref<16x160x128xi32, #tpu.memory_space<hbm>>, %arg4: memref<16x160x128xi32, #tpu.memory_space<hbm>>, %arg5: memref<16x160x128xi32, #tpu.memory_space<hbm>>, %arg6: memref<10064xf32, #tpu.memory_space<hbm>>, %arg7: memref<10064xf32, #tpu.memory_space<hbm>>, %arg8: memref<10064xf32, #tpu.memory_space<hbm>>, %arg9: memref<10064xf32, #tpu.memory_space<hbm>>, %arg10: memref<10064xf32, #tpu.memory_space<hbm>>, %arg11: memref<160x128xi32, #tpu.memory_space<vmem>>, %arg12: memref<160x128xi32, #tpu.memory_space<vmem>>, %arg13: memref<128xf32, #tpu.memory_space<vmem>>, %arg14: memref<10064xf32, #tpu.memory_space<vmem_shared>>, %arg15: memref<10064xf32, #tpu.memory_space<vmem_shared>>, %arg16: memref<!tpu.dma_semaphore, #tpu.memory_space<semaphore_mem>>) attributes {dimension_semantics = [#tpu.dimension_semantics<core_parallel>, #tpu.dimension_semantics<subcore_parallel>], iteration_bounds = array<i64: 2, 16>, scalar_prefetch = 0 : i64, scratch_operands = 6 : i64, tpu.core_type = #tpu.core_type<sc_vector_subcore>, window_params = [{transform_indices = #map}, {transform_indices = #map}, {transform_indices = #map}, {transform_indices = #map}, {transform_indices = #map1}, {transform_indices = #map1}, {transform_indices = #map1}, {transform_indices = #map1}, {transform_indices = #map1}]} {
    %broadcast_in_dim3A = arith.constant 1.000000e+00 : f32
    %broadcast_in_dim3A_0 = vector.broadcast %broadcast_in_dim3A : f32 to vector<16xf32>
    %swap3A = arith.constant 0 : index
    %swap3A_1 = tpu.vector_load %arg13[%swap3A] {strides = array<i32>} : memref<128xf32, #tpu.memory_space<vmem>>, vector<16xf32>,
    %swap3A_2 = vector.shape_cast %swap3A_1 : vector<16xf32> to vector<16xf32>
    %swap3A_3 = vector.shape_cast %broadcast_in_dim3A_0 : vector<16xf32> to vector<16xf32>
    tpu.vector_store %arg13[%swap3A], %swap3A_3 {strides = array<i32>} : memref<128xf32, #tpu.memory_space<vmem>>, vector<16xf32>,
    %broadcast_in_dim3A_4 = arith.constant 1.000000e+00 : f32
    %broadcast_in_dim3A_5 = vector.broadcast %broadcast_in_dim3A_4 : f32 to vector<16xf32>
    %swap3A_6 = arith.constant 16 : index
    %swap3A_7 = tpu.vector_load %arg13[%swap3A_6] {strides = array<i32>} : memref<128xf32, #tpu.memory_space<vmem>>, vector<16xf32>,
    %swap3A_8 = vector.shape_cast %swap3A_7 : vector<16xf32> to vector<16xf32>
    %swap3A_9 = vector.shape_cast %broadcast_in_dim3A_5 : vector<16xf32> to vector<16xf32>
    tpu.vector_store %arg13[%swap3A_6], %swap3A_9 {strides = array<i32>} : memref<128xf32, #tpu.memory_space<vmem>>, vector<16xf32>,
    %broadcast_in_dim3A_10 = arith.constant 1.000000e+00 : f32
    %broadcast_in_dim3A_11 = vector.broadcast %broadcast_in_dim3A_10 : f32 to vector<16xf32>
    %swap3A_12 = arith.constant 32 : index
    %swap3A_13 = tpu.vector_load %arg13[%swap3A_12] {strides = array<i32>} : memref<128xf32, #tpu.memory_space<vmem>>, vector<16xf32>,
    %swap3A_14 = vector.shape_cast %swap3A_13 : vector<16xf32> to vector<16xf32>
    %swap3A_15 = vector.shape_cast %broadcast_in_dim3A_11 : vector<16xf32> to vector<16xf32>
    tpu.vector_store %arg13[%swap3A_12], %swap3A_15 {strides = array<i32>} : memref<128xf32, #tpu.memory_space<vmem>>, vector<16xf32>,
    %broadcast_in_dim3A_16 = arith.constant 1.000000e+00 : f32
    %broadcast_in_dim3A_17 = vector.broadcast %broadcast_in_dim3A_16 : f32 to vector<16xf32>
    %swap3A_18 = arith.constant 48 : index
    %swap3A_19 = tpu.vector_load %arg13[%swap3A_18] {strides = array<i32>} : memref<128xf32, #tpu.memory_space<vmem>>, vector<16xf32>,
    %swap3A_20 = vector.shape_cast %swap3A_19 : vector<16xf32> to vector<16xf32>
    %swap3A_21 = vector.shape_cast %broadcast_in_dim3A_17 : vector<16xf32> to vector<16xf32>
    tpu.vector_store %arg13[%swap3A_18], %swap3A_21 {strides = array<i32>} : memref<128xf32, #tpu.memory_space<vmem>>, vector<16xf32>,
    %broadcast_in_dim3A_22 = arith.constant 1.000000e+00 : f32
    %broadcast_in_dim3A_23 = vector.broadcast %broadcast_in_dim3A_22 : f32 to vector<16xf32>
    %swap3A_24 = arith.constant 64 : index
    %swap3A_25 = tpu.vector_load %arg13[%swap3A_24] {strides = array<i32>} : memref<128xf32, #tpu.memory_space<vmem>>, vector<16xf32>,
    %swap3A_26 = vector.shape_cast %swap3A_25 : vector<16xf32> to vector<16xf32>
    %swap3A_27 = vector.shape_cast %broadcast_in_dim3A_23 : vector<16xf32> to vector<16xf32>
    tpu.vector_store %arg13[%swap3A_24], %swap3A_27 {strides = array<i32>} : memref<128xf32, #tpu.memory_space<vmem>>, vector<16xf32>,
    %broadcast_in_dim3A_28 = arith.constant 1.000000e+00 : f32
    %broadcast_in_dim3A_29 = vector.broadcast %broadcast_in_dim3A_28 : f32 to vector<16xf32>
    %swap3A_30 = arith.constant 80 : index
    %swap3A_31 = tpu.vector_load %arg13[%swap3A_30] {strides = array<i32>} : memref<128xf32, #tpu.memory_space<vmem>>, vector<16xf32>,
    %swap3A_32 = vector.shape_cast %swap3A_31 : vector<16xf32> to vector<16xf32>
    %swap3A_33 = vector.shape_cast %broadcast_in_dim3A_29 : vector<16xf32> to vector<16xf32>
    tpu.vector_store %arg13[%swap3A_30], %swap3A_33 {strides = array<i32>} : memref<128xf32, #tpu.memory_space<vmem>>, vector<16xf32>,
    %broadcast_in_dim3A_34 = arith.constant 1.000000e+00 : f32
    %broadcast_in_dim3A_35 = vector.broadcast %broadcast_in_dim3A_34 : f32 to vector<16xf32>
    %swap3A_36 = arith.constant 96 : index
    %swap3A_37 = tpu.vector_load %arg13[%swap3A_36] {strides = array<i32>} : memref<128xf32, #tpu.memory_space<vmem>>, vector<16xf32>,
    %swap3A_38 = vector.shape_cast %swap3A_37 : vector<16xf32> to vector<16xf32>
    %swap3A_39 = vector.shape_cast %broadcast_in_dim3A_35 : vector<16xf32> to vector<16xf32>
    tpu.vector_store %arg13[%swap3A_36], %swap3A_39 {strides = array<i32>} : memref<128xf32, #tpu.memory_space<vmem>>, vector<16xf32>,
    %broadcast_in_dim3A_40 = arith.constant 1.000000e+00 : f32
    %broadcast_in_dim3A_41 = vector.broadcast %broadcast_in_dim3A_40 : f32 to vector<16xf32>
    %swap3A_42 = arith.constant 112 : index
    %swap3A_43 = tpu.vector_load %arg13[%swap3A_42] {strides = array<i32>} : memref<128xf32, #tpu.memory_space<vmem>>, vector<16xf32>,
    %swap3A_44 = vector.shape_cast %swap3A_43 : vector<16xf32> to vector<16xf32>
    %swap3A_45 = vector.shape_cast %broadcast_in_dim3A_41 : vector<16xf32> to vector<16xf32>
    tpu.vector_store %arg13[%swap3A_42], %swap3A_45 {strides = array<i32>} : memref<128xf32, #tpu.memory_space<vmem>>, vector<16xf32>,
    %eq3A = arith.constant 0 : i32
    %eq3A_46 = arith.cmpi eq, %arg1, %eq3A : i32
    %convert_element_type3A = arith.extui %eq3A_46 : i1 to i32
    %cond3A = arith.constant 0 : i32
    %cond3A_47 = arith.cmpi ne, %convert_element_type3A, %cond3A : i32
    scf.if %cond3A_47 {
      "tpu.region"() ({
        %run_scoped3A = tpu.sem_alloc : memref<!tpu.dma_semaphore, #tpu.memory_space<semaphore_mem>>
        tpu.enqueue_dma source(%arg6 : memref<10064xf32, #tpu.memory_space<hbm>>) target(%arg14 : memref<10064xf32, #tpu.memory_space<vmem_shared>>) target_semaphore(%run_scoped3A : memref<!tpu.dma_semaphore, #tpu.memory_space<semaphore_mem>>)
        tpu.wait_dma2 semaphore(%run_scoped3A : memref<!tpu.dma_semaphore, #tpu.memory_space<semaphore_mem>>) src(%arg6 : memref<10064xf32, #tpu.memory_space<hbm>>) dst(%arg14 : memref<10064xf32, #tpu.memory_space<vmem_shared>>)
        tpu.yield
      }) : () -> ()
    } else {
    }
    %eq3A_48 = arith.constant 1 : i32
    %eq3A_49 = arith.cmpi eq, %arg1, %eq3A_48 : i32
    %convert_element_type3A_50 = arith.extui %eq3A_49 : i1 to i32
    %cond3A_51 = arith.constant 0 : i32
    %cond3A_52 = arith.cmpi ne, %convert_element_type3A_50, %cond3A_51 : i32
    scf.if %cond3A_52 {
      "tpu.region"() ({
        %run_scoped3A = tpu.sem_alloc : memref<!tpu.dma_semaphore, #tpu.memory_space<semaphore_mem>>
        tpu.enqueue_dma source(%arg6 : memref<10064xf32, #tpu.memory_space<hbm>>) target(%arg15 : memref<10064xf32, #tpu.memory_space<vmem_shared>>) target_semaphore(%run_scoped3A : memref<!tpu.dma_semaphore, #tpu.memory_space<semaphore_mem>>)
        tpu.wait_dma2 semaphore(%run_scoped3A : memref<!tpu.dma_semaphore, #tpu.memory_space<semaphore_mem>>) src(%arg6 : memref<10064xf32, #tpu.memory_space<hbm>>) dst(%arg15 : memref<10064xf32, #tpu.memory_space<vmem_shared>>)
        tpu.yield
      }) : () -> ()
    } else {
    }
    %barrier3A = arith.constant 0 : index
    tpu.barrier barrier_id(%barrier3A)
    %eq3A_53 = arith.constant 0 : i32
    %eq3A_54 = arith.cmpi eq, %arg0, %eq3A_53 : i32
    %convert_element_type3A_55 = arith.extui %eq3A_54 : i1 to i32
    %cond3A_56 = arith.constant 0 : i32
    %cond3A_57 = arith.cmpi ne, %convert_element_type3A_55, %cond3A_56 : i32
    scf.if %cond3A_57 {
      "tpu.region"() ({
        %run_scoped3A = tpu.sem_alloc : memref<!tpu.dma_semaphore, #tpu.memory_space<semaphore_mem>>
        %dma_start3A_123 = arith.constant 0 : i32
        %dma_start3A_124 = arith.constant 0 : i32
        %dma_start3A_125 = tpu.memref_slice %arg2[%arg1, %dma_start3A_123, %dma_start3A_124] : memref<16x160x128xi32, #tpu.memory_space<hbm>> -> memref<1x160x128xi32, #tpu.memory_space<hbm>>
        %dma_start3A_126 = tpu.memref_squeeze %dma_start3A_125 : memref<1x160x128xi32, #tpu.memory_space<hbm>> -> memref<160x128xi32, #tpu.memory_space<hbm>>
        %dma_start3A_127 = arith.constant 0 : i32
        %dma_start3A_128 = arith.constant 0 : i32
        %dma_start3A_129 = tpu.memref_slice %arg2[%arg1, %dma_start3A_127, %dma_start3A_128] : memref<16x160x128xi32, #tpu.memory_space<hbm>> -> memref<1x160x128xi32, #tpu.memory_space<hbm>>
        %dma_start3A_130 = tpu.memref_squeeze %dma_start3A_129 : memref<1x160x128xi32, #tpu.memory_space<hbm>> -> memref<160x128xi32, #tpu.memory_space<hbm>>
        tpu.enqueue_dma source(%dma_start3A_130 : memref<160x128xi32, #tpu.memory_space<hbm>>) target(%arg11 : memref<160x128xi32, #tpu.memory_space<vmem>>) target_semaphore(%run_scoped3A : memref<!tpu.dma_semaphore, #tpu.memory_space<semaphore_mem>>)
        %dma_wait3A_131 = arith.constant 0 : i32
        %dma_wait3A_132 = arith.constant 0 : i32
        %dma_wait3A_133 = tpu.memref_slice %arg2[%arg1, %dma_wait3A_131, %dma_wait3A_132] : memref<16x160x128xi32, #tpu.memory_space<hbm>> -> memref<1x160x128xi32, #tpu.memory_space<hbm>>
        %dma_wait3A_134 = tpu.memref_squeeze %dma_wait3A_133 : memref<1x160x128xi32, #tpu.memory_space<hbm>> -> memref<160x128xi32, #tpu.memory_space<hbm>>
        %dma_wait3A_135 = arith.constant 0 : i32
        %dma_wait3A_136 = arith.constant 0 : i32
        %dma_wait3A_137 = tpu.memref_slice %arg2[%arg1, %dma_wait3A_135, %dma_wait3A_136] : memref<16x160x128xi32, #tpu.memory_space<hbm>> -> memref<1x160x128xi32, #tpu.memory_space<hbm>>
        %dma_wait3A_138 = tpu.memref_squeeze %dma_wait3A_137 : memref<1x160x128xi32, #tpu.memory_space<hbm>> -> memref<160x128xi32, #tpu.memory_space<hbm>>
        tpu.wait_dma2 semaphore(%run_scoped3A : memref<!tpu.dma_semaphore, #tpu.memory_space<semaphore_mem>>) src(%dma_wait3A_138 : memref<160x128xi32, #tpu.memory_space<hbm>>) dst(%arg11 : memref<160x128xi32, #tpu.memory_space<vmem>>)
        tpu.yield
      }) : () -> ()
      "tpu.region"() ({
        %run_scoped3A = tpu.sem_alloc : memref<!tpu.dma_semaphore, #tpu.memory_space<semaphore_mem>>
        %dma_start3A_123 = arith.constant 0 : i32
        %dma_start3A_124 = arith.constant 0 : i32
        %dma_start3A_125 = tpu.memref_slice %arg3[%arg1, %dma_start3A_123, %dma_start3A_124] : memref<16x160x128xi32, #tpu.memory_space<hbm>> -> memref<1x160x128xi32, #tpu.memory_space<hbm>>
        %dma_start3A_126 = tpu.memref_squeeze %dma_start3A_125 : memref<1x160x128xi32, #tpu.memory_space<hbm>> -> memref<160x128xi32, #tpu.memory_space<hbm>>
        %dma_start3A_127 = arith.constant 0 : i32
        %dma_start3A_128 = arith.constant 0 : i32
        %dma_start3A_129 = tpu.memref_slice %arg3[%arg1, %dma_start3A_127, %dma_start3A_128] : memref<16x160x128xi32, #tpu.memory_space<hbm>> -> memref<1x160x128xi32, #tpu.memory_space<hbm>>
        %dma_start3A_130 = tpu.memref_squeeze %dma_start3A_129 : memref<1x160x128xi32, #tpu.memory_space<hbm>> -> memref<160x128xi32, #tpu.memory_space<hbm>>
        tpu.enqueue_dma source(%dma_start3A_130 : memref<160x128xi32, #tpu.memory_space<hbm>>) target(%arg12 : memref<160x128xi32, #tpu.memory_space<vmem>>) target_semaphore(%run_scoped3A : memref<!tpu.dma_semaphore, #tpu.memory_space<semaphore_mem>>)
        %dma_wait3A_131 = arith.constant 0 : i32
        %dma_wait3A_132 = arith.constant 0 : i32
        %dma_wait3A_133 = tpu.memref_slice %arg3[%arg1, %dma_wait3A_131, %dma_wait3A_132] : memref<16x160x128xi32, #tpu.memory_space<hbm>> -> memref<1x160x128xi32, #tpu.memory_space<hbm>>
        %dma_wait3A_134 = tpu.memref_squeeze %dma_wait3A_133 : memref<1x160x128xi32, #tpu.memory_space<hbm>> -> memref<160x128xi32, #tpu.memory_space<hbm>>
        %dma_wait3A_135 = arith.constant 0 : i32
        %dma_wait3A_136 = arith.constant 0 : i32
        %dma_wait3A_137 = tpu.memref_slice %arg3[%arg1, %dma_wait3A_135, %dma_wait3A_136] : memref<16x160x128xi32, #tpu.memory_space<hbm>> -> memref<1x160x128xi32, #tpu.memory_space<hbm>>
        %dma_wait3A_138 = tpu.memref_squeeze %dma_wait3A_137 : memref<1x160x128xi32, #tpu.memory_space<hbm>> -> memref<160x128xi32, #tpu.memory_space<hbm>>
        tpu.wait_dma2 semaphore(%run_scoped3A : memref<!tpu.dma_semaphore, #tpu.memory_space<semaphore_mem>>) src(%dma_wait3A_138 : memref<160x128xi32, #tpu.memory_space<hbm>>) dst(%arg12 : memref<160x128xi32, #tpu.memory_space<vmem>>)
        tpu.yield
      }) : () -> ()
      %dma_start3A = arith.constant 0 : i32
      %dma_start3A_95 = arith.constant 0 : i32
      %dma_start3A_96 = tpu.memref_slice %arg11[%dma_start3A, %dma_start3A_95] : memref<160x128xi32, #tpu.memory_space<vmem>> -> memref<1x128xi32, #tpu.memory_space<vmem>>
      %dma_start3A_97 = tpu.memref_squeeze %dma_start3A_96 : memref<1x128xi32, #tpu.memory_space<vmem>> -> memref<128xi32, #tpu.memory_space<vmem>>
      %dma_start3A_98 = arith.constant 0 : i32
      %dma_start3A_99 = tpu.memref_slice %arg14[%dma_start3A_98] : memref<10064xf32, #tpu.memory_space<vmem_shared>> -> memref<10064xf32, #tpu.memory_space<vmem_shared>>
      tpu.enqueue_indirect_dma source(%arg13 : memref<128xf32, #tpu.memory_space<vmem>>) target(%dma_start3A_99 : memref<10064xf32, #tpu.memory_space<vmem_shared>>) offsets(%dma_start3A_97 : memref<128xi32, #tpu.memory_space<vmem>>) semaphore(%arg16 : memref<!tpu.dma_semaphore, #tpu.memory_space<semaphore_mem>>) {add = true}
      %dma_start3A_100 = arith.constant 0 : i32
      %dma_start3A_101 = arith.constant 0 : i32
      %dma_start3A_102 = tpu.memref_slice %arg12[%dma_start3A_100, %dma_start3A_101] : memref<160x128xi32, #tpu.memory_space<vmem>> -> memref<1x128xi32, #tpu.memory_space<vmem>>
      %dma_start3A_103 = tpu.memref_squeeze %dma_start3A_102 : memref<1x128xi32, #tpu.memory_space<vmem>> -> memref<128xi32, #tpu.memory_space<vmem>>
      %dma_start3A_104 = arith.constant 0 : i32
      %dma_start3A_105 = tpu.memref_slice %arg15[%dma_start3A_104] : memref<10064xf32, #tpu.memory_space<vmem_shared>> -> memref<10064xf32, #tpu.memory_space<vmem_shared>>
      tpu.enqueue_indirect_dma source(%arg13 : memref<128xf32, #tpu.memory_space<vmem>>) target(%dma_start3A_105 : memref<10064xf32, #tpu.memory_space<vmem_shared>>) offsets(%dma_start3A_103 : memref<128xi32, #tpu.memory_space<vmem>>) semaphore(%arg16 : memref<!tpu.dma_semaphore, #tpu.memory_space<semaphore_mem>>) {add = true}
      %scan3A = arith.constant 0 : i32
      %scan3A_106 = arith.constant 1 : i32
      %scan3A_107 = arith.constant 159 : i32
      %scan3A_108 = arith.addi %scan3A_106, %scan3A_107 : i32
      %scan3A_109 = arith.constant 1 : i32
      %scan3A_110 = scf.for %scan3A_123 = %scan3A_106 to %scan3A_108 step %scan3A_109 iter_args(%scan3A_124 = %scan3A) -> (i32)  : i32 {
        %dma_start3A_125 = arith.constant 0 : i32
        %dma_start3A_126 = tpu.memref_slice %arg11[%scan3A_123, %dma_start3A_125] : memref<160x128xi32, #tpu.memory_space<vmem>> -> memref<1x128xi32, #tpu.memory_space<vmem>>
        %dma_start3A_127 = tpu.memref_squeeze %dma_start3A_126 : memref<1x128xi32, #tpu.memory_space<vmem>> -> memref<128xi32, #tpu.memory_space<vmem>>
        %dma_start3A_128 = arith.constant 0 : i32
        %dma_start3A_129 = tpu.memref_slice %arg14[%dma_start3A_128] : memref<10064xf32, #tpu.memory_space<vmem_shared>> -> memref<10064xf32, #tpu.memory_space<vmem_shared>>
        tpu.enqueue_indirect_dma source(%arg13 : memref<128xf32, #tpu.memory_space<vmem>>) target(%dma_start3A_129 : memref<10064xf32, #tpu.memory_space<vmem_shared>>) offsets(%dma_start3A_127 : memref<128xi32, #tpu.memory_space<vmem>>) semaphore(%arg16 : memref<!tpu.dma_semaphore, #tpu.memory_space<semaphore_mem>>) {add = true}
        %dma_start3A_130 = arith.constant 0 : i32
        %dma_start3A_131 = tpu.memref_slice %arg12[%scan3A_123, %dma_start3A_130] : memref<160x128xi32, #tpu.memory_space<vmem>> -> memref<1x128xi32, #tpu.memory_space<vmem>>
        %dma_start3A_132 = tpu.memref_squeeze %dma_start3A_131 : memref<1x128xi32, #tpu.memory_space<vmem>> -> memref<128xi32, #tpu.memory_space<vmem>>
        %dma_start3A_133 = arith.constant 0 : i32
        %dma_start3A_134 = tpu.memref_slice %arg15[%dma_start3A_133] : memref<10064xf32, #tpu.memory_space<vmem_shared>> -> memref<10064xf32, #tpu.memory_space<vmem_shared>>
        tpu.enqueue_indirect_dma source(%arg13 : memref<128xf32, #tpu.memory_space<vmem>>) target(%dma_start3A_134 : memref<10064xf32, #tpu.memory_space<vmem_shared>>) offsets(%dma_start3A_132 : memref<128xi32, #tpu.memory_space<vmem>>) semaphore(%arg16 : memref<!tpu.dma_semaphore, #tpu.memory_space<semaphore_mem>>) {add = true}
        %sub3A = arith.constant 1 : i32
        %sub3A_135 = arith.subi %scan3A_123, %sub3A : i32
        %dma_wait3A_136 = arith.constant 0 : i32
        %dma_wait3A_137 = tpu.memref_slice %arg11[%sub3A_135, %dma_wait3A_136] : memref<160x128xi32, #tpu.memory_space<vmem>> -> memref<1x128xi32, #tpu.memory_space<vmem>>
        %dma_wait3A_138 = tpu.memref_squeeze %dma_wait3A_137 : memref<1x128xi32, #tpu.memory_space<vmem>> -> memref<128xi32, #tpu.memory_space<vmem>>
        %dma_wait3A_139 = arith.constant 0 : i32
        %dma_wait3A_140 = tpu.memref_slice %arg14[%dma_wait3A_139] : memref<10064xf32, #tpu.memory_space<vmem_shared>> -> memref<10064xf32, #tpu.memory_space<vmem_shared>>
        tpu.wait_indirect_dma semaphore(%arg16 : memref<!tpu.dma_semaphore, #tpu.memory_space<semaphore_mem>>) src(%arg13 : memref<128xf32, #tpu.memory_space<vmem>>) dst(%dma_wait3A_140 : memref<10064xf32, #tpu.memory_space<vmem_shared>>)
        %sub3A_141 = arith.constant 1 : i32
        %sub3A_142 = arith.subi %scan3A_123, %sub3A_141 : i32
        %dma_wait3A_143 = arith.constant 0 : i32
        %dma_wait3A_144 = tpu.memref_slice %arg12[%sub3A_142, %dma_wait3A_143] : memref<160x128xi32, #tpu.memory_space<vmem>> -> memref<1x128xi32, #tpu.memory_space<vmem>>
        %dma_wait3A_145 = tpu.memref_squeeze %dma_wait3A_144 : memref<1x128xi32, #tpu.memory_space<vmem>> -> memref<128xi32, #tpu.memory_space<vmem>>
        %dma_wait3A_146 = arith.constant 0 : i32
        %dma_wait3A_147 = tpu.memref_slice %arg15[%dma_wait3A_146] : memref<10064xf32, #tpu.memory_space<vmem_shared>> -> memref<10064xf32, #tpu.memory_space<vmem_shared>>
        tpu.wait_indirect_dma semaphore(%arg16 : memref<!tpu.dma_semaphore, #tpu.memory_space<semaphore_mem>>) src(%arg13 : memref<128xf32, #tpu.memory_space<vmem>>) dst(%dma_wait3A_147 : memref<10064xf32, #tpu.memory_space<vmem_shared>>)
        %scan3A_148 = arith.constant 0 : i32
        scf.yield %scan3A_148 : i32
      }
      %scan3A_111 = arith.constant 159 : i32
      %dma_wait3A = arith.constant 159 : i32
      %dma_wait3A_112 = arith.constant 0 : i32
      %dma_wait3A_113 = tpu.memref_slice %arg11[%dma_wait3A, %dma_wait3A_112] : memref<160x128xi32, #tpu.memory_space<vmem>> -> memref<1x128xi32, #tpu.memory_space<vmem>>
      %dma_wait3A_114 = tpu.memref_squeeze %dma_wait3A_113 : memref<1x128xi32, #tpu.memory_space<vmem>> -> memref<128xi32, #tpu.memory_space<vmem>>
      %dma_wait3A_115 = arith.constant 0 : i32
      %dma_wait3A_116 = tpu.memref_slice %arg14[%dma_wait3A_115] : memref<10064xf32, #tpu.memory_space<vmem_shared>> -> memref<10064xf32, #tpu.memory_space<vmem_shared>>
      tpu.wait_indirect_dma semaphore(%arg16 : memref<!tpu.dma_semaphore, #tpu.memory_space<semaphore_mem>>) src(%arg13 : memref<128xf32, #tpu.memory_space<vmem>>) dst(%dma_wait3A_116 : memref<10064xf32, #tpu.memory_space<vmem_shared>>)
      %dma_wait3A_117 = arith.constant 159 : i32
      %dma_wait3A_118 = arith.constant 0 : i32
      %dma_wait3A_119 = tpu.memref_slice %arg12[%dma_wait3A_117, %dma_wait3A_118] : memref<160x128xi32, #tpu.memory_space<vmem>> -> memref<1x128xi32, #tpu.memory_space<vmem>>
      %dma_wait3A_120 = tpu.memref_squeeze %dma_wait3A_119 : memref<1x128xi32, #tpu.memory_space<vmem>> -> memref<128xi32, #tpu.memory_space<vmem>>
      %dma_wait3A_121 = arith.constant 0 : i32
      %dma_wait3A_122 = tpu.memref_slice %arg15[%dma_wait3A_121] : memref<10064xf32, #tpu.memory_space<vmem_shared>> -> memref<10064xf32, #tpu.memory_space<vmem_shared>>
      tpu.wait_indirect_dma semaphore(%arg16 : memref<!tpu.dma_semaphore, #tpu.memory_space<semaphore_mem>>) src(%arg13 : memref<128xf32, #tpu.memory_space<vmem>>) dst(%dma_wait3A_122 : memref<10064xf32, #tpu.memory_space<vmem_shared>>)
    } else {
    }
    %eq3A_58 = arith.constant 1 : i32
    %eq3A_59 = arith.cmpi eq, %arg0, %eq3A_58 : i32
    %convert_element_type3A_60 = arith.extui %eq3A_59 : i1 to i32
    %cond3A_61 = arith.constant 0 : i32
    %cond3A_62 = arith.cmpi ne, %convert_element_type3A_60, %cond3A_61 : i32
    scf.if %cond3A_62 {
      "tpu.region"() ({
        %run_scoped3A = tpu.sem_alloc : memref<!tpu.dma_semaphore, #tpu.memory_space<semaphore_mem>>
        %dma_start3A_123 = arith.constant 0 : i32
        %dma_start3A_124 = arith.constant 0 : i32
        %dma_start3A_125 = tpu.memref_slice %arg4[%arg1, %dma_start3A_123, %dma_start3A_124] : memref<16x160x128xi32, #tpu.memory_space<hbm>> -> memref<1x160x128xi32, #tpu.memory_space<hbm>>
        %dma_start3A_126 = tpu.memref_squeeze %dma_start3A_125 : memref<1x160x128xi32, #tpu.memory_space<hbm>> -> memref<160x128xi32, #tpu.memory_space<hbm>>
        %dma_start3A_127 = arith.constant 0 : i32
        %dma_start3A_128 = arith.constant 0 : i32
        %dma_start3A_129 = tpu.memref_slice %arg4[%arg1, %dma_start3A_127, %dma_start3A_128] : memref<16x160x128xi32, #tpu.memory_space<hbm>> -> memref<1x160x128xi32, #tpu.memory_space<hbm>>
        %dma_start3A_130 = tpu.memref_squeeze %dma_start3A_129 : memref<1x160x128xi32, #tpu.memory_space<hbm>> -> memref<160x128xi32, #tpu.memory_space<hbm>>
        tpu.enqueue_dma source(%dma_start3A_130 : memref<160x128xi32, #tpu.memory_space<hbm>>) target(%arg11 : memref<160x128xi32, #tpu.memory_space<vmem>>) target_semaphore(%run_scoped3A : memref<!tpu.dma_semaphore, #tpu.memory_space<semaphore_mem>>)
        %dma_wait3A_131 = arith.constant 0 : i32
        %dma_wait3A_132 = arith.constant 0 : i32
        %dma_wait3A_133 = tpu.memref_slice %arg4[%arg1, %dma_wait3A_131, %dma_wait3A_132] : memref<16x160x128xi32, #tpu.memory_space<hbm>> -> memref<1x160x128xi32, #tpu.memory_space<hbm>>
        %dma_wait3A_134 = tpu.memref_squeeze %dma_wait3A_133 : memref<1x160x128xi32, #tpu.memory_space<hbm>> -> memref<160x128xi32, #tpu.memory_space<hbm>>
        %dma_wait3A_135 = arith.constant 0 : i32
        %dma_wait3A_136 = arith.constant 0 : i32
        %dma_wait3A_137 = tpu.memref_slice %arg4[%arg1, %dma_wait3A_135, %dma_wait3A_136] : memref<16x160x128xi32, #tpu.memory_space<hbm>> -> memref<1x160x128xi32, #tpu.memory_space<hbm>>
        %dma_wait3A_138 = tpu.memref_squeeze %dma_wait3A_137 : memref<1x160x128xi32, #tpu.memory_space<hbm>> -> memref<160x128xi32, #tpu.memory_space<hbm>>
        tpu.wait_dma2 semaphore(%run_scoped3A : memref<!tpu.dma_semaphore, #tpu.memory_space<semaphore_mem>>) src(%dma_wait3A_138 : memref<160x128xi32, #tpu.memory_space<hbm>>) dst(%arg11 : memref<160x128xi32, #tpu.memory_space<vmem>>)
        tpu.yield
      }) : () -> ()
      "tpu.region"() ({
        %run_scoped3A = tpu.sem_alloc : memref<!tpu.dma_semaphore, #tpu.memory_space<semaphore_mem>>
        %dma_start3A_123 = arith.constant 0 : i32
        %dma_start3A_124 = arith.constant 0 : i32
        %dma_start3A_125 = tpu.memref_slice %arg5[%arg1, %dma_start3A_123, %dma_start3A_124] : memref<16x160x128xi32, #tpu.memory_space<hbm>> -> memref<1x160x128xi32, #tpu.memory_space<hbm>>
        %dma_start3A_126 = tpu.memref_squeeze %dma_start3A_125 : memref<1x160x128xi32, #tpu.memory_space<hbm>> -> memref<160x128xi32, #tpu.memory_space<hbm>>
        %dma_start3A_127 = arith.constant 0 : i32
        %dma_start3A_128 = arith.constant 0 : i32
        %dma_start3A_129 = tpu.memref_slice %arg5[%arg1, %dma_start3A_127, %dma_start3A_128] : memref<16x160x128xi32, #tpu.memory_space<hbm>> -> memref<1x160x128xi32, #tpu.memory_space<hbm>>
        %dma_start3A_130 = tpu.memref_squeeze %dma_start3A_129 : memref<1x160x128xi32, #tpu.memory_space<hbm>> -> memref<160x128xi32, #tpu.memory_space<hbm>>
        tpu.enqueue_dma source(%dma_start3A_130 : memref<160x128xi32, #tpu.memory_space<hbm>>) target(%arg12 : memref<160x128xi32, #tpu.memory_space<vmem>>) target_semaphore(%run_scoped3A : memref<!tpu.dma_semaphore, #tpu.memory_space<semaphore_mem>>)
        %dma_wait3A_131 = arith.constant 0 : i32
        %dma_wait3A_132 = arith.constant 0 : i32
        %dma_wait3A_133 = tpu.memref_slice %arg5[%arg1, %dma_wait3A_131, %dma_wait3A_132] : memref<16x160x128xi32, #tpu.memory_space<hbm>> -> memref<1x160x128xi32, #tpu.memory_space<hbm>>
        %dma_wait3A_134 = tpu.memref_squeeze %dma_wait3A_133 : memref<1x160x128xi32, #tpu.memory_space<hbm>> -> memref<160x128xi32, #tpu.memory_space<hbm>>
        %dma_wait3A_135 = arith.constant 0 : i32
        %dma_wait3A_136 = arith.constant 0 : i32
        %dma_wait3A_137 = tpu.memref_slice %arg5[%arg1, %dma_wait3A_135, %dma_wait3A_136] : memref<16x160x128xi32, #tpu.memory_space<hbm>> -> memref<1x160x128xi32, #tpu.memory_space<hbm>>
        %dma_wait3A_138 = tpu.memref_squeeze %dma_wait3A_137 : memref<1x160x128xi32, #tpu.memory_space<hbm>> -> memref<160x128xi32, #tpu.memory_space<hbm>>
        tpu.wait_dma2 semaphore(%run_scoped3A : memref<!tpu.dma_semaphore, #tpu.memory_space<semaphore_mem>>) src(%dma_wait3A_138 : memref<160x128xi32, #tpu.memory_space<hbm>>) dst(%arg12 : memref<160x128xi32, #tpu.memory_space<vmem>>)
        tpu.yield
      }) : () -> ()
      %dma_start3A = arith.constant 0 : i32
      %dma_start3A_95 = arith.constant 0 : i32
      %dma_start3A_96 = tpu.memref_slice %arg11[%dma_start3A, %dma_start3A_95] : memref<160x128xi32, #tpu.memory_space<vmem>> -> memref<1x128xi32, #tpu.memory_space<vmem>>
      %dma_start3A_97 = tpu.memref_squeeze %dma_start3A_96 : memref<1x128xi32, #tpu.memory_space<vmem>> -> memref<128xi32, #tpu.memory_space<vmem>>
      %dma_start3A_98 = arith.constant 0 : i32
      %dma_start3A_99 = tpu.memref_slice %arg14[%dma_start3A_98] : memref<10064xf32, #tpu.memory_space<vmem_shared>> -> memref<10064xf32, #tpu.memory_space<vmem_shared>>
      tpu.enqueue_indirect_dma source(%arg13 : memref<128xf32, #tpu.memory_space<vmem>>) target(%dma_start3A_99 : memref<10064xf32, #tpu.memory_space<vmem_shared>>) offsets(%dma_start3A_97 : memref<128xi32, #tpu.memory_space<vmem>>) semaphore(%arg16 : memref<!tpu.dma_semaphore, #tpu.memory_space<semaphore_mem>>) {add = true}
      %dma_start3A_100 = arith.constant 0 : i32
      %dma_start3A_101 = arith.constant 0 : i32
      %dma_start3A_102 = tpu.memref_slice %arg12[%dma_start3A_100, %dma_start3A_101] : memref<160x128xi32, #tpu.memory_space<vmem>> -> memref<1x128xi32, #tpu.memory_space<vmem>>
      %dma_start3A_103 = tpu.memref_squeeze %dma_start3A_102 : memref<1x128xi32, #tpu.memory_space<vmem>> -> memref<128xi32, #tpu.memory_space<vmem>>
      %dma_start3A_104 = arith.constant 0 : i32
      %dma_start3A_105 = tpu.memref_slice %arg15[%dma_start3A_104] : memref<10064xf32, #tpu.memory_space<vmem_shared>> -> memref<10064xf32, #tpu.memory_space<vmem_shared>>
      tpu.enqueue_indirect_dma source(%arg13 : memref<128xf32, #tpu.memory_space<vmem>>) target(%dma_start3A_105 : memref<10064xf32, #tpu.memory_space<vmem_shared>>) offsets(%dma_start3A_103 : memref<128xi32, #tpu.memory_space<vmem>>) semaphore(%arg16 : memref<!tpu.dma_semaphore, #tpu.memory_space<semaphore_mem>>) {add = true}
      %scan3A = arith.constant 0 : i32
      %scan3A_106 = arith.constant 1 : i32
      %scan3A_107 = arith.constant 159 : i32
      %scan3A_108 = arith.addi %scan3A_106, %scan3A_107 : i32
      %scan3A_109 = arith.constant 1 : i32
      %scan3A_110 = scf.for %scan3A_123 = %scan3A_106 to %scan3A_108 step %scan3A_109 iter_args(%scan3A_124 = %scan3A) -> (i32)  : i32 {
        %dma_start3A_125 = arith.constant 0 : i32
        %dma_start3A_126 = tpu.memref_slice %arg11[%scan3A_123, %dma_start3A_125] : memref<160x128xi32, #tpu.memory_space<vmem>> -> memref<1x128xi32, #tpu.memory_space<vmem>>
        %dma_start3A_127 = tpu.memref_squeeze %dma_start3A_126 : memref<1x128xi32, #tpu.memory_space<vmem>> -> memref<128xi32, #tpu.memory_space<vmem>>
        %dma_start3A_128 = arith.constant 0 : i32
        %dma_start3A_129 = tpu.memref_slice %arg14[%dma_start3A_128] : memref<10064xf32, #tpu.memory_space<vmem_shared>> -> memref<10064xf32, #tpu.memory_space<vmem_shared>>
        tpu.enqueue_indirect_dma source(%arg13 : memref<128xf32, #tpu.memory_space<vmem>>) target(%dma_start3A_129 : memref<10064xf32, #tpu.memory_space<vmem_shared>>) offsets(%dma_start3A_127 : memref<128xi32, #tpu.memory_space<vmem>>) semaphore(%arg16 : memref<!tpu.dma_semaphore, #tpu.memory_space<semaphore_mem>>) {add = true}
        %dma_start3A_130 = arith.constant 0 : i32
        %dma_start3A_131 = tpu.memref_slice %arg12[%scan3A_123, %dma_start3A_130] : memref<160x128xi32, #tpu.memory_space<vmem>> -> memref<1x128xi32, #tpu.memory_space<vmem>>
        %dma_start3A_132 = tpu.memref_squeeze %dma_start3A_131 : memref<1x128xi32, #tpu.memory_space<vmem>> -> memref<128xi32, #tpu.memory_space<vmem>>
        %dma_start3A_133 = arith.constant 0 : i32
        %dma_start3A_134 = tpu.memref_slice %arg15[%dma_start3A_133] : memref<10064xf32, #tpu.memory_space<vmem_shared>> -> memref<10064xf32, #tpu.memory_space<vmem_shared>>
        tpu.enqueue_indirect_dma source(%arg13 : memref<128xf32, #tpu.memory_space<vmem>>) target(%dma_start3A_134 : memref<10064xf32, #tpu.memory_space<vmem_shared>>) offsets(%dma_start3A_132 : memref<128xi32, #tpu.memory_space<vmem>>) semaphore(%arg16 : memref<!tpu.dma_semaphore, #tpu.memory_space<semaphore_mem>>) {add = true}
        %sub3A = arith.constant 1 : i32
        %sub3A_135 = arith.subi %scan3A_123, %sub3A : i32
        %dma_wait3A_136 = arith.constant 0 : i32
        %dma_wait3A_137 = tpu.memref_slice %arg11[%sub3A_135, %dma_wait3A_136] : memref<160x128xi32, #tpu.memory_space<vmem>> -> memref<1x128xi32, #tpu.memory_space<vmem>>
        %dma_wait3A_138 = tpu.memref_squeeze %dma_wait3A_137 : memref<1x128xi32, #tpu.memory_space<vmem>> -> memref<128xi32, #tpu.memory_space<vmem>>
        %dma_wait3A_139 = arith.constant 0 : i32
        %dma_wait3A_140 = tpu.memref_slice %arg14[%dma_wait3A_139] : memref<10064xf32, #tpu.memory_space<vmem_shared>> -> memref<10064xf32, #tpu.memory_space<vmem_shared>>
        tpu.wait_indirect_dma semaphore(%arg16 : memref<!tpu.dma_semaphore, #tpu.memory_space<semaphore_mem>>) src(%arg13 : memref<128xf32, #tpu.memory_space<vmem>>) dst(%dma_wait3A_140 : memref<10064xf32, #tpu.memory_space<vmem_shared>>)
        %sub3A_141 = arith.constant 1 : i32
        %sub3A_142 = arith.subi %scan3A_123, %sub3A_141 : i32
        %dma_wait3A_143 = arith.constant 0 : i32
        %dma_wait3A_144 = tpu.memref_slice %arg12[%sub3A_142, %dma_wait3A_143] : memref<160x128xi32, #tpu.memory_space<vmem>> -> memref<1x128xi32, #tpu.memory_space<vmem>>
        %dma_wait3A_145 = tpu.memref_squeeze %dma_wait3A_144 : memref<1x128xi32, #tpu.memory_space<vmem>> -> memref<128xi32, #tpu.memory_space<vmem>>
        %dma_wait3A_146 = arith.constant 0 : i32
        %dma_wait3A_147 = tpu.memref_slice %arg15[%dma_wait3A_146] : memref<10064xf32, #tpu.memory_space<vmem_shared>> -> memref<10064xf32, #tpu.memory_space<vmem_shared>>
        tpu.wait_indirect_dma semaphore(%arg16 : memref<!tpu.dma_semaphore, #tpu.memory_space<semaphore_mem>>) src(%arg13 : memref<128xf32, #tpu.memory_space<vmem>>) dst(%dma_wait3A_147 : memref<10064xf32, #tpu.memory_space<vmem_shared>>)
        %scan3A_148 = arith.constant 0 : i32
        scf.yield %scan3A_148 : i32
      }
      %scan3A_111 = arith.constant 159 : i32
      %dma_wait3A = arith.constant 159 : i32
      %dma_wait3A_112 = arith.constant 0 : i32
      %dma_wait3A_113 = tpu.memref_slice %arg11[%dma_wait3A, %dma_wait3A_112] : memref<160x128xi32, #tpu.memory_space<vmem>> -> memref<1x128xi32, #tpu.memory_space<vmem>>
      %dma_wait3A_114 = tpu.memref_squeeze %dma_wait3A_113 : memref<1x128xi32, #tpu.memory_space<vmem>> -> memref<128xi32, #tpu.memory_space<vmem>>
      %dma_wait3A_115 = arith.constant 0 : i32
      %dma_wait3A_116 = tpu.memref_slice %arg14[%dma_wait3A_115] : memref<10064xf32, #tpu.memory_space<vmem_shared>> -> memref<10064xf32, #tpu.memory_space<vmem_shared>>
      tpu.wait_indirect_dma semaphore(%arg16 : memref<!tpu.dma_semaphore, #tpu.memory_space<semaphore_mem>>) src(%arg13 : memref<128xf32, #tpu.memory_space<vmem>>) dst(%dma_wait3A_116 : memref<10064xf32, #tpu.memory_space<vmem_shared>>)
      %dma_wait3A_117 = arith.constant 159 : i32
      %dma_wait3A_118 = arith.constant 0 : i32
      %dma_wait3A_119 = tpu.memref_slice %arg12[%dma_wait3A_117, %dma_wait3A_118] : memref<160x128xi32, #tpu.memory_space<vmem>> -> memref<1x128xi32, #tpu.memory_space<vmem>>
      %dma_wait3A_120 = tpu.memref_squeeze %dma_wait3A_119 : memref<1x128xi32, #tpu.memory_space<vmem>> -> memref<128xi32, #tpu.memory_space<vmem>>
      %dma_wait3A_121 = arith.constant 0 : i32
      %dma_wait3A_122 = tpu.memref_slice %arg15[%dma_wait3A_121] : memref<10064xf32, #tpu.memory_space<vmem_shared>> -> memref<10064xf32, #tpu.memory_space<vmem_shared>>
      tpu.wait_indirect_dma semaphore(%arg16 : memref<!tpu.dma_semaphore, #tpu.memory_space<semaphore_mem>>) src(%arg13 : memref<128xf32, #tpu.memory_space<vmem>>) dst(%dma_wait3A_122 : memref<10064xf32, #tpu.memory_space<vmem_shared>>)
    } else {
    }
    %barrier3A_63 = arith.constant 0 : index
    tpu.barrier barrier_id(%barrier3A_63)
    %eq3A_64 = arith.constant 0 : i32
    %eq3A_65 = arith.cmpi eq, %arg0, %eq3A_64 : i32
    %eq3A_66 = arith.constant 0 : i32
    %eq3A_67 = arith.cmpi eq, %arg1, %eq3A_66 : i32
    %and3A = arith.andi %eq3A_65, %eq3A_67 : i1
    %convert_element_type3A_68 = arith.extui %and3A : i1 to i32
    %cond3A_69 = arith.constant 0 : i32
    %cond3A_70 = arith.cmpi ne, %convert_element_type3A_68, %cond3A_69 : i32
    scf.if %cond3A_70 {
      "tpu.region"() ({
        %run_scoped3A = tpu.sem_alloc : memref<!tpu.dma_semaphore, #tpu.memory_space<semaphore_mem>>
        tpu.enqueue_dma source(%arg14 : memref<10064xf32, #tpu.memory_space<vmem_shared>>) target(%arg7 : memref<10064xf32, #tpu.memory_space<hbm>>) target_semaphore(%run_scoped3A : memref<!tpu.dma_semaphore, #tpu.memory_space<semaphore_mem>>)
        tpu.wait_dma2 semaphore(%run_scoped3A : memref<!tpu.dma_semaphore, #tpu.memory_space<semaphore_mem>>) src(%arg14 : memref<10064xf32, #tpu.memory_space<vmem_shared>>) dst(%arg7 : memref<10064xf32, #tpu.memory_space<hbm>>)
        tpu.yield
      }) : () -> ()
    } else {
    }
    %eq3A_71 = arith.constant 0 : i32
    %eq3A_72 = arith.cmpi eq, %arg0, %eq3A_71 : i32
    %eq3A_73 = arith.constant 1 : i32
    %eq3A_74 = arith.cmpi eq, %arg1, %eq3A_73 : i32
    %and3A_75 = arith.andi %eq3A_72, %eq3A_74 : i1
    %convert_element_type3A_76 = arith.extui %and3A_75 : i1 to i32
    %cond3A_77 = arith.constant 0 : i32
    %cond3A_78 = arith.cmpi ne, %convert_element_type3A_76, %cond3A_77 : i32
    scf.if %cond3A_78 {
      "tpu.region"() ({
        %run_scoped3A = tpu.sem_alloc : memref<!tpu.dma_semaphore, #tpu.memory_space<semaphore_mem>>
        tpu.enqueue_dma source(%arg15 : memref<10064xf32, #tpu.memory_space<vmem_shared>>) target(%arg8 : memref<10064xf32, #tpu.memory_space<hbm>>) target_semaphore(%run_scoped3A : memref<!tpu.dma_semaphore, #tpu.memory_space<semaphore_mem>>)
        tpu.wait_dma2 semaphore(%run_scoped3A : memref<!tpu.dma_semaphore, #tpu.memory_space<semaphore_mem>>) src(%arg15 : memref<10064xf32, #tpu.memory_space<vmem_shared>>) dst(%arg8 : memref<10064xf32, #tpu.memory_space<hbm>>)
        tpu.yield
      }) : () -> ()
    } else {
    }
    %eq3A_79 = arith.constant 1 : i32
    %eq3A_80 = arith.cmpi eq, %arg0, %eq3A_79 : i32
    %eq3A_81 = arith.constant 0 : i32
    %eq3A_82 = arith.cmpi eq, %arg1, %eq3A_81 : i32
    %and3A_83 = arith.andi %eq3A_80, %eq3A_82 : i1
    %convert_element_type3A_84 = arith.extui %and3A_83 : i1 to i32
    %cond3A_85 = arith.constant 0 : i32
    %cond3A_86 = arith.cmpi ne, %convert_element_type3A_84, %cond3A_85 : i32
    scf.if %cond3A_86 {
      "tpu.region"() ({
        %run_scoped3A = tpu.sem_alloc : memref<!tpu.dma_semaphore, #tpu.memory_space<semaphore_mem>>
        tpu.enqueue_dma source(%arg14 : memref<10064xf32, #tpu.memory_space<vmem_shared>>) target(%arg9 : memref<10064xf32, #tpu.memory_space<hbm>>) target_semaphore(%run_scoped3A : memref<!tpu.dma_semaphore, #tpu.memory_space<semaphore_mem>>)
        tpu.wait_dma2 semaphore(%run_scoped3A : memref<!tpu.dma_semaphore, #tpu.memory_space<semaphore_mem>>) src(%arg14 : memref<10064xf32, #tpu.memory_space<vmem_shared>>) dst(%arg9 : memref<10064xf32, #tpu.memory_space<hbm>>)
        tpu.yield
      }) : () -> ()
    } else {
    }
    %eq3A_87 = arith.constant 1 : i32
    %eq3A_88 = arith.cmpi eq, %arg0, %eq3A_87 : i32
    %eq3A_89 = arith.constant 1 : i32
    %eq3A_90 = arith.cmpi eq, %arg1, %eq3A_89 : i32
    %and3A_91 = arith.andi %eq3A_88, %eq3A_90 : i1
    %convert_element_type3A_92 = arith.extui %and3A_91 : i1 to i32
    %cond3A_93 = arith.constant 0 : i32
    %cond3A_94 = arith.cmpi ne, %convert_element_type3A_92, %cond3A_93 : i32
    scf.if %cond3A_94 {
      "tpu.region"() ({
        %run_scoped3A = tpu.sem_alloc : memref<!tpu.dma_semaphore, #tpu.memory_space<semaphore_mem>>
        tpu.enqueue_dma source(%arg15 : memref<10064xf32, #tpu.memory_space<vmem_shared>>) target(%arg10 : memref<10064xf32, #tpu.memory_space<hbm>>) target_semaphore(%run_scoped3A : memref<!tpu.dma_semaphore, #tpu.memory_space<semaphore_mem>>)
        tpu.wait_dma2 semaphore(%run_scoped3A : memref<!tpu.dma_semaphore, #tpu.memory_space<semaphore_mem>>) src(%arg15 : memref<10064xf32, #tpu.memory_space<vmem_shared>>) dst(%arg10 : memref<10064xf32, #tpu.memory_space<hbm>>)
        tpu.yield
      }) : () -> ()
    } else {
    }
    return
  }
}

module attributes {stable_mosaic.version = 14 : i64} {
  func.func @body(%arg0: i32, %arg1: memref<2000x128xf32, #tpu.memory_space<vmem>>, %arg2: memref<128x128xf32, #tpu.memory_space<vmem>>, %arg3: memref<2000x1xf32, #tpu.memory_space<vmem>>, %arg4: memref<2000x128xf32, #tpu.memory_space<vmem>>) attributes {dimension_semantics = [#tpu.dimension_semantics<arbitrary>], iteration_bounds = array<i64: 5>, scalar_prefetch = 0 : i64, scratch_operands = 0 : i64, tpu.core_type = #tpu.core_type<tc>, window_params = [{transform_indices = @transform_0, window_bounds = array<i64: 2000, 128>}, {pipeline_mode = #tpu.pipeline_mode<synchronous>, transform_indices = @transform_1, window_bounds = array<i64: 128, 128>}, {transform_indices = @transform_2, window_bounds = array<i64: 2000, 1>}, {transform_indices = @transform_3, window_bounds = array<i64: 2000, 128>}]} {
    %get3A = arith.constant 0 : index
    %get3A_0 = arith.constant 0 : index
    %get3A_1 = vector.load %arg3[%get3A, %get3A_0] : memref<2000x1xf32, #tpu.memory_space<vmem>>, vector<2000x1xf32>
    %gt3A = arith.constant 0.000000e+00 : f32
    %gt3A_2 = vector.broadcast %gt3A : f32 to vector<2000x1xf32>
    %gt3A_3 = arith.cmpf ogt, %get3A_1, %gt3A_2 : vector<2000x1xf32>
    %rsqrt3A = math.rsqrt %get3A_1 : vector<2000x1xf32>
    %jit3A = arith.constant 0.000000e+00 : f32
    %broadcast_in_dim3A = vector.broadcast %jit3A : f32 to vector<2000x1xf32>
    %select_n3A = arith.select %gt3A_3, %rsqrt3A, %broadcast_in_dim3A : vector<2000x1xi1>, vector<2000x1xf32>
    %get3A_4 = arith.constant 0 : index
    %get3A_5 = arith.constant 0 : index
    %get3A_6 = vector.load %arg1[%get3A_4, %get3A_5] : memref<2000x128xf32, #tpu.memory_space<vmem>>, vector<2000x128xf32>
    %get3A_7 = arith.constant 0 : index
    %get3A_8 = arith.constant 0 : index
    %get3A_9 = vector.load %arg2[%get3A_7, %get3A_8] : memref<128x128xf32, #tpu.memory_space<vmem>>, vector<128x128xf32>
    %dot_general3A = arith.constant dense<0.000000e+00> : vector<2000x128xf32>
    %dot_general3A_10 = tpu.matmul %get3A_6, %get3A_9, %dot_general3A {dimension_numbers = #tpu.dot_dimension_numbers<[1], [0], [0], [1], [0, 0, 1, 1], [], []>, transpose_lhs_hint = false} : vector<2000x128xf32>, vector<128x128xf32>, vector<2000x128xf32> -> vector<2000x128xf32>
    %mul3A = vector.broadcast %select_n3A : vector<2000x1xf32> to vector<2000x128xf32>
    %mul3A_11 = arith.mulf %dot_general3A_10, %mul3A : vector<2000x128xf32>
    %swap3A = arith.constant 0 : index
    %swap3A_12 = arith.constant 0 : index
    %swap3A_13 = vector.load %arg4[%swap3A, %swap3A_12] : memref<2000x128xf32, #tpu.memory_space<vmem>>, vector<2000x128xf32>
    tpu.vector_store %arg4[%swap3A, %swap3A_12], %mul3A_11 {strides = array<i32>} : memref<2000x128xf32, #tpu.memory_space<vmem>>, vector<2000x128xf32>,
    return
  }
  func.func @transform_0(%arg0: i32) -> (i32, i32) {
    %c0_i32 = arith.constant 0 : i32
    %c0_i32_0 = arith.constant 0 : i32
    return %arg0, %c0_i32 : i32, i32
  }
  func.func @transform_1(%arg0: i32) -> (i32, i32) {
    %c0_i32 = arith.constant 0 : i32
    %c0_i32_0 = arith.constant 0 : i32
    %c0_i32_1 = arith.constant 0 : i32
    return %c0_i32, %c0_i32_0 : i32, i32
  }
  func.func @transform_2(%arg0: i32) -> (i32, i32) {
    %c0_i32 = arith.constant 0 : i32
    %c0_i32_0 = arith.constant 0 : i32
    return %arg0, %c0_i32 : i32, i32
  }
  func.func @transform_3(%arg0: i32) -> (i32, i32) {
    %c0_i32 = arith.constant 0 : i32
    %c0_i32_0 = arith.constant 0 : i32
    return %arg0, %c0_i32 : i32, i32
  }
}

module attributes {stable_mosaic.version = 14 : i64} {
  func.func @body(%arg0: i32, %arg1: memref<2000x128xf32, #tpu.memory_space<vmem>>, %arg2: memref<2000x1xf32, #tpu.memory_space<vmem>>, %arg3: memref<2000x128xf32, #tpu.memory_space<vmem>>) attributes {dimension_semantics = [#tpu.dimension_semantics<arbitrary>], iteration_bounds = array<i64: 5>, scalar_prefetch = 0 : i64, scratch_operands = 0 : i64, tpu.core_type = #tpu.core_type<tc>, window_params = [{transform_indices = @transform_0, window_bounds = array<i64: 2000, 128>}, {transform_indices = @transform_1, window_bounds = array<i64: 2000, 1>}, {transform_indices = @transform_2, window_bounds = array<i64: 2000, 128>}]} {
    %get3A = arith.constant 0 : index
    %get3A_0 = arith.constant 0 : index
    %get3A_1 = vector.load %arg2[%get3A, %get3A_0] : memref<2000x1xf32, #tpu.memory_space<vmem>>, vector<2000x1xf32>
    %gt3A = arith.constant 0.000000e+00 : f32
    %gt3A_2 = vector.broadcast %gt3A : f32 to vector<2000x1xf32>
    %gt3A_3 = arith.cmpf ogt, %get3A_1, %gt3A_2 : vector<2000x1xf32>
    %rsqrt3A = math.rsqrt %get3A_1 : vector<2000x1xf32>
    %jit3A = arith.constant 0.000000e+00 : f32
    %broadcast_in_dim3A = vector.broadcast %jit3A : f32 to vector<2000x1xf32>
    %select_n3A = arith.select %gt3A_3, %rsqrt3A, %broadcast_in_dim3A : vector<2000x1xi1>, vector<2000x1xf32>
    %get3A_4 = arith.constant 0 : index
    %get3A_5 = arith.constant 0 : index
    %get3A_6 = vector.load %arg1[%get3A_4, %get3A_5] : memref<2000x128xf32, #tpu.memory_space<vmem>>, vector<2000x128xf32>
    %mul3A = vector.broadcast %select_n3A : vector<2000x1xf32> to vector<2000x128xf32>
    %mul3A_7 = arith.mulf %get3A_6, %mul3A : vector<2000x128xf32>
    %max3A = arith.constant 0.000000e+00 : f32
    %max3A_8 = vector.broadcast %max3A : f32 to vector<2000x128xf32>
    %max3A_9 = arith.maximumf %mul3A_7, %max3A_8 : vector<2000x128xf32>
    %swap3A = arith.constant 0 : index
    %swap3A_10 = arith.constant 0 : index
    %swap3A_11 = vector.load %arg3[%swap3A, %swap3A_10] : memref<2000x128xf32, #tpu.memory_space<vmem>>, vector<2000x128xf32>
    tpu.vector_store %arg3[%swap3A, %swap3A_10], %max3A_9 {strides = array<i32>} : memref<2000x128xf32, #tpu.memory_space<vmem>>, vector<2000x128xf32>,
    return
  }
  func.func @transform_0(%arg0: i32) -> (i32, i32) {
    %c0_i32 = arith.constant 0 : i32
    %c0_i32_0 = arith.constant 0 : i32
    return %arg0, %c0_i32 : i32, i32
  }
  func.func @transform_1(%arg0: i32) -> (i32, i32) {
    %c0_i32 = arith.constant 0 : i32
    %c0_i32_0 = arith.constant 0 : i32
    return %arg0, %c0_i32 : i32, i32
  }
  func.func @transform_2(%arg0: i32) -> (i32, i32) {
    %c0_i32 = arith.constant 0 : i32
    %c0_i32_0 = arith.constant 0 : i32
    return %arg0, %c0_i32 : i32, i32
  }
}

</mosaic_0001>

<sc_bundles>
// kernel: kernel.11.cloned.1.call-start
scs
__scs_entry_jumppad:
0x0: {  	(pc) =	sbr.rel $0x88, $3  }
0x1: {  	(tag) =	ssettag $0x0;
	lr =	simm.s32 $0x1  }
0x2: {  	[smem:$0x3F9B] =	sst lr;
	_ =	strace $0xD0000000  }
0x3: {  	_ = 	snop  }
0x4: {  	_ = 	snop  }
0x5: {  	_ = 	snop  }
0x6: {  	_ = 	snop  }
0x7: {  	_ = 	snop  }
__scs_overlays_trampoline_lowered:
0x8: {  	[smem:$0x3FAA] =	sst s0  }
0x9: {  	[smem:$0x3FAB] =	sst s1  }
0xa: {  	[smem:$0x3FAC] =	sst s2  }
0xb: {  	[smem:$0x3FAD] =	sst s3  }
0xc: {  	[smem:$0x3FAE] =	sst s4  }
0xd: {  	[smem:$0x3FAF] =	sst s5  }
0xe: {  	[smem:$0x3FB0] =	sst s6  }
0xf: {  	[smem:$0x3FB1] =	sst s7  }
0x10: {  	[smem:$0x3FB2] =	sst s8  }
0x11: {  	[smem:$0x3FB3] =	sst s9;
	s0 =	simm.s32 @!p0 $0x0  }
0x12: {  	s1 =	sld [smem:$0x3F99];
	s0 =	simm.s32 @p0 $0x1  }
0x13: {  	[smem:$0x3FB4] =	sst s0;
	s0 =	simm.s32 @!p1 $0x0  }
0x14: {  	s2 =	sld [smem:$0x3F98];
	s0 =	simm.s32 @p1 $0x1  }
0x15: {  	[smem:$0x3FB5] =	sst s0;
	s0 =	simm.s32 @!p2 $0x0  }
0x16: {  	s3 =	sld [smem:$0x3FDB];
	s0 =	simm.s32 @p2 $0x1  }
0x17: {  	s4 =	simm.s32 $0x1BF5;
	[smem:$0x3FB7] =	sst s0  }
0x18: {  	s0 =	sld [smem:$0x3F9A];
	_ =	swait.ge [sflag:s4], $0x0  }
0x19: {  	s7 =	sld [smem:$0x3F9B]  }
0x1a: {  	s8 =	sadd.s32 $0xFFFFE003, lr  }
0x1b: {  	s9 =	sadd.s32 $0xFFFFFEF7, lr;
	s5 =	simm.s32 $0xFFFFFFFF;
	p2 =	slt.u32 s8, $0xFFFFF086  }
0x1c: {  	p1 =	slt.u32 s9, $0xF7A;
	s5 =	simm.s32 @!p2 $0x0  }
0x1d: {  	s5 =	simm.s32 @p1 $0x1;
	p0 =	seq.s32 s7, s2  }
0x1e: {  	s7 =	smul.u32 @!p0 $0xF7A, s2;
	p2 =	seq.s32 @!p0 s5, $0x0  }
0x1f: {  	s9 =	smul.u32 $0xF7A, s1;
	s8 =	simm.s32 @!p0 $0x1BF5;
	p2 =	por !p2, p0  }
0x20: {  	[sflag:s8] =	ssyncset.s32 @!p0 $0xFFFFF086;
	s6 =	sadd.s32 @!p0 s3, s7;
	s7 =	simm.s32 @!p0 $0x108  }
0x21: {  	s3 =	sadd.s32 s3, s9;
	s6 =	sadd.s32 @!p0 $0x88, s6;
	s7 =	simm.s32 @p2 $0x1082  }
0x22: {  	[simem:s7], [sflag:s8] =	dma.local @!p0 [hbm:s6], $0xF7A  }
0x23: {  	s9 =	sor.u32 $0xD0000000, s2;
	s6 =	simm.s32 $0x108;
	_ =	swait.ge @!p0 [sflag:s8], $0x0  }
0x24: {  	s3 =	sadd.s32 $0x88, s3;
	s6 =	simm.s32 @!p1 $0x1082;
	[sflag:s4] =	ssyncset.s32 $0xFFFFF086  }
0x25: {  	[simem:s6], [sflag:s4] =	dma.local [hbm:s3], $0xF7A  }
0x26: {  	[smem:$0x3F9B] =	sst s1;
	(tag) =	ssettag s2;
	_ =	strace s9  }
0x27: {  	s1 =	sld [smem:$0x3FAB]  }
0x28: {  	s2 =	sld [smem:$0x3FAC]  }
0x29: {  	s4 =	sld [smem:$0x3FAE]  }
0x2a: {  	p0 =	seq.s32 s5, $0x0;
	s5 =	sld [smem:$0x3FAF]  }
0x2b: {  	s6 =	sld [smem:$0x3FB0]  }
0x2c: {  	s7 =	sld [smem:$0x3FB1]  }
0x2d: {  	s3 =	simm.s32 $0x108;
	s8 =	sld [smem:$0x3FB2]  }
0x2e: {  	s3 =	simm.s32 @!p0 $0x1082;
	s9 =	sld [smem:$0x3FB3]  }
0x2f: {  	lr =	sadd.s32 s0, s3;
	s0 =	sld [smem:$0x3FAA]  }
0x30: {  	s3 =	sld [smem:$0x3FAD]  }
0x31: {  	[smem:$0x3FB6] =	sst s10  }
0x32: {  	s10 =	sld [smem:$0x3FB4];
	_ =	sdelay $0x3  }
0x33: {  	p0 =	seq.s32 s10, $0x1;
	s10 =	sld [smem:$0x3FB6];
	_ =	sdelay $0x3  }
0x34: {  	[smem:$0x3FB6] =	sst s10  }
0x35: {  	s10 =	sld [smem:$0x3FB5];
	_ =	sdelay $0x3  }
0x36: {  	p1 =	seq.s32 s10, $0x1;
	s10 =	sld [smem:$0x3FB6];
	_ =	sdelay $0x3  }
0x37: {  	[smem:$0x3FB6] =	sst s10  }
0x38: {  	s10 =	sld [smem:$0x3FB7]  }
0x39: {  	_ = 	snop;
	(pc) =	sbr.ind lr, $3  }
0x3a: {  	_ = 	snop  }
0x3b: {  	_ = 	snop  }
0x3c: {  	p2 =	seq.s32 s10, $0x1;
	s10 =	sld [smem:$0x3FB6]  }
0x3d: {  	_ =	shalt  }
0x3e: {  	_ =	shalt  }
0x3f: {  	_ =	shalt  }
0x40: {  	_ =	shalt  }
0x41: {  	_ =	shalt  }
0x42: {  	_ =	shalt  }
0x43: {  	_ =	shalt  }
0x44: {  	_ =	shalt  }
0x45: {  	_ =	shalt  }
0x46: {  	_ =	shalt  }
0x47: {  	_ =	shalt  }
0x48: {  	_ =	shalt  }
0x49: {  	_ =	shalt  }
0x4a: {  	_ =	shalt  }
0x4b: {  	_ =	shalt  }
0x4c: {  	_ =	shalt  }
0x4d: {  	_ =	shalt  }
0x4e: {  	_ =	shalt  }
0x4f: {  	_ =	shalt  }
0x50: {  	_ =	shalt  }
0x51: {  	_ =	shalt  }
0x52: {  	_ =	shalt  }
0x53: {  	_ =	shalt  }
0x54: {  	_ =	shalt  }
0x55: {  	_ =	shalt  }
0x56: {  	_ =	shalt  }
0x57: {  	_ =	shalt  }
0x58: {  	_ =	shalt  }
0x59: {  	_ =	shalt  }
0x5a: {  	_ =	shalt  }
0x5b: {  	_ =	shalt  }
0x5c: {  	_ =	shalt  }
0x5d: {  	_ =	shalt  }
0x5e: {  	_ =	shalt  }
0x5f: {  	_ =	shalt  }
0x60: {  	_ =	shalt  }
0x61: {  	_ =	shalt  }
0x62: {  	_ =	shalt  }
0x63: {  	_ =	shalt  }
0x64: {  	_ =	shalt  }
0x65: {  	_ =	shalt  }
0x66: {  	_ =	shalt  }
0x67: {  	_ =	shalt  }
0x68: {  	_ =	shalt  }
0x69: {  	_ =	shalt  }
0x6a: {  	_ =	shalt  }
0x6b: {  	_ =	shalt  }
0x6c: {  	_ =	shalt  }
0x6d: {  	_ =	shalt  }
0x6e: {  	_ =	shalt  }
0x6f: {  	_ =	shalt  }
0x70: {  	_ =	shalt  }
0x71: {  	_ =	shalt  }
0x72: {  	_ =	shalt  }
0x73: {  	_ =	shalt  }
0x74: {  	_ =	shalt  }
0x75: {  	_ =	shalt  }
0x76: {  	_ =	shalt  }
0x77: {  	_ =	shalt  }
0x78: {  	_ =	shalt  }
0x79: {  	_ =	shalt  }
0x7a: {  	_ =	shalt  }
0x7b: {  	_ =	shalt  }
0x7c: {  	_ =	shalt  }
0x7d: {  	_ =	shalt  }
0x7e: {  	_ =	shalt  }
0x7f: {  	_ =	shalt  }
0x80: {  	_ =	shalt  }
0x81: {  	_ =	shalt  }
0x82: {  	_ =	shalt  }
0x83: {  	_ =	shalt  }
0x84: {  	_ =	shalt  }
0x85: {  	_ =	shalt  }
0x86: {  	_ =	shalt  }
0x87: {  	_ =	shalt  }
.Lfunc_end0:
.L_simem_size_0:
called_computation.1_lowered:
.L_overlay_start_0:
0x88: {  	s2 =	sld [smem:$0x3FD9]  }
0x89: {  	s3 =	sld [smem:$0x3FFE];
	_ =	sdelay $0x1  }
0x8a: {  	s1 =	srdreg.scid  }
0x8b: {  	s0 =	sand.u32 $0x1, s1  }
0x8c: {  	s14 =	sshll.u32 s0, $0xA;
	s2 =	sadd.s32 s3, s2  }
0x8d: {  	s2 =	sadd.s32 s2, s14  }
0x8e: {  	[smem:$0x3FC2] =	sst s2  }
0x8f: {  	_ = 	snop  }
0x90: {  	s2 =	sld [smem:$0x3FD0];
	_ =	sdelay $0x2  }
0x91: {  	s15 =	simm.s32 $0xA;
	s4 =	simm.s32 $0x10  }
0x92: {  	[smem:s4], [sflag:s15] =	dma.local [hbm:s2], $0x1  }
0x93: {  	_ =	swait.eq [sflag:s15], $0x1  }
0x94: {  	[sflag:s15] =	ssyncset.done $0x0  }
0x95: {  	s16 =	sld [smem:$0x10];
	[sflag:s15] =	ssyncadd.s32 $0xFFFFFFFF  }
0x96: {  	s17 =	sld [smem:$0x11];
	(tm) =	ssettm $0x1  }
0x97: {  	s18 =	sld [smem:$0x3FFB];
	_ =	sdelay $0x3  }
0x98: {  	_ =	strace s18  }
0x99: {  	s4 =	sld [smem:$0x3FFC];
	_ =	sdelay $0x3  }
0x9a: {  	_ =	strace s4  }
0x9b: {  	s4 =	sld [smem:$0x3FFD];
	_ =	sdelay $0x3  }
0x9c: {  	_ =	strace s4  }
0x9d: {  	_ =	strace $0x8FFFFFFF  }
0x9e: {  	s19 =	sld [smem:$0x3FDB];
	_ =	sdelay $0x1  }
0x9f: {  	s5 =	simm.s32 $_scs_section_size  }
0xa0: {  	s6 =	simm.s32 $_size__tile_overlayer_lowered;
	s7 =	simm.s32 $_tile_overlayer_lowered  }
0xa1: {  	s22 =	simm.s32 $0x1BFF;
	s21 =	sshll.u32 s7, $0x1;
	s4 =	sadd.s32 s5, s19  }
0xa2: {  	s8 =	simm.s32 $0x0;
	s20 =	sshll.u32 s6, $0x1;
	s6 =	sadd.s32 s21, s4  }
0xa3: {  	[timem:s8], [sflag:s22] =	dma.local [hbm:s6], s20  }
0xa4: {  	_ =	swait.ge [sflag:s22], s20  }
0xa5: {  	s5 =	ssub.s32 $0x0, s20;
	[sflag:s22] =	ssyncset.done $0x0  }
0xa6: {  	[sflag:s22] =	ssyncadd.s32 s5;
	_ =	sdelay $0x1  }
0xa7: {  	s23 =	simm.s32 $0x1B8B  }
0xa8: {  	_ =	swait.ge [sflag:s23], $0x1  }
0xa9: {  	[sflag:s23] =	ssyncset.done $0x0  }
0xaa: {  	s25 =	simm.s32 $0x1B8E;
	s24 =	sld [smem:$0x3FFE];
	[sflag:s23] =	ssyncadd.s32 $0xFFFFFFFF  }
0xab: {  	s26 =	simm.s32 $execute0_lowered;
	[smem:$0x3FD2] =	sst s25  }
0xac: {  	s6 =	sshll.u32 s26, $0x1;
	_ =	strace $0x80000049;
	[dreg:$0x1] =	wrdreg $0xFFFFFFFF  }
0xad: {  	s28 =	simm.s32 $_size_execute0_lowered;
	s4 =	sadd.s32 s4, s6;
	[dreg:$0x0] =	wrdreg $0x0  }
0xae: {  	s6 =	sshll.u32 s28, $0x1;
	[dreg:$0x2] =	wrdreg s4  }
0xaf: {  	[dreg:$0x3] =	wrdreg s6  }
0xb0: {  	[dreg:$0x4] =	wrdreg $0xC0  }
0xb1: {  	_ =	task [dreg:s8], $0x5FFFF  }
0xb2: {  	[dreg:$0x1] =	wrdreg $0xFFFFFFFF  }
0xb3: {  	[dreg:$0x0] =	wrdreg $0x60  }
0xb4: {  	[dreg:$0x2] =	wrdreg s24  }
0xb5: {  	[dreg:$0x3] =	wrdreg s17  }
0xb6: {  	[dreg:$0x4] =	wrdreg s16  }
0xb7: {  	[dreg:$0x5] =	wrdreg $0xA8000  }
0xb8: {  	[dreg:$0x6] =	wrdreg $0x9  }
0xb9: {  	_ =	task.clear_ibuf [dreg:s8], $0x7FFFF;
	_ =	strace $0x90000049  }
0xba: {  	s29 =	simm.s32 $0x9;
	_ =	strace $0x8000004B  }
0xbb: {  	_ =	swait.ge [sflag:s29], $0x1  }
0xbc: {  	[sflag:s29] =	ssyncadd.s32 $0xFFFFFFFF  }
0xbd: {  	_ =	strace $0x9000004B  }
0xbe: {  	_ =	sfence  }
0xbf: {  	s30 =	sld [smem:$0x0];
	_ =	sdelay $0x2  }
0xc0: {  	s31 =	sshll.u32 s1, $0xD;
	s1 =	sshrl.u32 s1, $0x2  }
0xc1: {  	s3 =	sand.u32 $0x4000, s31;
	s1 =	sadd.s32 s1, s30  }
0xc2: {  	s0 =	sor.u32 s3, s0;
	s1 =	sshll.u32 s1, $0x11  }
0xc3: {  	s0 =	sor.u32 s1, s0  }
0xc4: {  	s0 =	sadd.s32 $0x8F2B, s0  }
0xc5: {  	[sflag:s0] =	ssyncadd.remote.s32 $0x1  }
0xc6: {  	_ =	sfence.sel $0xFFFF  }
0xc7: {  	[dreg:$0x0] =	wrdreg $0xFFFFFFFF;
	(pc) =	sbr.abs _section_cstart, $3  }
0xc8: {  	[dreg:$0x1] =	wrdreg $0xFFFFFFFF  }
0xc9: {  	_ =	task.clear_ibuf [dreg:s8], $0x2FFFF;
	_ =	strace $0x9FFFFFFF  }
0xca: {  	(tm) =	ssettm $0x7FFFFFFF  }
0xcb: {  	_ =	shalt  }
tec
execute0_lowered:
.L_overlay_start_1:
0x0: {  	(tag) =	ssettag $0x1  }
0x1: {  	s0 =	rddreg [dreg:$0x0]  }
0x2: {  	s4 =	rddreg [dreg:$0x3];
	s1 =	simm.s32 $0x0  }
0x3: {  	s14 =	stileid.u32;
	s2 =	srdreg.scid;
	s21 =	simm.s32 $0x2800  }
0x4: {  	s22 =	simm.s32 $0x3;
	s28 =	simm.s32 $0x1;
	s29 =	simm.s32 $0x80  }
0x5: {  	s30 =	simm.s32 $0x6800;
	s31 =	simm.s32 $0xC0;
	[smem:$0x7FF] =	sst s1  }
0x6: {  	s6 =	sadd.s32 $0x2B200, s0;
	s23 =	smul.u32 $0x278, s14;
	s7 =	sadd.s32 $0x52800, s0  }
0x7: {  	s8 =	sadd.s32 $0x20000, s0;
	s9 =	sadd.s32 $0xC000, s0;
	s2 =	sand.u32 $0x1, s2  }
0x8: {  	s10 =	sadd.s32 $0x16000, s0;
	s11 =	sadd.s32 $0x2000, s0;
	s0 =	sadd.s32 $0x79E00, s0  }
0x9: {  	s18 =	smul.u32 $0x5000, s14;
	_ =	strace $0x8000004A;
	s5 =	ssub.s32 $0x2, s2  }
0xa: {  	[dreg:$0x5] =	wrdreg s0;
	p0 =	sne.s32 s2, $0x0;
	s0 =	simm.s32 $0x8800  }
0xb: {  	s2 =	simm.s32 $0x2780;
	s3 =	smin.u32 s23, $0x24D8;
	s13 =	sshrl.u32 s5, $0x1  }
0xc: {  	s1 =	smin.u32 s23, $0x2498;
	s23 =	simm.s32 $0x1400;
	s3 =	sshll.u32 s3, $0x7  }
0xd: {  	s24 =	ssub.s32 s5, s13;
	s26 =	sshll.u32 s1, $0x7;
	s19 =	sshll.u32 s1, $0x4  }
.Ltmp0:
0xe: {  	s1 =	simm.s32 $0x2;
	s5 =	simm.s32 $0x0;
	(pc) =	sbr.rel .LBB2_1-.Ltmp0, $4  }
0xf: {  	s12 =	sadd.s32 s3, s4;
	s20 =	smax.u32 s24, $0x1;
	s24 =	simm.s32 $0x40  }
0x10: {  	s3 =	sadd.s32 $0x4000, s12;
	s25 =	sadd.s32 $0x8000, s12;
	s16 =	sadd.s32 $0xC000, s12  }
0x11: {  	s17 =	sadd.s32 $0xFC00, s12;
	[dreg:$0x6] =	wrdreg s3;
	s3 =	sadd.s32 s26, s4  }
0x12: {  	[dreg:$0x7] =	wrdreg s25;
	s26 =	simm.s32 $0x4800;
	s25 =	sshrl.u32 s3, $0x3  }
.LBB2_10:
0x13: {  	s13 =	stileid.u32;
	s5 =	sadd.s32 $0x1, s5  }
0x14: {  	s3 =	sadd.s32 s3, s19;
	s13 =	sshll.u32 s13, $0x6;
	p1 =	sne.s32 s5, s20  }
.Ltmp1:
0x15: {  	[bflag:$0x0] =	sbarrier.arrive $0xFFFF;
	s13 =	sor.u32 $0x1C03, s13;
	(pc) =	sbr.rel @!p1 .LBB2_11-.Ltmp1, $4  }
0x16: {  	[hbm:s3], [sflag:s13] =	dma.local [spmem:s25], $0x2780  }
0x17: {  	_ =	swait.ge [sflag:s22], $0x2780  }
0x18: {  	[sflag:s22] =	ssyncset.done $0x0  }
0x19: {  	[sflag:s22] =	ssyncadd.s32 $0xFFFFD880  }
.LBB2_1:
0x1a: {  	s3 =	simm.s32 $0x0;
	s13 =	rddreg [dreg:$0x5]  }
0x1b: {  	[tilespmem:s21], [sflag:$0x3] =	stream.linear.gather [hbm4b:s13+s3], $0x4000, $0x38;
	[tilespmem:$0x1E280] =	vst v63  }
0x1c: {  	_ =	swait.ge [sflag:s22], $0x4000  }
0x1d: {  	[sflag:s22] =	ssyncset.done $0x0  }
0x1e: {  	[sflag:s22] =	ssyncadd.s32 $0xFFFFC000  }
0x1f: {  	[spmem:s12] =	stream.linear.scatter [tilespmem:s21], [sflag:$0x3], $0x4000, $0x38;
	[tilespmem:$0x1E280] =	vst v63  }
0x20: {  	_ =	swait.ge [sflag:s22], $0x4000  }
0x21: {  	[sflag:s22] =	ssyncset.done $0x0  }
0x22: {  	s14 =	rddreg [dreg:$0x6];
	[sflag:s22] =	ssyncadd.s32 $0xFFFFC000  }
0x23: {  	[spmem:s14] =	stream.linear.scatter [tilespmem:s21], [sflag:$0x3], $0x4000, $0x38;
	[tilespmem:$0x1E280] =	vst v63  }
0x24: {  	_ =	swait.ge [sflag:s22], $0x4000  }
0x25: {  	[sflag:s22] =	ssyncset.done $0x0  }
0x26: {  	s15 =	rddreg [dreg:$0x7];
	[sflag:s22] =	ssyncadd.s32 $0xFFFFC000  }
0x27: {  	[spmem:s15] =	stream.linear.scatter [tilespmem:s21], [sflag:$0x3], $0x4000, $0x38;
	[tilespmem:$0x1E280] =	vst v63  }
0x28: {  	_ =	swait.ge [sflag:s22], $0x4000  }
0x29: {  	[sflag:s22] =	ssyncset.done $0x0  }
0x2a: {  	[sflag:s22] =	ssyncadd.s32 $0xFFFFC000  }
0x2b: {  	[spmem:s16] =	stream.linear.scatter [tilespmem:s21], [sflag:$0x3], $0x4000, $0x38;
	[tilespmem:$0x1E280] =	vst v63  }
0x2c: {  	_ =	swait.ge [sflag:s22], $0x4000  }
0x2d: {  	[sflag:s22] =	ssyncset.done $0x0  }
0x2e: {  	[sflag:s22] =	ssyncadd.s32 $0xFFFFC000  }
0x2f: {  	[spmem:s17] =	stream.linear.scatter [tilespmem:s21], [sflag:$0x3], $0x4000, $0x38;
	[tilespmem:$0x1E280] =	vst v63  }
.Ltmp2:
0x30: {  	_ =	swait.ge [sflag:s22], $0x4000;
	(pc) =	sbr.rel @p0 .LBB2_6-.Ltmp2, $4  }
0x31: {  	[sflag:s22] =	ssyncset.done $0x0  }
0x32: {  	[sflag:s22] =	ssyncadd.s32 $0xFFFFC000  }
0x33: {  	[bflag:$0x0] =	sbarrier.arrive $0xFFFF  }
0x34: {  	s3 =	simm.s32 $0x0;
	s13 =	simm.s32 $0x0  }
.LBB2_2:
0x35: {  	s13 =	smul.u32 $0x1400, s3;
	_ =	sdelay $0x1  }
0x36: {  	s13 =	sadd.s32 s18, s13  }
0x37: {  	s13 =	sshrl.u32 s13, $0x3  }
0x38: {  	s15 =	simm.s32 $0x0;
	s14 =	sadd.s32 s8, s13  }
0x39: {  	[tilespmem:s15], [sflag:$0x3] =	stream.linear.gather [hbm4b:s14+s15], $0x1400, $0x38;
	[tilespmem:$0x1E280] =	vst v63  }
0x3a: {  	_ =	swait.ge [sflag:s22], $0x1400  }
0x3b: {  	[sflag:s22] =	ssyncset.done $0x0  }
0x3c: {  	s13 =	sadd.s32 s9, s13;
	[sflag:s22] =	ssyncadd.s32 $0xFFFFEC00  }
0x3d: {  	[tilespmem:s23], [sflag:$0x3] =	stream.linear.gather [hbm4b:s13+s15], $0x1400, $0x38;
	[tilespmem:$0x1E280] =	vst v63  }
0x3e: {  	_ =	swait.ge [sflag:s22], $0x1400  }
0x3f: {  	[sflag:s22] =	ssyncset.done $0x0  }
0x40: {  	[sflag:s22] =	ssyncadd.s32 $0xFFFFEC00  }
0x41: {  	[tilespmem:s21], [sflag:$0x1] =	stream.indirect.gather [hbm4b:s6+s24], $0x80, s15, s24, $0xb8;
	[tilespmem:$0x1E280] =	vst v63  }
0x42: {  	_ = 	snop  }
0x43: {  	[tilespmem:s26], [sflag:$0x1] =	stream.indirect.gather [hbm4b:s6+s24], $0x80, s24, s24, $0xb8;
	[tilespmem:$0x1E280] =	vst v63  }
0x44: {  	_ =	swait.ge [sflag:s28], $0x2000  }
0x45: {  	[sflag:s28] =	ssyncset.done $0x0  }
0x46: {  	[sflag:s28] =	ssyncadd.s32 $0xFFFFE000  }
0x47: {  	_ =	swait.ge [sflag:s28], $0x2000  }
0x48: {  	[sflag:s28] =	ssyncset.done $0x0  }
0x49: {  	[sflag:s28] =	ssyncadd.s32 $0xFFFFE000  }
0x4a: {  	[spmem:s4] =	stream.indirect.scatter.add.f32 [tilespmem:s21], [sflag:$0x2], $0x80, s23, s29, $0xb8;
	[tilespmem:$0x1E280] =	vst v63  }
0x4b: {  	_ = 	snop  }
0x4c: {  	[tilespmem:s30], [sflag:$0x1] =	stream.indirect.gather [hbm4b:s6+s24], $0x80, s29, s24, $0xb8;
	[tilespmem:$0x1E280] =	vst v63  }
0x4d: {  	_ = 	snop  }
0x4e: {  	[tilespmem:s0], [sflag:$0x1] =	stream.indirect.gather [hbm4b:s6+s24], $0x80, s31, s24, $0xb8;
	[tilespmem:$0x1E280] =	vst v63  }
0x4f: {  	_ =	swait.ge [sflag:s28], $0x2000  }
0x50: {  	[sflag:s28] =	ssyncset.done $0x0  }
0x51: {  	[sflag:s28] =	ssyncadd.s32 $0xFFFFE000  }
0x52: {  	_ =	swait.ge [sflag:s28], $0x2000  }
0x53: {  	[sflag:s28] =	ssyncset.done $0x0  }
0x54: {  	s15 =	simm.s32 $0x1480;
	[sflag:s28] =	ssyncadd.s32 $0xFFFFE000  }
0x55: {  	[spmem:s4] =	stream.indirect.scatter.add.f32 [tilespmem:s30], [sflag:$0x2], $0x80, s15, s29, $0xb8;
	[tilespmem:$0x1E280] =	vst v63  }
0x56: {  	_ =	swait.ge [sflag:s1], $0x4000  }
0x57: {  	[sflag:s1] =	ssyncset.done $0x0  }
0x58: {  	s14 =	simm.s32 $0x100;
	[sflag:s1] =	ssyncadd.s32 $0xFFFFC000  }
0x59: {  	[tilespmem:s21], [sflag:$0x1] =	stream.indirect.gather [hbm4b:s6+s24], $0x80, s14, s24, $0xb8;
	[tilespmem:$0x1E280] =	vst v63  }
0x5a: {  	s15 =	simm.s32 $0x140  }
0x5b: {  	[tilespmem:s26], [sflag:$0x1] =	stream.indirect.gather [hbm4b:s6+s24], $0x80, s15, s24, $0xb8;
	[tilespmem:$0x1E280] =	vst v63  }
0x5c: {  	_ =	swait.ge [sflag:s28], $0x2000  }
0x5d: {  	[sflag:s28] =	ssyncset.done $0x0  }
0x5e: {  	[sflag:s28] =	ssyncadd.s32 $0xFFFFE000  }
0x5f: {  	_ =	swait.ge [sflag:s28], $0x2000  }
0x60: {  	[sflag:s28] =	ssyncset.done $0x0  }
0x61: {  	s14 =	simm.s32 $0x1500;
	[sflag:s28] =	ssyncadd.s32 $0xFFFFE000  }
0x62: {  	[spmem:s4] =	stream.indirect.scatter.add.f32 [tilespmem:s21], [sflag:$0x2], $0x80, s14, s29, $0xb8;
	[tilespmem:$0x1E280] =	vst v63  }
0x63: {  	_ =	swait.ge [sflag:s1], $0x4000  }
0x64: {  	s13 =	simm.s32 $0x400;
	[sflag:s1] =	ssyncset.done $0x0  }
0x65: {  	s15 =	simm.s32 $0x180;
	s14 =	simm.s32 $0x1C0;
	[sflag:s1] =	ssyncadd.s32 $0xFFFFC000  }
0x66: {  	[tilespmem:s30], [sflag:$0x1] =	stream.indirect.gather [hbm4b:s6+s24], $0x80, s15, s24, $0xb8;
	[tilespmem:$0x1E280] =	vst v63  }
.LBB2_3:
0x67: {  	[tilespmem:s0], [sflag:$0x1] =	stream.indirect.gather [hbm4b:s6+s24], $0x80, s14, s24, $0xb8;
	[tilespmem:$0x1E280] =	vst v63  }
0x68: {  	s14 =	smov.u32 s13  }
0x69: {  	p1 =	sne.s32 s13, $0x4800;
	s13 =	sadd.s32 $0x400, s13;
	_ =	swait.ge [sflag:s28], $0x2000  }
0x6a: {  	[sflag:s28] =	ssyncset.done $0x0  }
0x6b: {  	[sflag:s28] =	ssyncadd.s32 $0xFFFFE000  }
0x6c: {  	_ =	swait.ge [sflag:s28], $0x2000  }
0x6d: {  	s14 =	sshra.s32 s14, $0x2;
	[sflag:s28] =	ssyncset.done $0x0  }
0x6e: {  	s15 =	sadd.s32 $0x1480, s14;
	[sflag:s28] =	ssyncadd.s32 $0xFFFFE000  }
0x6f: {  	[spmem:s4] =	stream.indirect.scatter.add.f32 [tilespmem:s30], [sflag:$0x2], $0x80, s15, s29, $0xb8;
	[tilespmem:$0x1E280] =	vst v63  }
0x70: {  	_ =	swait.ge [sflag:s1], $0x4000  }
0x71: {  	[sflag:s1] =	ssyncset.done $0x0  }
0x72: {  	s15 =	sadd.s32 $0x100, s14;
	[sflag:s1] =	ssyncadd.s32 $0xFFFFC000  }
0x73: {  	[tilespmem:s21], [sflag:$0x1] =	stream.indirect.gather [hbm4b:s6+s24], $0x80, s15, s24, $0xb8;
	[tilespmem:$0x1E280] =	vst v63  }
0x74: {  	s15 =	sadd.s32 $0x140, s14  }
0x75: {  	[tilespmem:s26], [sflag:$0x1] =	stream.indirect.gather [hbm4b:s6+s24], $0x80, s15, s24, $0xb8;
	[tilespmem:$0x1E280] =	vst v63  }
0x76: {  	_ =	swait.ge [sflag:s28], $0x2000  }
0x77: {  	[sflag:s28] =	ssyncset.done $0x0  }
0x78: {  	[sflag:s28] =	ssyncadd.s32 $0xFFFFE000  }
0x79: {  	_ =	swait.ge [sflag:s28], $0x2000  }
0x7a: {  	[sflag:s28] =	ssyncset.done $0x0  }
0x7b: {  	s15 =	sadd.s32 $0x1500, s14;
	[sflag:s28] =	ssyncadd.s32 $0xFFFFE000  }
0x7c: {  	[spmem:s4] =	stream.indirect.scatter.add.f32 [tilespmem:s21], [sflag:$0x2], $0x80, s15, s29, $0xb8;
	[tilespmem:$0x1E280] =	vst v63  }
.Ltmp3:
0x7d: {  	_ =	swait.ge [sflag:s1], $0x4000;
	(pc) =	sbr.rel @p1 .LBB2_3-.Ltmp3, $4  }
0x7e: {  	[sflag:s1] =	ssyncset.done $0x0  }
0x7f: {  	s15 =	sadd.s32 $0x180, s14;
	[sflag:s1] =	ssyncadd.s32 $0xFFFFC000  }
0x80: {  	[tilespmem:s30], [sflag:$0x1] =	stream.indirect.gather [hbm4b:s6+s24], $0x80, s15, s24, $0xb8;
	[tilespmem:$0x1E280] =	vst v63  }
0x81: {  	s14 =	sadd.s32 $0x1C0, s14  }
0x82: {  	[tilespmem:s0], [sflag:$0x1] =	stream.indirect.gather [hbm4b:s6+s24], $0x80, s14, s24, $0xb8;
	[tilespmem:$0x1E280] =	vst v63  }
0x83: {  	_ =	swait.ge [sflag:s28], $0x2000  }
0x84: {  	[sflag:s28] =	ssyncset.done $0x0  }
0x85: {  	[sflag:s28] =	ssyncadd.s32 $0xFFFFE000  }
0x86: {  	_ =	swait.ge [sflag:s28], $0x2000  }
0x87: {  	[sflag:s28] =	ssyncset.done $0x0  }
0x88: {  	s3 =	sadd.s32 $0x1, s3;
	[sflag:s28] =	ssyncadd.s32 $0xFFFFE000  }
0x89: {  	[spmem:s4] =	stream.indirect.scatter.add.f32 [tilespmem:s30], [sflag:$0x2], $0x80, s2, s29, $0xb8;
	[tilespmem:$0x1E280] =	vst v63  }
0x8a: {  	p1 =	seq.s32 s3, $0x4;
	_ =	swait.ge [sflag:s1], $0x4000  }
.Ltmp4:
0x8b: {  	[sflag:s1] =	ssyncset.done $0x0;
	(pc) =	sbr.rel @!p1 .LBB2_2-.Ltmp4, $4  }
0x8c: {  	[sflag:s1] =	ssyncadd.s32 $0xFFFFC000  }
0x8d: {  	_ =	swait.ge [sflag:s1], $0x4000  }
0x8e: {  	[sflag:s1] =	ssyncset.done $0x0  }
0x8f: {  	[sflag:s1] =	ssyncadd.s32 $0xFFFFC000  }
.Ltmp5:
0x90: {  	(pc) =	sbr.rel .LBB2_10-.Ltmp5, $2  }
0x91: {  	_ =	sdelay $0x2  }
0x92: {  	s3 =	rddreg [dreg:$0x1]  }
.LBB2_6:
0x93: {  	s3 =	smul.u32 $0x1400, s13;
	_ =	sdelay $0x1  }
0x94: {  	s3 =	sadd.s32 s18, s3  }
0x95: {  	s3 =	sshrl.u32 s3, $0x3  }
0x96: {  	s15 =	simm.s32 $0x0;
	s14 =	sadd.s32 s10, s3  }
0x97: {  	[tilespmem:s15], [sflag:$0x3] =	stream.linear.gather [hbm4b:s14+s15], $0x1400, $0x38;
	[tilespmem:$0x1E280] =	vst v63  }
0x98: {  	_ =	swait.ge [sflag:s22], $0x1400  }
0x99: {  	[sflag:s22] =	ssyncset.done $0x0  }
0x9a: {  	s3 =	sadd.s32 s11, s3;
	[sflag:s22] =	ssyncadd.s32 $0xFFFFEC00  }
0x9b: {  	[tilespmem:s23], [sflag:$0x3] =	stream.linear.gather [hbm4b:s3+s15], $0x1400, $0x38;
	[tilespmem:$0x1E280] =	vst v63  }
0x9c: {  	_ =	swait.ge [sflag:s22], $0x1400  }
0x9d: {  	[sflag:s22] =	ssyncset.done $0x0  }
0x9e: {  	[sflag:s22] =	ssyncadd.s32 $0xFFFFEC00  }
0x9f: {  	[tilespmem:s21], [sflag:$0x1] =	stream.indirect.gather [hbm4b:s7+s24], $0x80, s15, s24, $0xb8;
	[tilespmem:$0x1E280] =	vst v63  }
0xa0: {  	_ = 	snop  }
0xa1: {  	[tilespmem:s26], [sflag:$0x1] =	stream.indirect.gather [hbm4b:s7+s24], $0x80, s24, s24, $0xb8;
	[tilespmem:$0x1E280] =	vst v63  }
0xa2: {  	_ =	swait.ge [sflag:s28], $0x2000  }
0xa3: {  	[sflag:s28] =	ssyncset.done $0x0  }
0xa4: {  	[sflag:s28] =	ssyncadd.s32 $0xFFFFE000  }
0xa5: {  	_ =	swait.ge [sflag:s28], $0x2000  }
0xa6: {  	[sflag:s28] =	ssyncset.done $0x0  }
0xa7: {  	[sflag:s28] =	ssyncadd.s32 $0xFFFFE000  }
0xa8: {  	[spmem:s4] =	stream.indirect.scatter.add.f32 [tilespmem:s21], [sflag:$0x2], $0x80, s23, s29, $0xb8;
	[tilespmem:$0x1E280] =	vst v63  }
0xa9: {  	_ = 	snop  }
0xaa: {  	[tilespmem:s30], [sflag:$0x1] =	stream.indirect.gather [hbm4b:s7+s24], $0x80, s29, s24, $0xb8;
	[tilespmem:$0x1E280] =	vst v63  }
0xab: {  	_ = 	snop  }
0xac: {  	[tilespmem:s0], [sflag:$0x1] =	stream.indirect.gather [hbm4b:s7+s24], $0x80, s31, s24, $0xb8;
	[tilespmem:$0x1E280] =	vst v63  }
0xad: {  	_ =	swait.ge [sflag:s28], $0x2000  }
0xae: {  	[sflag:s28] =	ssyncset.done $0x0  }
0xaf: {  	[sflag:s28] =	ssyncadd.s32 $0xFFFFE000  }
0xb0: {  	_ =	swait.ge [sflag:s28], $0x2000  }
0xb1: {  	[sflag:s28] =	ssyncset.done $0x0  }
0xb2: {  	s15 =	simm.s32 $0x1480;
	[sflag:s28] =	ssyncadd.s32 $0xFFFFE000  }
0xb3: {  	[spmem:s4] =	stream.indirect.scatter.add.f32 [tilespmem:s30], [sflag:$0x2], $0x80, s15, s29, $0xb8;
	[tilespmem:$0x1E280] =	vst v63  }
0xb4: {  	_ =	swait.ge [sflag:s1], $0x4000  }
0xb5: {  	[sflag:s1] =	ssyncset.done $0x0  }
0xb6: {  	s14 =	simm.s32 $0x100;
	[sflag:s1] =	ssyncadd.s32 $0xFFFFC000  }
0xb7: {  	[tilespmem:s21], [sflag:$0x1] =	stream.indirect.gather [hbm4b:s7+s24], $0x80, s14, s24, $0xb8;
	[tilespmem:$0x1E280] =	vst v63  }
0xb8: {  	s15 =	simm.s32 $0x140  }
0xb9: {  	[tilespmem:s26], [sflag:$0x1] =	stream.indirect.gather [hbm4b:s7+s24], $0x80, s15, s24, $0xb8;
	[tilespmem:$0x1E280] =	vst v63  }
0xba: {  	_ =	swait.ge [sflag:s28], $0x2000  }
0xbb: {  	[sflag:s28] =	ssyncset.done $0x0  }
0xbc: {  	[sflag:s28] =	ssyncadd.s32 $0xFFFFE000  }
0xbd: {  	_ =	swait.ge [sflag:s28], $0x2000  }
0xbe: {  	[sflag:s28] =	ssyncset.done $0x0  }
0xbf: {  	s14 =	simm.s32 $0x1500;
	[sflag:s28] =	ssyncadd.s32 $0xFFFFE000  }
0xc0: {  	[spmem:s4] =	stream.indirect.scatter.add.f32 [tilespmem:s21], [sflag:$0x2], $0x80, s14, s29, $0xb8;
	[tilespmem:$0x1E280] =	vst v63  }
0xc1: {  	_ =	swait.ge [sflag:s1], $0x4000  }
0xc2: {  	s3 =	simm.s32 $0x400;
	[sflag:s1] =	ssyncset.done $0x0  }
0xc3: {  	s15 =	simm.s32 $0x180;
	s14 =	simm.s32 $0x1C0;
	[sflag:s1] =	ssyncadd.s32 $0xFFFFC000  }
0xc4: {  	[tilespmem:s30], [sflag:$0x1] =	stream.indirect.gather [hbm4b:s7+s24], $0x80, s15, s24, $0xb8;
	[tilespmem:$0x1E280] =	vst v63  }
.LBB2_7:
0xc5: {  	[tilespmem:s0], [sflag:$0x1] =	stream.indirect.gather [hbm4b:s7+s24], $0x80, s14, s24, $0xb8;
	[tilespmem:$0x1E280] =	vst v63  }
0xc6: {  	s14 =	smov.u32 s3  }
0xc7: {  	p1 =	sne.s32 s3, $0x4800;
	s3 =	sadd.s32 $0x400, s3;
	_ =	swait.ge [sflag:s28], $0x2000  }
0xc8: {  	[sflag:s28] =	ssyncset.done $0x0  }
0xc9: {  	[sflag:s28] =	ssyncadd.s32 $0xFFFFE000  }
0xca: {  	_ =	swait.ge [sflag:s28], $0x2000  }
0xcb: {  	s14 =	sshra.s32 s14, $0x2;
	[sflag:s28] =	ssyncset.done $0x0  }
0xcc: {  	s15 =	sadd.s32 $0x1480, s14;
	[sflag:s28] =	ssyncadd.s32 $0xFFFFE000  }
0xcd: {  	[spmem:s4] =	stream.indirect.scatter.add.f32 [tilespmem:s30], [sflag:$0x2], $0x80, s15, s29, $0xb8;
	[tilespmem:$0x1E280] =	vst v63  }
0xce: {  	_ =	swait.ge [sflag:s1], $0x4000  }
0xcf: {  	[sflag:s1] =	ssyncset.done $0x0  }
0xd0: {  	s15 =	sadd.s32 $0x100, s14;
	[sflag:s1] =	ssyncadd.s32 $0xFFFFC000  }
0xd1: {  	[tilespmem:s21], [sflag:$0x1] =	stream.indirect.gather [hbm4b:s7+s24], $0x80, s15, s24, $0xb8;
	[tilespmem:$0x1E280] =	vst v63  }
0xd2: {  	s15 =	sadd.s32 $0x140, s14  }
0xd3: {  	[tilespmem:s26], [sflag:$0x1] =	stream.indirect.gather [hbm4b:s7+s24], $0x80, s15, s24, $0xb8;
	[tilespmem:$0x1E280] =	vst v63  }
0xd4: {  	_ =	swait.ge [sflag:s28], $0x2000  }
0xd5: {  	[sflag:s28] =	ssyncset.done $0x0  }
0xd6: {  	[sflag:s28] =	ssyncadd.s32 $0xFFFFE000  }
0xd7: {  	_ =	swait.ge [sflag:s28], $0x2000  }
0xd8: {  	[sflag:s28] =	ssyncset.done $0x0  }
0xd9: {  	s15 =	sadd.s32 $0x1500, s14;
	[sflag:s28] =	ssyncadd.s32 $0xFFFFE000  }
0xda: {  	[spmem:s4] =	stream.indirect.scatter.add.f32 [tilespmem:s21], [sflag:$0x2], $0x80, s15, s29, $0xb8;
	[tilespmem:$0x1E280] =	vst v63  }
.Ltmp6:
0xdb: {  	_ =	swait.ge [sflag:s1], $0x4000;
	(pc) =	sbr.rel @p1 .LBB2_7-.Ltmp6, $4  }
0xdc: {  	[sflag:s1] =	ssyncset.done $0x0  }
0xdd: {  	s15 =	sadd.s32 $0x180, s14;
	[sflag:s1] =	ssyncadd.s32 $0xFFFFC000  }
0xde: {  	[tilespmem:s30], [sflag:$0x1] =	stream.indirect.gather [hbm4b:s7+s24], $0x80, s15, s24, $0xb8;
	[tilespmem:$0x1E280] =	vst v63  }
0xdf: {  	s14 =	sadd.s32 $0x1C0, s14  }
0xe0: {  	[tilespmem:s0], [sflag:$0x1] =	stream.indirect.gather [hbm4b:s7+s24], $0x80, s14, s24, $0xb8;
	[tilespmem:$0x1E280] =	vst v63  }
0xe1: {  	_ =	swait.ge [sflag:s28], $0x2000  }
0xe2: {  	[sflag:s28] =	ssyncset.done $0x0  }
0xe3: {  	[sflag:s28] =	ssyncadd.s32 $0xFFFFE000  }
0xe4: {  	_ =	swait.ge [sflag:s28], $0x2000  }
0xe5: {  	[sflag:s28] =	ssyncset.done $0x0  }
0xe6: {  	s13 =	sadd.s32 $0x1, s13;
	[sflag:s28] =	ssyncadd.s32 $0xFFFFE000  }
0xe7: {  	[spmem:s4] =	stream.indirect.scatter.add.f32 [tilespmem:s30], [sflag:$0x2], $0x80, s2, s29, $0xb8;
	[tilespmem:$0x1E280] =	vst v63  }
0xe8: {  	p1 =	sne.s32 s13, $0x4;
	_ =	swait.ge [sflag:s1], $0x4000  }
.Ltmp7:
0xe9: {  	[sflag:s1] =	ssyncset.done $0x0;
	(pc) =	sbr.rel @p1 .LBB2_6-.Ltmp7, $4  }
0xea: {  	[sflag:s1] =	ssyncadd.s32 $0xFFFFC000  }
0xeb: {  	_ =	swait.ge [sflag:s1], $0x4000  }
0xec: {  	[sflag:s1] =	ssyncset.done $0x0  }
0xed: {  	[sflag:s1] =	ssyncadd.s32 $0xFFFFC000  }
.Ltmp8:
0xee: {  	(pc) =	sbr.rel .LBB2_10-.Ltmp8, $2  }
0xef: {  	_ =	sdelay $0x2  }
0xf0: {  	s3 =	rddreg [dreg:$0x2]  }
.LBB2_11:
0xf1: {  	_ =	sfence.sel $0x180000  }
0xf2: {  	[bflag:$0x0] =	sbarrier.arrive $0xFFFF  }
0xf3: {  	_ =	strace $0x9000004A  }
0xf4: {  	s0 =	stileid.u32;
	[bflag:$0x2] =	sbarrier.arrive $0xFFFF  }
0xf5: {  	p0 =	sne.s32 s0, $0x0;
	s0 =	rddreg [dreg:$0x4]  }
0xf6: {  	s0 =	sadd.s32 @!p0 $0x100000, s0  }
0xf7: {  	[sflag:s0] =	ssyncadd.tile.s32 @!p0 $0x1;
	_ =	shalt  }
.Lfunc_end2:
_tile_overlayer_lowered:
.L_overlay_start_2:
0xf8: {  	(tag) =	ssettag $0x2  }
0xf9: {  	s0 =	rddreg [dreg:$0x0];
	s2 =	stileid.u32  }
0xfa: {  	s1 =	rddreg [dreg:$0x1];
	p0 =	sne.s32 s2, $0x0  }
0xfb: {  	s3 =	rddreg [dreg:$0x2];
	[bflag:$0x3] =	sbarrier.arrive $0xFFFF;
	s2 =	simm.s32 @!p0 $0x1C03  }
0xfc: {  	[timem:s3], [sflag:s2] =	dma.local @!p0 [hbm:s0], s1  }
0xfd: {  	s0 =	simm.s32 @!p0 $0x3  }
0xfe: {  	_ =	swait.ge @!p0 [sflag:s0], s1  }
0xff: {  	s1 =	ssub.s32 @!p0 $0x0, s1;
	[sflag:s0] =	ssyncset.done @!p0 $0x0  }
0x100: {  	[sflag:s0] =	ssyncadd.s32 @!p0 s1  }
0x101: {  	[bflag:$0x3] =	sbarrier.arrive $0xFFFF  }
0x102: {  	_ =	shalt  }

// kernel: kernel.8.cloned.1.call-start
scs
__scs_entry_jumppad:
0x0: {  	(pc) =	sbr.rel $0x88, $3  }
0x1: {  	(tag) =	ssettag $0x0;
	lr =	simm.s32 $0x1  }
0x2: {  	[smem:$0x3F9B] =	sst lr;
	_ =	strace $0xD0000000  }
0x3: {  	_ = 	snop  }
0x4: {  	_ = 	snop  }
0x5: {  	_ = 	snop  }
0x6: {  	_ = 	snop  }
0x7: {  	_ = 	snop  }
__scs_overlays_trampoline_lowered:
0x8: {  	[smem:$0x3FAA] =	sst s0  }
0x9: {  	[smem:$0x3FAB] =	sst s1  }
0xa: {  	[smem:$0x3FAC] =	sst s2  }
0xb: {  	[smem:$0x3FAD] =	sst s3  }
0xc: {  	[smem:$0x3FAE] =	sst s4  }
0xd: {  	[smem:$0x3FAF] =	sst s5  }
0xe: {  	[smem:$0x3FB0] =	sst s6  }
0xf: {  	[smem:$0x3FB1] =	sst s7  }
0x10: {  	[smem:$0x3FB2] =	sst s8  }
0x11: {  	[smem:$0x3FB3] =	sst s9;
	s0 =	simm.s32 @!p0 $0x0  }
0x12: {  	s1 =	sld [smem:$0x3F99];
	s0 =	simm.s32 @p0 $0x1  }
0x13: {  	[smem:$0x3FB4] =	sst s0;
	s0 =	simm.s32 @!p1 $0x0  }
0x14: {  	s2 =	sld [smem:$0x3F98];
	s0 =	simm.s32 @p1 $0x1  }
0x15: {  	[smem:$0x3FB5] =	sst s0;
	s0 =	simm.s32 @!p2 $0x0  }
0x16: {  	s3 =	sld [smem:$0x3FDB];
	s0 =	simm.s32 @p2 $0x1  }
0x17: {  	s4 =	simm.s32 $0x1BF5;
	[smem:$0x3FB7] =	sst s0  }
0x18: {  	s0 =	sld [smem:$0x3F9A];
	_ =	swait.ge [sflag:s4], $0x0  }
0x19: {  	s7 =	sld [smem:$0x3F9B]  }
0x1a: {  	s8 =	sadd.s32 $0xFFFFE003, lr  }
0x1b: {  	s9 =	sadd.s32 $0xFFFFFEF7, lr;
	s5 =	simm.s32 $0xFFFFFFFF;
	p2 =	slt.u32 s8, $0xFFFFF086  }
0x1c: {  	p1 =	slt.u32 s9, $0xF7A;
	s5 =	simm.s32 @!p2 $0x0  }
0x1d: {  	s5 =	simm.s32 @p1 $0x1;
	p0 =	seq.s32 s7, s2  }
0x1e: {  	s7 =	smul.u32 @!p0 $0xF7A, s2;
	p2 =	seq.s32 @!p0 s5, $0x0  }
0x1f: {  	s9 =	smul.u32 $0xF7A, s1;
	s8 =	simm.s32 @!p0 $0x1BF5;
	p2 =	por !p2, p0  }
0x20: {  	[sflag:s8] =	ssyncset.s32 @!p0 $0xFFFFF086;
	s6 =	sadd.s32 @!p0 s3, s7;
	s7 =	simm.s32 @!p0 $0x108  }
0x21: {  	s3 =	sadd.s32 s3, s9;
	s6 =	sadd.s32 @!p0 $0x88, s6;
	s7 =	simm.s32 @p2 $0x1082  }
0x22: {  	[simem:s7], [sflag:s8] =	dma.local @!p0 [hbm:s6], $0xF7A  }
0x23: {  	s9 =	sor.u32 $0xD0000000, s2;
	s6 =	simm.s32 $0x108;
	_ =	swait.ge @!p0 [sflag:s8], $0x0  }
0x24: {  	s3 =	sadd.s32 $0x88, s3;
	s6 =	simm.s32 @!p1 $0x1082;
	[sflag:s4] =	ssyncset.s32 $0xFFFFF086  }
0x25: {  	[simem:s6], [sflag:s4] =	dma.local [hbm:s3], $0xF7A  }
0x26: {  	[smem:$0x3F9B] =	sst s1;
	(tag) =	ssettag s2;
	_ =	strace s9  }
0x27: {  	s1 =	sld [smem:$0x3FAB]  }
0x28: {  	s2 =	sld [smem:$0x3FAC]  }
0x29: {  	s4 =	sld [smem:$0x3FAE]  }
0x2a: {  	p0 =	seq.s32 s5, $0x0;
	s5 =	sld [smem:$0x3FAF]  }
0x2b: {  	s6 =	sld [smem:$0x3FB0]  }
0x2c: {  	s7 =	sld [smem:$0x3FB1]  }
0x2d: {  	s3 =	simm.s32 $0x108;
	s8 =	sld [smem:$0x3FB2]  }
0x2e: {  	s3 =	simm.s32 @!p0 $0x1082;
	s9 =	sld [smem:$0x3FB3]  }
0x2f: {  	lr =	sadd.s32 s0, s3;
	s0 =	sld [smem:$0x3FAA]  }
0x30: {  	s3 =	sld [smem:$0x3FAD]  }
0x31: {  	[smem:$0x3FB6] =	sst s10  }
0x32: {  	s10 =	sld [smem:$0x3FB4];
	_ =	sdelay $0x3  }
0x33: {  	p0 =	seq.s32 s10, $0x1;
	s10 =	sld [smem:$0x3FB6];
	_ =	sdelay $0x3  }
0x34: {  	[smem:$0x3FB6] =	sst s10  }
0x35: {  	s10 =	sld [smem:$0x3FB5];
	_ =	sdelay $0x3  }
0x36: {  	p1 =	seq.s32 s10, $0x1;
	s10 =	sld [smem:$0x3FB6];
	_ =	sdelay $0x3  }
0x37: {  	[smem:$0x3FB6] =	sst s10  }
0x38: {  	s10 =	sld [smem:$0x3FB7]  }
0x39: {  	_ = 	snop;
	(pc) =	sbr.ind lr, $3  }
0x3a: {  	_ = 	snop  }
0x3b: {  	_ = 	snop  }
0x3c: {  	p2 =	seq.s32 s10, $0x1;
	s10 =	sld [smem:$0x3FB6]  }
0x3d: {  	_ =	shalt  }
0x3e: {  	_ =	shalt  }
0x3f: {  	_ =	shalt  }
0x40: {  	_ =	shalt  }
0x41: {  	_ =	shalt  }
0x42: {  	_ =	shalt  }
0x43: {  	_ =	shalt  }
0x44: {  	_ =	shalt  }
0x45: {  	_ =	shalt  }
0x46: {  	_ =	shalt  }
0x47: {  	_ =	shalt  }
0x48: {  	_ =	shalt  }
0x49: {  	_ =	shalt  }
0x4a: {  	_ =	shalt  }
0x4b: {  	_ =	shalt  }
0x4c: {  	_ =	shalt  }
0x4d: {  	_ =	shalt  }
0x4e: {  	_ =	shalt  }
0x4f: {  	_ =	shalt  }
0x50: {  	_ =	shalt  }
0x51: {  	_ =	shalt  }
0x52: {  	_ =	shalt  }
0x53: {  	_ =	shalt  }
0x54: {  	_ =	shalt  }
0x55: {  	_ =	shalt  }
0x56: {  	_ =	shalt  }
0x57: {  	_ =	shalt  }
0x58: {  	_ =	shalt  }
0x59: {  	_ =	shalt  }
0x5a: {  	_ =	shalt  }
0x5b: {  	_ =	shalt  }
0x5c: {  	_ =	shalt  }
0x5d: {  	_ =	shalt  }
0x5e: {  	_ =	shalt  }
0x5f: {  	_ =	shalt  }
0x60: {  	_ =	shalt  }
0x61: {  	_ =	shalt  }
0x62: {  	_ =	shalt  }
0x63: {  	_ =	shalt  }
0x64: {  	_ =	shalt  }
0x65: {  	_ =	shalt  }
0x66: {  	_ =	shalt  }
0x67: {  	_ =	shalt  }
0x68: {  	_ =	shalt  }
0x69: {  	_ =	shalt  }
0x6a: {  	_ =	shalt  }
0x6b: {  	_ =	shalt  }
0x6c: {  	_ =	shalt  }
0x6d: {  	_ =	shalt  }
0x6e: {  	_ =	shalt  }
0x6f: {  	_ =	shalt  }
0x70: {  	_ =	shalt  }
0x71: {  	_ =	shalt  }
0x72: {  	_ =	shalt  }
0x73: {  	_ =	shalt  }
0x74: {  	_ =	shalt  }
0x75: {  	_ =	shalt  }
0x76: {  	_ =	shalt  }
0x77: {  	_ =	shalt  }
0x78: {  	_ =	shalt  }
0x79: {  	_ =	shalt  }
0x7a: {  	_ =	shalt  }
0x7b: {  	_ =	shalt  }
0x7c: {  	_ =	shalt  }
0x7d: {  	_ =	shalt  }
0x7e: {  	_ =	shalt  }
0x7f: {  	_ =	shalt  }
0x80: {  	_ =	shalt  }
0x81: {  	_ =	shalt  }
0x82: {  	_ =	shalt  }
0x83: {  	_ =	shalt  }
0x84: {  	_ =	shalt  }
0x85: {  	_ =	shalt  }
0x86: {  	_ =	shalt  }
0x87: {  	_ =	shalt  }
.Lfunc_end0:
.L_simem_size_0:
called_computation_lowered:
.L_overlay_start_0:
0x88: {  	s2 =	sld [smem:$0x3FD9]  }
0x89: {  	s3 =	sld [smem:$0x3FFE];
	_ =	sdelay $0x1  }
0x8a: {  	s1 =	srdreg.scid  }
0x8b: {  	s0 =	sand.u32 $0x1, s1  }
0x8c: {  	s14 =	sshll.u32 s0, $0xA;
	s2 =	sadd.s32 s3, s2  }
0x8d: {  	s2 =	sadd.s32 s2, s14  }
0x8e: {  	[smem:$0x3FC2] =	sst s2  }
0x8f: {  	_ = 	snop  }
0x90: {  	s2 =	sld [smem:$0x3FD0];
	_ =	sdelay $0x2  }
0x91: {  	s15 =	simm.s32 $0xA;
	s4 =	simm.s32 $0x10  }
0x92: {  	[smem:s4], [sflag:s15] =	dma.local [hbm:s2], $0x1  }
0x93: {  	_ =	swait.eq [sflag:s15], $0x1  }
0x94: {  	[sflag:s15] =	ssyncset.done $0x0  }
0x95: {  	s16 =	sld [smem:$0x10];
	[sflag:s15] =	ssyncadd.s32 $0xFFFFFFFF  }
0x96: {  	s17 =	sld [smem:$0x11];
	(tm) =	ssettm $0x1  }
0x97: {  	s18 =	sld [smem:$0x3FFB];
	_ =	sdelay $0x3  }
0x98: {  	_ =	strace s18  }
0x99: {  	s4 =	sld [smem:$0x3FFC];
	_ =	sdelay $0x3  }
0x9a: {  	_ =	strace s4  }
0x9b: {  	s4 =	sld [smem:$0x3FFD];
	_ =	sdelay $0x3  }
0x9c: {  	_ =	strace s4  }
0x9d: {  	_ =	strace $0x8FFFFFFF  }
0x9e: {  	s19 =	sld [smem:$0x3FDB];
	_ =	sdelay $0x1  }
0x9f: {  	s5 =	simm.s32 $_scs_section_size  }
0xa0: {  	s6 =	simm.s32 $_size__tile_overlayer_lowered;
	s7 =	simm.s32 $_tile_overlayer_lowered  }
0xa1: {  	s22 =	simm.s32 $0x1BFF;
	s21 =	sshll.u32 s7, $0x1;
	s4 =	sadd.s32 s5, s19  }
0xa2: {  	s8 =	simm.s32 $0x0;
	s20 =	sshll.u32 s6, $0x1;
	s6 =	sadd.s32 s21, s4  }
0xa3: {  	[timem:s8], [sflag:s22] =	dma.local [hbm:s6], s20  }
0xa4: {  	_ =	swait.ge [sflag:s22], s20  }
0xa5: {  	s5 =	ssub.s32 $0x0, s20;
	[sflag:s22] =	ssyncset.done $0x0  }
0xa6: {  	[sflag:s22] =	ssyncadd.s32 s5;
	_ =	sdelay $0x1  }
0xa7: {  	s23 =	simm.s32 $0x1B8B  }
0xa8: {  	_ =	swait.ge [sflag:s23], $0x1  }
0xa9: {  	[sflag:s23] =	ssyncset.done $0x0  }
0xaa: {  	s25 =	simm.s32 $0x1B8E;
	s24 =	sld [smem:$0x3FFE];
	[sflag:s23] =	ssyncadd.s32 $0xFFFFFFFF  }
0xab: {  	s26 =	simm.s32 $execute0_lowered;
	[smem:$0x3FD2] =	sst s25  }
0xac: {  	s6 =	sshll.u32 s26, $0x1;
	_ =	strace $0x80000046;
	[dreg:$0x1] =	wrdreg $0xFFFFFFFF  }
0xad: {  	s28 =	simm.s32 $_size_execute0_lowered;
	s4 =	sadd.s32 s4, s6;
	[dreg:$0x0] =	wrdreg $0x0  }
0xae: {  	s6 =	sshll.u32 s28, $0x1;
	[dreg:$0x2] =	wrdreg s4  }
0xaf: {  	[dreg:$0x3] =	wrdreg s6  }
0xb0: {  	[dreg:$0x4] =	wrdreg $0xC0  }
0xb1: {  	_ =	task [dreg:s8], $0x5FFFF  }
0xb2: {  	[dreg:$0x1] =	wrdreg $0xFFFFFFFF  }
0xb3: {  	[dreg:$0x0] =	wrdreg $0x60  }
0xb4: {  	[dreg:$0x2] =	wrdreg s24  }
0xb5: {  	[dreg:$0x3] =	wrdreg s17  }
0xb6: {  	[dreg:$0x4] =	wrdreg s16  }
0xb7: {  	[dreg:$0x5] =	wrdreg $0xA0800  }
0xb8: {  	[dreg:$0x6] =	wrdreg $0xA2F80  }
0xb9: {  	[dreg:$0x7] =	wrdreg $0x9  }
0xba: {  	_ =	task.clear_ibuf [dreg:s8], $0x8FFFF;
	_ =	strace $0x90000046  }
0xbb: {  	s29 =	simm.s32 $0x9;
	_ =	strace $0x80000048  }
0xbc: {  	_ =	swait.ge [sflag:s29], $0x1  }
0xbd: {  	[sflag:s29] =	ssyncadd.s32 $0xFFFFFFFF  }
0xbe: {  	_ =	strace $0x90000048  }
0xbf: {  	_ =	sfence  }
0xc0: {  	s30 =	sld [smem:$0x0];
	_ =	sdelay $0x2  }
0xc1: {  	s31 =	sshll.u32 s1, $0xD;
	s1 =	sshrl.u32 s1, $0x2  }
0xc2: {  	s3 =	sand.u32 $0x4000, s31;
	s1 =	sadd.s32 s1, s30  }
0xc3: {  	s0 =	sor.u32 s3, s0;
	s1 =	sshll.u32 s1, $0x11  }
0xc4: {  	s0 =	sor.u32 s1, s0  }
0xc5: {  	s0 =	sadd.s32 $0x8F2B, s0  }
0xc6: {  	[sflag:s0] =	ssyncadd.remote.s32 $0x1  }
0xc7: {  	_ =	sfence.sel $0xFFFF  }
0xc8: {  	[dreg:$0x0] =	wrdreg $0xFFFFFFFF;
	(pc) =	sbr.abs _section_cstart, $3  }
0xc9: {  	[dreg:$0x1] =	wrdreg $0xFFFFFFFF  }
0xca: {  	_ =	task.clear_ibuf [dreg:s8], $0x2FFFF;
	_ =	strace $0x9FFFFFFF  }
0xcb: {  	(tm) =	ssettm $0x7FFFFFFF  }
tec
execute0_lowered:
.L_overlay_start_1:
0x0: {  	(tag) =	ssettag $0x1  }
0x1: {  	s9 =	rddreg [dreg:$0x0]  }
0x2: {  	s1 =	rddreg [dreg:$0x1]  }
0x3: {  	s2 =	rddreg [dreg:$0x2]  }
0x4: {  	s4 =	rddreg [dreg:$0x3]  }
0x5: {  	s5 =	rddreg [dreg:$0x4]  }
0x6: {  	s0 =	rddreg [dreg:$0x5];
	s3 =	stileid.u32  }
0x7: {  	s6 =	simm.s32 $0x0;
	s8 =	srdreg.scid;
	s16 =	simm.s32 $0x1C42  }
0x8: {  	s17 =	simm.s32 $0x2;
	s19 =	simm.s32 $0x80;
	s21 =	simm.s32 $0x1  }
0x9: {  	s23 =	simm.s32 $0x1C02;
	s24 =	simm.s32 $0x0;
	s7 =	smul.u32 $0xA00, s3  }
0xa: {  	[smem:$0x7FF] =	sst s6;
	s18 =	sand.u32 $0x1, s8;
	s8 =	sadd.s32 $0x2A000, s9  }
0xb: {  	p0 =	sne.s32 s3, $0x0;
	p2 =	seq.s32 s3, $0x0;
	p3 =	seq.s32 s3, $0x1  }
0xc: {  	_ =	strace $0x80000047;
	s10 =	ssub.s32 $0x2, s18;
	p1 =	seq.s32 s18, $0x1  }
0xd: {  	s20 =	sor.u32 s3, s18;
	p4 =	sne.s32 s18, $0x0;
	s18 =	simm.s32 $0x5000  }
0xe: {  	s13 =	sadd.s32 s7, s9;
	s7 =	sadd.s32 $0x2A600, s9;
	s11 =	sshrl.u32 s10, $0x1  }
0xf: {  	s9 =	sadd.s32 $0x2AC00, s9;
	p2 =	por !p2, !p1;
	p5 =	sne.s32 s20, $0x0  }
.Ltmp0:
0x10: {  	s20 =	simm.s32 $0xA000;
	s14 =	ssub.s32 s10, s11;
	(pc) =	sbr.rel .LBB2_1-.Ltmp0, $4  }
0x11: {  	s10 =	sadd.s32 $0x20000, s13;
	s11 =	sadd.s32 $0xC000, s13;
	p2 =	por !p2, !p2  }
0x12: {  	s12 =	sadd.s32 $0x16000, s13;
	s13 =	sadd.s32 $0x2000, s13;
	s15 =	simm.s32 @!p2 $0x0  }
0x13: {  	s22 =	sshll.u32 @!p5 s3, $0x6;
	s14 =	smax.u32 s14, $0x1;
	s15 =	simm.s32 @p2 $0x1  }
0x14: {  	v0 =	vimm.f32 $1.000000000e+00;
	s22 =	sor.u32 @!p5 $0x1C02, s22;
	[smem:$0x7FD] =	sst s15;
	s15 =	sshrl.u32 s5, $0x3  }
.LBB2_15:
0x15: {  	s25 =	sshll.u32 s3, $0x6  }
0x16: {  	s25 =	sor.u32 $0x1C02, s25  }
0x17: {  	[hbm:s7], [sflag:s25] =	dma.local [spmem:s15], $0x4F0  }
.LBB2_18:
0x18: {  	_ =	swait.ge [sflag:s17], $0x4F0  }
0x19: {  	[sflag:s17] =	ssyncset.done $0x0  }
0x1a: {  	[sflag:s17] =	ssyncadd.s32 $0xFFFFFB10  }
.LBB2_19:
0x1b: {  	p2 =	por !p6, !p1  }
0x1c: {  	p2 =	por !p2, !p2  }
0x1d: {  	s24 =	sadd.s32 $0x1, s24;
	s25 =	sshll.u32 @p2 s3, $0x6  }
0x1e: {  	p6 =	sne.s32 s24, s14;
	s26 =	sshrl.u32 @p2 s5, $0x3;
	s25 =	sor.u32 @p2 $0x1C02, s25  }
0x1f: {  	[hbm:s9], [sflag:s25] =	dma.local @p2 [spmem:s26], $0x4F0  }
.Ltmp1:
0x20: {  	_ = 	snop;
	(pc) =	sbr.rel @!p6 .LBB2_20-.Ltmp1, $4  }
0x21: {  	s25 =	simm.s32 @p2 $0x2  }
0x22: {  	_ =	swait.ge @p2 [sflag:s25], $0x4F0  }
0x23: {  	[sflag:s25] =	ssyncset.done @p2 $0x0  }
0x24: {  	[sflag:s25] =	ssyncadd.s32 @p2 $0xFFFFFB10  }
.LBB2_1:
0x25: {  	[tilespmem:$0xA000] =	vst v0  }
0x26: {  	[tilespmem:$0xA010] =	vst v0  }
0x27: {  	[tilespmem:$0xA020] =	vst v0  }
.Ltmp2:
0x28: {  	[tilespmem:$0xA030] =	vst v0;
	(pc) =	sbr.rel @p3 .LBB2_4-.Ltmp2, $4  }
0x29: {  	[tilespmem:$0xA040] =	vst v0  }
0x2a: {  	[tilespmem:$0xA050] =	vst v0  }
0x2b: {  	[tilespmem:$0xA060] =	vst v0  }
0x2c: {  	[tilespmem:$0xA070] =	vst v0  }
.Ltmp3:
0x2d: {  	(pc) =	sbr.rel @p0 .LBB2_6-.Ltmp3, $2  }
0x2e: {  	_ =	sdelay $0x2  }
0x2f: {  	p6 =	por $0x0, $0x0  }
.Ltmp4:
0x30: {  	(pc) =	sbr.rel .LBB2_5-.Ltmp4, $3  }
0x31: {  	_ =	sdelay $0x1  }
0x32: {  	s25 =	sshrl.u32 s4, $0x3  }
0x33: {  	[spmem:s25], [sflag:s23] =	dma.local [hbm:s1], $0x4F0  }
.LBB2_4:
0x34: {  	[spmem:s15], [sflag:s16] =	dma.local [hbm:s1], $0x4F0  }
.LBB2_5:
0x35: {  	_ =	swait.ge [sflag:s17], $0x4F0  }
0x36: {  	[sflag:s17] =	ssyncset.done $0x0  }
0x37: {  	p6 =	por p0, p0;
	[sflag:s17] =	ssyncadd.s32 $0xFFFFFB10  }
.LBB2_6:
.Ltmp5:
0x38: {  	(pc) =	sbr.rel @p4 .LBB2_10-.Ltmp5, $2  }
0x39: {  	_ =	sdelay $0x1  }
0x3a: {  	[bflag:$0x0] =	sbarrier.arrive $0xFFFF;
	_ =	sdelay $0x1  }
0x3b: {  	[tilespmem:s6], [sflag:$0x2] =	stream.linear.gather [hbm4b:s10+s6], $0x5000, $0x38;
	[tilespmem:$0xA570] =	vst v63  }
0x3c: {  	_ =	swait.ge [sflag:s17], $0x5000  }
0x3d: {  	[sflag:s17] =	ssyncset.done $0x0  }
0x3e: {  	[sflag:s17] =	ssyncadd.s32 $0xFFFFB000  }
0x3f: {  	[tilespmem:s18], [sflag:$0x2] =	stream.linear.gather [hbm4b:s11+s6], $0x5000, $0x38;
	[tilespmem:$0xA570] =	vst v63  }
0x40: {  	_ =	swait.ge [sflag:s17], $0x5000  }
0x41: {  	[sflag:s17] =	ssyncset.done $0x0  }
0x42: {  	[sflag:s17] =	ssyncadd.s32 $0xFFFFB000  }
0x43: {  	[spmem:s4] =	stream.indirect.scatter.add.f32 [tilespmem:s20], [sflag:$0x1], $0x1, s6, s19, $0xb8;
	[tilespmem:$0xA570] =	vst v63  }
0x44: {  	_ = 	snop  }
0x45: {  	[spmem:s5] =	stream.indirect.scatter.add.f32 [tilespmem:s20], [sflag:$0x1], $0x1, s18, s19, $0xb8;
	[tilespmem:$0xA570] =	vst v63  }
0x46: {  	s25 =	simm.s32 $0x80  }
0x47: {  	[spmem:s4] =	stream.indirect.scatter.add.f32 [tilespmem:s20], [sflag:$0x1], $0x1, s25, s19, $0xb8;
	[tilespmem:$0xA570] =	vst v63  }
0x48: {  	s31 =	simm.s32 $0x5080  }
0x49: {  	[spmem:s5] =	stream.indirect.scatter.add.f32 [tilespmem:s20], [sflag:$0x1], $0x1, s31, s19, $0xb8;
	[tilespmem:$0xA570] =	vst v63  }
0x4a: {  	_ =	swait.ge [sflag:s21], $0x80  }
0x4b: {  	[sflag:s21] =	ssyncset.done $0x0  }
0x4c: {  	[sflag:s21] =	ssyncadd.s32 $0xFFFFFF80  }
0x4d: {  	_ =	swait.ge [sflag:s21], $0x80  }
0x4e: {  	s26 =	simm.s32 $0x600;
	s25 =	simm.s32 $0x400;
	[sflag:s21] =	ssyncset.done $0x0  }
.LBB2_8:
0x4f: {  	s28 =	sshra.s32 s25, $0x2  }
0x50: {  	[sflag:s21] =	ssyncadd.s32 $0xFFFFFF80;
	s25 =	smov.u32 s26;
	s29 =	sadd.s32 $0x200, s26  }
0x51: {  	[spmem:s4] =	stream.indirect.scatter.add.f32 [tilespmem:s20], [sflag:$0x1], $0x1, s28, s19, $0xb8;
	[tilespmem:$0xA570] =	vst v63  }
0x52: {  	p2 =	sne.s32 s26, $0x13E00;
	s26 =	sadd.s32 $0x5000, s28  }
0x53: {  	[spmem:s5] =	stream.indirect.scatter.add.f32 [tilespmem:s20], [sflag:$0x1], $0x1, s26, s19, $0xb8;
	[tilespmem:$0xA570] =	vst v63  }
.Ltmp6:
0x54: {  	_ =	swait.ge [sflag:s21], $0x80;
	(pc) =	sbr.rel @p2 .LBB2_8-.Ltmp6, $4  }
0x55: {  	[sflag:s21] =	ssyncset.done $0x0  }
0x56: {  	[sflag:s21] =	ssyncadd.s32 $0xFFFFFF80  }
0x57: {  	_ =	swait.ge [sflag:s21], $0x80  }
0x58: {  	s26 =	smov.u32 s29;
	[sflag:s21] =	ssyncset.done $0x0  }
0x59: {  	s25 =	sshra.s32 s25, $0x2;
	[sflag:s21] =	ssyncadd.s32 $0xFFFFFF80  }
0x5a: {  	[spmem:s4] =	stream.indirect.scatter.add.f32 [tilespmem:s20], [sflag:$0x1], $0x1, s25, s19, $0xb8;
	[tilespmem:$0xA570] =	vst v63  }
0x5b: {  	s25 =	sadd.s32 $0x5000, s25  }
0x5c: {  	[spmem:s5] =	stream.indirect.scatter.add.f32 [tilespmem:s20], [sflag:$0x1], $0x1, s25, s19, $0xb8;
	[tilespmem:$0xA570] =	vst v63  }
0x5d: {  	_ =	swait.ge [sflag:s21], $0x80  }
0x5e: {  	[sflag:s21] =	ssyncset.done $0x0  }
0x5f: {  	[sflag:s21] =	ssyncadd.s32 $0xFFFFFF80  }
0x60: {  	_ =	swait.ge [sflag:s21], $0x80  }
0x61: {  	[sflag:s21] =	ssyncset.done $0x0  }
0x62: {  	[sflag:s21] =	ssyncadd.s32 $0xFFFFFF80  }
0x63: {  	_ =	swait.ge [sflag:s21], $0x80  }
0x64: {  	[sflag:s21] =	ssyncset.done $0x0  }
0x65: {  	[sflag:s21] =	ssyncadd.s32 $0xFFFFFF80  }
0x66: {  	_ =	swait.ge [sflag:s21], $0x80  }
0x67: {  	[sflag:s21] =	ssyncset.done $0x0  }
0x68: {  	[sflag:s21] =	ssyncadd.s32 $0xFFFFFF80  }
.LBB2_10:
.Ltmp7:
0x69: {  	(pc) =	sbr.rel @!p1 .LBB2_14-.Ltmp7, $1  }
0x6a: {  	_ =	sdelay $0x3  }
0x6b: {  	[tilespmem:s6], [sflag:$0x2] =	stream.linear.gather [hbm4b:s12+s6], $0x5000, $0x38;
	[tilespmem:$0xA570] =	vst v63  }
0x6c: {  	_ =	swait.ge [sflag:s17], $0x5000  }
0x6d: {  	[sflag:s17] =	ssyncset.done $0x0  }
0x6e: {  	[sflag:s17] =	ssyncadd.s32 $0xFFFFB000  }
0x6f: {  	[tilespmem:s18], [sflag:$0x2] =	stream.linear.gather [hbm4b:s13+s6], $0x5000, $0x38;
	[tilespmem:$0xA570] =	vst v63  }
0x70: {  	_ =	swait.ge [sflag:s17], $0x5000  }
0x71: {  	[sflag:s17] =	ssyncset.done $0x0  }
0x72: {  	[sflag:s17] =	ssyncadd.s32 $0xFFFFB000  }
0x73: {  	[spmem:s4] =	stream.indirect.scatter.add.f32 [tilespmem:s20], [sflag:$0x1], $0x1, s6, s19, $0xb8;
	[tilespmem:$0xA570] =	vst v63  }
0x74: {  	_ = 	snop  }
0x75: {  	[spmem:s5] =	stream.indirect.scatter.add.f32 [tilespmem:s20], [sflag:$0x1], $0x1, s18, s19, $0xb8;
	[tilespmem:$0xA570] =	vst v63  }
0x76: {  	s25 =	simm.s32 $0x80  }
0x77: {  	[spmem:s4] =	stream.indirect.scatter.add.f32 [tilespmem:s20], [sflag:$0x1], $0x1, s25, s19, $0xb8;
	[tilespmem:$0xA570] =	vst v63  }
0x78: {  	s31 =	simm.s32 $0x5080  }
0x79: {  	[spmem:s5] =	stream.indirect.scatter.add.f32 [tilespmem:s20], [sflag:$0x1], $0x1, s31, s19, $0xb8;
	[tilespmem:$0xA570] =	vst v63  }
0x7a: {  	_ =	swait.ge [sflag:s21], $0x80  }
0x7b: {  	[sflag:s21] =	ssyncset.done $0x0  }
0x7c: {  	[sflag:s21] =	ssyncadd.s32 $0xFFFFFF80  }
0x7d: {  	_ =	swait.ge [sflag:s21], $0x80  }
0x7e: {  	s26 =	simm.s32 $0x600;
	s25 =	simm.s32 $0x400;
	[sflag:s21] =	ssyncset.done $0x0  }
.LBB2_12:
0x7f: {  	s28 =	sshra.s32 s25, $0x2  }
0x80: {  	[sflag:s21] =	ssyncadd.s32 $0xFFFFFF80;
	s25 =	smov.u32 s26;
	s29 =	sadd.s32 $0x200, s26  }
0x81: {  	[spmem:s4] =	stream.indirect.scatter.add.f32 [tilespmem:s20], [sflag:$0x1], $0x1, s28, s19, $0xb8;
	[tilespmem:$0xA570] =	vst v63  }
0x82: {  	p2 =	sne.s32 s26, $0x13E00;
	s26 =	sadd.s32 $0x5000, s28  }
0x83: {  	[spmem:s5] =	stream.indirect.scatter.add.f32 [tilespmem:s20], [sflag:$0x1], $0x1, s26, s19, $0xb8;
	[tilespmem:$0xA570] =	vst v63  }
.Ltmp8:
0x84: {  	_ =	swait.ge [sflag:s21], $0x80;
	(pc) =	sbr.rel @p2 .LBB2_12-.Ltmp8, $4  }
0x85: {  	[sflag:s21] =	ssyncset.done $0x0  }
0x86: {  	[sflag:s21] =	ssyncadd.s32 $0xFFFFFF80  }
0x87: {  	_ =	swait.ge [sflag:s21], $0x80  }
0x88: {  	s26 =	smov.u32 s29;
	[sflag:s21] =	ssyncset.done $0x0  }
0x89: {  	s25 =	sshra.s32 s25, $0x2;
	[sflag:s21] =	ssyncadd.s32 $0xFFFFFF80  }
0x8a: {  	[spmem:s4] =	stream.indirect.scatter.add.f32 [tilespmem:s20], [sflag:$0x1], $0x1, s25, s19, $0xb8;
	[tilespmem:$0xA570] =	vst v63  }
0x8b: {  	s25 =	sadd.s32 $0x5000, s25  }
0x8c: {  	[spmem:s5] =	stream.indirect.scatter.add.f32 [tilespmem:s20], [sflag:$0x1], $0x1, s25, s19, $0xb8;
	[tilespmem:$0xA570] =	vst v63  }
0x8d: {  	_ =	swait.ge [sflag:s21], $0x80  }
0x8e: {  	[sflag:s21] =	ssyncset.done $0x0  }
0x8f: {  	[sflag:s21] =	ssyncadd.s32 $0xFFFFFF80  }
0x90: {  	_ =	swait.ge [sflag:s21], $0x80  }
0x91: {  	[sflag:s21] =	ssyncset.done $0x0  }
0x92: {  	[sflag:s21] =	ssyncadd.s32 $0xFFFFFF80  }
0x93: {  	_ =	swait.ge [sflag:s21], $0x80  }
0x94: {  	[sflag:s21] =	ssyncset.done $0x0  }
0x95: {  	[sflag:s21] =	ssyncadd.s32 $0xFFFFFF80  }
0x96: {  	_ =	swait.ge [sflag:s21], $0x80  }
0x97: {  	[sflag:s21] =	ssyncset.done $0x0  }
0x98: {  	[sflag:s21] =	ssyncadd.s32 $0xFFFFFF80  }
.LBB2_14:
0x99: {  	[bflag:$0x0] =	sbarrier.arrive $0xFFFF;
	s25 =	sshrl.u32 @!p5 s4, $0x3;
	p2 =	por !p6, !p6  }
0x9a: {  	[hbm:s2], [sflag:s22] =	dma.local @!p5 [spmem:s25], $0x4F0  }
0x9b: {  	p2 =	por p4, p2  }
.Ltmp9:
0x9c: {  	_ = 	snop;
	(pc) =	sbr.rel @!p2 .LBB2_15-.Ltmp9, $4  }
0x9d: {  	s25 =	simm.s32 @!p5 $0x2  }
0x9e: {  	_ =	swait.ge @!p5 [sflag:s25], $0x4F0  }
0x9f: {  	[sflag:s25] =	ssyncset.done @!p5 $0x0  }
0xa0: {  	[sflag:s25] =	ssyncadd.s32 @!p5 $0xFFFFFB10  }
0xa1: {  	s25 =	sld [smem:$0x7FD];
	_ =	sdelay $0x2  }
0xa2: {  	p2 =	seq.s32 s25, $0x1  }
.Ltmp10:
0xa3: {  	_ = 	snop;
	(pc) =	sbr.rel @!p2 .LBB2_19-.Ltmp10, $1  }
0xa4: {  	_ =	sdelay $0x3  }
.Ltmp11:
0xa5: {  	(pc) =	sbr.rel .LBB2_18-.Ltmp11, $3  }
0xa6: {  	_ =	sdelay $0x1  }
0xa7: {  	s25 =	sshrl.u32 s4, $0x3  }
0xa8: {  	[hbm:s8], [sflag:s23] =	dma.local [spmem:s25], $0x4F0  }
.LBB2_20:
0xa9: {  	_ =	sfence.sel $0x180000  }
0xaa: {  	[bflag:$0x0] =	sbarrier.arrive $0xFFFF  }
0xab: {  	p0 =	sne.s32 s3, $0x0;
	_ =	strace $0x90000047  }
0xac: {  	s0 =	sadd.s32 @!p0 $0x100000, s0;
	[bflag:$0x2] =	sbarrier.arrive $0xFFFF  }
0xad: {  	[sflag:s0] =	ssyncadd.tile.s32 @!p0 $0x1;
	_ =	shalt  }
.Lfunc_end2:
_tile_overlayer_lowered:
.L_overlay_start_2:
0xae: {  	(tag) =	ssettag $0x2  }
0xaf: {  	s0 =	rddreg [dreg:$0x0];
	s2 =	stileid.u32  }
0xb0: {  	s1 =	rddreg [dreg:$0x1];
	p0 =	sne.s32 s2, $0x0  }
0xb1: {  	s3 =	rddreg [dreg:$0x2];
	[bflag:$0x3] =	sbarrier.arrive $0xFFFF;
	s2 =	simm.s32 @!p0 $0x1C02  }
0xb2: {  	[timem:s3], [sflag:s2] =	dma.local @!p0 [hbm:s0], s1  }
0xb3: {  	s0 =	simm.s32 @!p0 $0x2  }
0xb4: {  	_ =	swait.ge @!p0 [sflag:s0], s1  }
0xb5: {  	s1 =	ssub.s32 @!p0 $0x0, s1;
	[sflag:s0] =	ssyncset.done @!p0 $0x0  }
0xb6: {  	[sflag:s0] =	ssyncadd.s32 @!p0 s1  }
0xb7: {  	[bflag:$0x3] =	sbarrier.arrive $0xFFFF  }
0xb8: {  	_ =	shalt  }

</sc_bundles>
